<compile_context>
chip_gen: v7x
topology: tpu7x:2x2x1
jax: 0.10.2.dev20260603
libtpu: 0.0.44.dev20260713+nightly
codegen_flags: <defaults>
</compile_context>

<pallas_src>
import jax
import jax.numpy as jnp
from jax import lax
from jax.experimental import pallas as pl
from jax.experimental.pallas import tpu as pltpu
from jax.experimental.pallas import tpu_sc as plsc

B, C, H, W = 64, 2, 256, 256
K = 128
HW = H * W
NW = 32
BPW = B // NW
PAIRS = BPW * K
ROWS = PAIRS // 128
WV = 64


def _body(feat_hbm, ind_hbm, mask_hbm, tgt_hbm, out_hbm, stage_hbm,
          ind_v, mask_v, tgt_v, rowidx_v, rows_v,
          part_v, all_v, out_v, sem0, sem1):
  wid = lax.axis_index("s") * 2 + lax.axis_index("c")
  feat2d = feat_hbm.reshape(B * C * H, W)

  b0 = wid * BPW
  pltpu.sync_copy(ind_hbm.at[pl.ds(b0, BPW)], ind_v)
  pltpu.sync_copy(mask_hbm.at[pl.ds(b0, BPW)], mask_v)
  pltpu.sync_copy(tgt_hbm.at[pl.ds(b0, BPW)], tgt_v)

  iota = lax.iota(jnp.int32, 16)
  zeros = iota * 0
  ones = zeros + 1

  NWAVE = PAIRS // WV

  def issue(g):
    buf = g % 2
    lb, off = g // 2, (g % 2) * WV
    rbase = (b0 + lb) * (2 * H)
    for j in range(WV // 16):
      raw = ind_v[lb, pl.ds(off + j * 16, 16)]
      h = jax.lax.shift_right_logical(raw, 8)
      rowidx_v[buf, 0, pl.ds(j * 16, 16)] = h + rbase
      rowidx_v[buf, 1, pl.ds(j * 16, 16)] = h + (rbase + H)
    sm = sem0 if buf == 0 else sem1
    return [
        pltpu.async_copy(feat2d.at[rowidx_v.at[buf, 0]], rows_v.at[buf, 0], sm),
        pltpu.async_copy(feat2d.at[rowidx_v.at[buf, 1]], rows_v.at[buf, 1], sm),
    ]

  acc_a = jnp.zeros(16, jnp.float32)
  acc_m = jnp.zeros(16, jnp.float32)
  pending = issue(0)
  for g in range(NWAVE):
    buf = g % 2
    lb, off = g // 2, (g % 2) * WV
    nxt = issue(g + 1) if g + 1 < NWAVE else []
    for cp in pending:
      cp.wait()
    pending = nxt
    for j in range(WV // 16):
      raw = ind_v[lb, pl.ds(off + j * 16, 16)]
      cols = jax.lax.bitwise_and(raw, 255)
      kidx = iota + j * 16
      kpos = iota + (off + j * 16)
      g0 = plsc.load_gather(rows_v.at[buf, 0], [kidx, cols])
      g1 = plsc.load_gather(rows_v.at[buf, 1], [kidx, cols])
      t0 = plsc.load_gather(tgt_v.at[lb], [kpos, zeros])
      t1 = plsc.load_gather(tgt_v.at[lb], [kpos, ones])
      m = mask_v[lb, pl.ds(off + j * 16, 16)].astype(jnp.float32)
      acc_a = acc_a + m * (jnp.abs(g0 - t0) + jnp.abs(g1 - t1))
      acc_m = acc_m + m

  part_v[0, :] = acc_a
  part_v[1, :] = acc_m
  pltpu.sync_copy(part_v, stage_hbm.at[wid])
  plsc.subcore_barrier()

  @pl.when(wid == 0)
  def _():
    pltpu.sync_copy(stage_hbm, all_v)
    sa = jnp.zeros(16, jnp.float32)
    sm = jnp.zeros(16, jnp.float32)
    for w in range(NW):
      sa = sa + all_v[w, 0, :]
      sm = sm + all_v[w, 1, :]
    total_a = sa[0]
    total_m = sm[0]
    for i in range(1, 16):
      total_a = total_a + sa[i]
      total_m = total_m + sm[i]
    total_m = total_m * 2.0
    va = jnp.full((16,), total_a, jnp.float32)
    vm = jnp.full((16,), total_m + 0.0001, jnp.float32)
    one = jnp.full((16,), 1.0, jnp.float32)
    two = jnp.full((16,), 2.0, jnp.float32)
    r = one / vm
    r = r * (two - vm * r)
    r = r * (two - vm * r)
    out_v[...] = va * r
    pltpu.sync_copy(out_v, out_hbm)


@jax.jit
def kernel(output, mask, ind, target):
  run = pl.kernel(
      _body,
      out_type=(jax.ShapeDtypeStruct((16,), jnp.float32),
                jax.ShapeDtypeStruct((NW, 2, 16), jnp.float32)),
      mesh=plsc.VectorSubcoreMesh(
          core_axis_name="c", subcore_axis_name="s", num_cores=2),
      compiler_params=pltpu.CompilerParams(needs_layout_passes=False),
      scratch_types=[
          pltpu.VMEM((BPW, K), jnp.int32),
          pltpu.VMEM((BPW, K), jnp.int32),
          pltpu.VMEM((BPW, K, C), jnp.float32),
          pltpu.VMEM((2, 2, WV), jnp.int32),
          pltpu.VMEM((2, 2, WV, W), jnp.float32),
          pltpu.VMEM((2, 16), jnp.float32),
          pltpu.VMEM((NW, 2, 16), jnp.float32),
          pltpu.VMEM((16,), jnp.float32),
          pltpu.SemaphoreType.DMA,
          pltpu.SemaphoreType.DMA,
      ],
  )
  out, _ = run(output, ind, mask, target)
  return out[0]

# --- scband reference (transcript-rebuilt; emitter-appended) ---
"""Pipeline reference for scband-reg-l1-loss-429496730198 (READ-ONLY COPY).

The authoritative reference and input builder live on the scoring server;
editing this copy changes nothing except your own understanding.
"""

import jax, jax.numpy as jnp
import numpy as np


def setup_inputs(seed: int = 0) -> dict:
    key = jax.random.key(seed)
    k1, k2, k3, k4 = jax.random.split(key, 4)
    output = jax.random.normal(k1, (64, 2, 256, 256), dtype=jnp.float32)
    mask = jax.random.randint(k2, (64, 128), 0, 2, dtype=jnp.int32)
    ind = jax.random.randint(k3, (64, 128), 0, 65536, dtype=jnp.int32)
    target = jax.random.normal(k4, (64, 128, 2), dtype=jnp.float32)
    return {"output": output, "mask": mask, "ind": ind, "target": target}


def reference(output, mask, ind, target):
    # _transpose_and_gather_feat: [B,C,H,W] -> [B,H*W,C], gather along dim 1 at ind
    B, C, H, W = output.shape
    feat = jnp.transpose(output, (0, 2, 3, 1)).reshape(B, H * W, C)
    K = ind.shape[1]
    idx = jnp.broadcast_to(ind[:, :, None], (B, K, C))
    pred = jnp.take_along_axis(feat, idx, axis=1)  # [B, K, C]
    m = mask.astype(jnp.float32)[:, :, None]
    m = jnp.broadcast_to(m, pred.shape)
    # F.l1_loss(..., size_average=False) == sum reduction
    loss = jnp.sum(jnp.abs(pred * m - target * m))
    loss = loss / (jnp.sum(m) + 0.0001)
    return loss

if __name__ == "__main__":
    import jax
    _d = setup_inputs()
    print(jax.jit(kernel)(*tuple(_d.values())))

</pallas_src>

<mosaic_0001>
#map = affine_map<(d0, d1) -> (0, 0, 0, 0)>
#map1 = affine_map<(d0, d1) -> (0, 0)>
#map2 = affine_map<(d0, d1) -> (0, 0, 0)>
#map3 = affine_map<(d0, d1) -> (0)>
module attributes {stable_mosaic.version = 14 : i64} {
  func.func @_body(%arg0: i32, %arg1: i32, %arg2: memref<64x2x256x256xf32, #tpu.memory_space<hbm>>, %arg3: memref<64x128xi32, #tpu.memory_space<hbm>>, %arg4: memref<64x128xi32, #tpu.memory_space<hbm>>, %arg5: memref<64x128x2xf32, #tpu.memory_space<hbm>>, %arg6: memref<16xf32, #tpu.memory_space<hbm>>, %arg7: memref<32x2x16xf32, #tpu.memory_space<hbm>>, %arg8: memref<2x128xi32, #tpu.memory_space<vmem>>, %arg9: memref<2x128xi32, #tpu.memory_space<vmem>>, %arg10: memref<2x128x2xf32, #tpu.memory_space<vmem>>, %arg11: memref<2x2x64xi32, #tpu.memory_space<vmem>>, %arg12: memref<2x2x64x256xf32, #tpu.memory_space<vmem>>, %arg13: memref<2x16xf32, #tpu.memory_space<vmem>>, %arg14: memref<32x2x16xf32, #tpu.memory_space<vmem>>, %arg15: memref<16xf32, #tpu.memory_space<vmem>>, %arg16: memref<!tpu.dma_semaphore, #tpu.memory_space<semaphore_mem>>, %arg17: memref<!tpu.dma_semaphore, #tpu.memory_space<semaphore_mem>>) attributes {dimension_semantics = [#tpu.dimension_semantics<core_parallel>, #tpu.dimension_semantics<subcore_parallel>], iteration_bounds = array<i64: 2, 16>, scalar_prefetch = 0 : i64, scratch_operands = 10 : i64, tpu.core_type = #tpu.core_type<sc_vector_subcore>, window_params = [{transform_indices = #map}, {transform_indices = #map1}, {transform_indices = #map1}, {transform_indices = #map2}, {transform_indices = #map3}, {transform_indices = #map2}]} {
    %mul3A = arith.constant 2 : i32
    %mul3A_0 = arith.muli %arg1, %mul3A : i32
    %add3A = arith.addi %mul3A_0, %arg0 : i32
    %mul3A_1 = arith.constant 2 : i32
    %mul3A_2 = arith.muli %add3A, %mul3A_1 : i32
    "tpu.region"() ({
      %run_scoped3A = tpu.sem_alloc : memref<!tpu.dma_semaphore, #tpu.memory_space<semaphore_mem>>
      %dma_start3A_1501 = arith.constant 0 : i32
      %dma_start3A_1502 = tpu.memref_slice %arg3[%mul3A_2, %dma_start3A_1501] : memref<64x128xi32, #tpu.memory_space<hbm>> -> memref<2x128xi32, #tpu.memory_space<hbm>>
      %dma_start3A_1503 = arith.constant 0 : i32
      %dma_start3A_1504 = tpu.memref_slice %arg3[%mul3A_2, %dma_start3A_1503] : memref<64x128xi32, #tpu.memory_space<hbm>> -> memref<2x128xi32, #tpu.memory_space<hbm>>
      tpu.enqueue_dma source(%dma_start3A_1504 : memref<2x128xi32, #tpu.memory_space<hbm>>) target(%arg8 : memref<2x128xi32, #tpu.memory_space<vmem>>) target_semaphore(%run_scoped3A : memref<!tpu.dma_semaphore, #tpu.memory_space<semaphore_mem>>)
      %dma_wait3A_1505 = arith.constant 0 : i32
      %dma_wait3A_1506 = tpu.memref_slice %arg3[%mul3A_2, %dma_wait3A_1505] : memref<64x128xi32, #tpu.memory_space<hbm>> -> memref<2x128xi32, #tpu.memory_space<hbm>>
      %dma_wait3A_1507 = arith.constant 0 : i32
      %dma_wait3A_1508 = tpu.memref_slice %arg3[%mul3A_2, %dma_wait3A_1507] : memref<64x128xi32, #tpu.memory_space<hbm>> -> memref<2x128xi32, #tpu.memory_space<hbm>>
      tpu.wait_dma2 semaphore(%run_scoped3A : memref<!tpu.dma_semaphore, #tpu.memory_space<semaphore_mem>>) src(%dma_wait3A_1508 : memref<2x128xi32, #tpu.memory_space<hbm>>) dst(%arg8 : memref<2x128xi32, #tpu.memory_space<vmem>>)
      tpu.yield
    }) : () -> ()
    "tpu.region"() ({
      %run_scoped3A = tpu.sem_alloc : memref<!tpu.dma_semaphore, #tpu.memory_space<semaphore_mem>>
      %dma_start3A_1501 = arith.constant 0 : i32
      %dma_start3A_1502 = tpu.memref_slice %arg4[%mul3A_2, %dma_start3A_1501] : memref<64x128xi32, #tpu.memory_space<hbm>> -> memref<2x128xi32, #tpu.memory_space<hbm>>
      %dma_start3A_1503 = arith.constant 0 : i32
      %dma_start3A_1504 = tpu.memref_slice %arg4[%mul3A_2, %dma_start3A_1503] : memref<64x128xi32, #tpu.memory_space<hbm>> -> memref<2x128xi32, #tpu.memory_space<hbm>>
      tpu.enqueue_dma source(%dma_start3A_1504 : memref<2x128xi32, #tpu.memory_space<hbm>>) target(%arg9 : memref<2x128xi32, #tpu.memory_space<vmem>>) target_semaphore(%run_scoped3A : memref<!tpu.dma_semaphore, #tpu.memory_space<semaphore_mem>>)
      %dma_wait3A_1505 = arith.constant 0 : i32
      %dma_wait3A_1506 = tpu.memref_slice %arg4[%mul3A_2, %dma_wait3A_1505] : memref<64x128xi32, #tpu.memory_space<hbm>> -> memref<2x128xi32, #tpu.memory_space<hbm>>
      %dma_wait3A_1507 = arith.constant 0 : i32
      %dma_wait3A_1508 = tpu.memref_slice %arg4[%mul3A_2, %dma_wait3A_1507] : memref<64x128xi32, #tpu.memory_space<hbm>> -> memref<2x128xi32, #tpu.memory_space<hbm>>
      tpu.wait_dma2 semaphore(%run_scoped3A : memref<!tpu.dma_semaphore, #tpu.memory_space<semaphore_mem>>) src(%dma_wait3A_1508 : memref<2x128xi32, #tpu.memory_space<hbm>>) dst(%arg9 : memref<2x128xi32, #tpu.memory_space<vmem>>)
      tpu.yield
    }) : () -> ()
    "tpu.region"() ({
      %run_scoped3A = tpu.sem_alloc : memref<!tpu.dma_semaphore, #tpu.memory_space<semaphore_mem>>
      %dma_start3A_1501 = arith.constant 0 : i32
      %dma_start3A_1502 = arith.constant 0 : i32
      %dma_start3A_1503 = tpu.memref_slice %arg5[%mul3A_2, %dma_start3A_1501, %dma_start3A_1502] : memref<64x128x2xf32, #tpu.memory_space<hbm>> -> memref<2x128x2xf32, #tpu.memory_space<hbm>>
      %dma_start3A_1504 = arith.constant 0 : i32
      %dma_start3A_1505 = arith.constant 0 : i32
      %dma_start3A_1506 = tpu.memref_slice %arg5[%mul3A_2, %dma_start3A_1504, %dma_start3A_1505] : memref<64x128x2xf32, #tpu.memory_space<hbm>> -> memref<2x128x2xf32, #tpu.memory_space<hbm>>
      tpu.enqueue_dma source(%dma_start3A_1506 : memref<2x128x2xf32, #tpu.memory_space<hbm>>) target(%arg10 : memref<2x128x2xf32, #tpu.memory_space<vmem>>) target_semaphore(%run_scoped3A : memref<!tpu.dma_semaphore, #tpu.memory_space<semaphore_mem>>)
      %dma_wait3A_1507 = arith.constant 0 : i32
      %dma_wait3A_1508 = arith.constant 0 : i32
      %dma_wait3A_1509 = tpu.memref_slice %arg5[%mul3A_2, %dma_wait3A_1507, %dma_wait3A_1508] : memref<64x128x2xf32, #tpu.memory_space<hbm>> -> memref<2x128x2xf32, #tpu.memory_space<hbm>>
      %dma_wait3A_1510 = arith.constant 0 : i32
      %dma_wait3A_1511 = arith.constant 0 : i32
      %dma_wait3A_1512 = tpu.memref_slice %arg5[%mul3A_2, %dma_wait3A_1510, %dma_wait3A_1511] : memref<64x128x2xf32, #tpu.memory_space<hbm>> -> memref<2x128x2xf32, #tpu.memory_space<hbm>>
      tpu.wait_dma2 semaphore(%run_scoped3A : memref<!tpu.dma_semaphore, #tpu.memory_space<semaphore_mem>>) src(%dma_wait3A_1512 : memref<2x128x2xf32, #tpu.memory_space<hbm>>) dst(%arg10 : memref<2x128x2xf32, #tpu.memory_space<vmem>>)
      tpu.yield
    }) : () -> ()
    %iota3A = tpu.iota {dimensions = array<i32: 0>} : vector<16xi32>
    %mul3A_3 = arith.constant 0 : i32
    %mul3A_4 = vector.broadcast %mul3A_3 : i32 to vector<16xi32>
    %mul3A_5 = arith.muli %iota3A, %mul3A_4 : vector<16xi32>
    %add3A_6 = arith.constant 1 : i32
    %add3A_7 = vector.broadcast %add3A_6 : i32 to vector<16xi32>
    %add3A_8 = arith.addi %mul3A_5, %add3A_7 : vector<16xi32>
    %broadcast_in_dim3A = arith.constant 0.000000e+00 : f32
    %broadcast_in_dim3A_9 = vector.broadcast %broadcast_in_dim3A : f32 to vector<16xf32>
    %broadcast_in_dim3A_10 = arith.constant 0.000000e+00 : f32
    %broadcast_in_dim3A_11 = vector.broadcast %broadcast_in_dim3A_10 : f32 to vector<16xf32>
    %add3A_12 = arith.constant 0 : i32
    %add3A_13 = arith.addi %mul3A_2, %add3A_12 : i32
    %mul3A_14 = arith.constant 512 : i32
    %mul3A_15 = arith.muli %add3A_13, %mul3A_14 : i32
    %get3A = arith.constant 0 : i32
    %get3A_16 = arith.index_cast %get3A : i32 to index
    %get3A_17 = arith.constant 0 : index
    %get3A_18 = tpu.vector_load %arg8[%get3A_16, %get3A_17] {strides = array<i32>} : memref<2x128xi32, #tpu.memory_space<vmem>>, vector<16xi32>,
    %shift_right_logical3A = arith.constant 8 : i32
    %shift_right_logical3A_19 = vector.broadcast %shift_right_logical3A : i32 to vector<16xi32>
    %shift_right_logical3A_20 = arith.shrui %get3A_18, %shift_right_logical3A_19 : vector<16xi32>
    %add3A_21 = vector.broadcast %mul3A_15 : i32 to vector<16xi32>
    %add3A_22 = arith.addi %shift_right_logical3A_20, %add3A_21 : vector<16xi32>
    %swap3A = arith.constant 0 : i32
    %swap3A_23 = arith.constant 0 : i32
    %swap3A_24 = arith.index_cast %swap3A : i32 to index
    %swap3A_25 = arith.index_cast %swap3A_23 : i32 to index
    %swap3A_26 = arith.constant 0 : index
    %swap3A_27 = tpu.vector_load %arg11[%swap3A_24, %swap3A_25, %swap3A_26] {strides = array<i32>} : memref<2x2x64xi32, #tpu.memory_space<vmem>>, vector<16xi32>,
    tpu.vector_store %arg11[%swap3A_24, %swap3A_25, %swap3A_26], %add3A_22 {strides = array<i32>} : memref<2x2x64xi32, #tpu.memory_space<vmem>>, vector<16xi32>,
    %add3A_28 = arith.constant 256 : i32
    %add3A_29 = arith.addi %mul3A_15, %add3A_28 : i32
    %add3A_30 = vector.broadcast %add3A_29 : i32 to vector<16xi32>
    %add3A_31 = arith.addi %shift_right_logical3A_20, %add3A_30 : vector<16xi32>
    %swap3A_32 = arith.constant 0 : i32
    %swap3A_33 = arith.constant 1 : i32
    %swap3A_34 = arith.index_cast %swap3A_32 : i32 to index
    %swap3A_35 = arith.index_cast %swap3A_33 : i32 to index
    %swap3A_36 = arith.constant 0 : index
    %swap3A_37 = tpu.vector_load %arg11[%swap3A_34, %swap3A_35, %swap3A_36] {strides = array<i32>} : memref<2x2x64xi32, #tpu.memory_space<vmem>>, vector<16xi32>,
    tpu.vector_store %arg11[%swap3A_34, %swap3A_35, %swap3A_36], %add3A_31 {strides = array<i32>} : memref<2x2x64xi32, #tpu.memory_space<vmem>>, vector<16xi32>,
    %get3A_38 = arith.constant 0 : i32
    %get3A_39 = arith.index_cast %get3A_38 : i32 to index
    %get3A_40 = arith.constant 16 : index
    %get3A_41 = tpu.vector_load %arg8[%get3A_39, %get3A_40] {strides = array<i32>} : memref<2x128xi32, #tpu.memory_space<vmem>>, vector<16xi32>,
    %shift_right_logical3A_42 = arith.constant 8 : i32
    %shift_right_logical3A_43 = vector.broadcast %shift_right_logical3A_42 : i32 to vector<16xi32>
    %shift_right_logical3A_44 = arith.shrui %get3A_41, %shift_right_logical3A_43 : vector<16xi32>
    %add3A_45 = vector.broadcast %mul3A_15 : i32 to vector<16xi32>
    %add3A_46 = arith.addi %shift_right_logical3A_44, %add3A_45 : vector<16xi32>
    %swap3A_47 = arith.constant 0 : i32
    %swap3A_48 = arith.constant 0 : i32
    %swap3A_49 = arith.index_cast %swap3A_47 : i32 to index
    %swap3A_50 = arith.index_cast %swap3A_48 : i32 to index
    %swap3A_51 = arith.constant 16 : index
    %swap3A_52 = tpu.vector_load %arg11[%swap3A_49, %swap3A_50, %swap3A_51] {strides = array<i32>} : memref<2x2x64xi32, #tpu.memory_space<vmem>>, vector<16xi32>,
    tpu.vector_store %arg11[%swap3A_49, %swap3A_50, %swap3A_51], %add3A_46 {strides = array<i32>} : memref<2x2x64xi32, #tpu.memory_space<vmem>>, vector<16xi32>,
    %add3A_53 = arith.constant 256 : i32
    %add3A_54 = arith.addi %mul3A_15, %add3A_53 : i32
    %add3A_55 = vector.broadcast %add3A_54 : i32 to vector<16xi32>
    %add3A_56 = arith.addi %shift_right_logical3A_44, %add3A_55 : vector<16xi32>
    %swap3A_57 = arith.constant 0 : i32
    %swap3A_58 = arith.constant 1 : i32
    %swap3A_59 = arith.index_cast %swap3A_57 : i32 to index
    %swap3A_60 = arith.index_cast %swap3A_58 : i32 to index
    %swap3A_61 = arith.constant 16 : index
    %swap3A_62 = tpu.vector_load %arg11[%swap3A_59, %swap3A_60, %swap3A_61] {strides = array<i32>} : memref<2x2x64xi32, #tpu.memory_space<vmem>>, vector<16xi32>,
    tpu.vector_store %arg11[%swap3A_59, %swap3A_60, %swap3A_61], %add3A_56 {strides = array<i32>} : memref<2x2x64xi32, #tpu.memory_space<vmem>>, vector<16xi32>,
    %get3A_63 = arith.constant 0 : i32
    %get3A_64 = arith.index_cast %get3A_63 : i32 to index
    %get3A_65 = arith.constant 32 : index
    %get3A_66 = tpu.vector_load %arg8[%get3A_64, %get3A_65] {strides = array<i32>} : memref<2x128xi32, #tpu.memory_space<vmem>>, vector<16xi32>,
    %shift_right_logical3A_67 = arith.constant 8 : i32
    %shift_right_logical3A_68 = vector.broadcast %shift_right_logical3A_67 : i32 to vector<16xi32>
    %shift_right_logical3A_69 = arith.shrui %get3A_66, %shift_right_logical3A_68 : vector<16xi32>
    %add3A_70 = vector.broadcast %mul3A_15 : i32 to vector<16xi32>
    %add3A_71 = arith.addi %shift_right_logical3A_69, %add3A_70 : vector<16xi32>
    %swap3A_72 = arith.constant 0 : i32
    %swap3A_73 = arith.constant 0 : i32
    %swap3A_74 = arith.index_cast %swap3A_72 : i32 to index
    %swap3A_75 = arith.index_cast %swap3A_73 : i32 to index
    %swap3A_76 = arith.constant 32 : index
    %swap3A_77 = tpu.vector_load %arg11[%swap3A_74, %swap3A_75, %swap3A_76] {strides = array<i32>} : memref<2x2x64xi32, #tpu.memory_space<vmem>>, vector<16xi32>,
    tpu.vector_store %arg11[%swap3A_74, %swap3A_75, %swap3A_76], %add3A_71 {strides = array<i32>} : memref<2x2x64xi32, #tpu.memory_space<vmem>>, vector<16xi32>,
    %add3A_78 = arith.constant 256 : i32
    %add3A_79 = arith.addi %mul3A_15, %add3A_78 : i32
    %add3A_80 = vector.broadcast %add3A_79 : i32 to vector<16xi32>
    %add3A_81 = arith.addi %shift_right_logical3A_69, %add3A_80 : vector<16xi32>
    %swap3A_82 = arith.constant 0 : i32
    %swap3A_83 = arith.constant 1 : i32
    %swap3A_84 = arith.index_cast %swap3A_82 : i32 to index
    %swap3A_85 = arith.index_cast %swap3A_83 : i32 to index
    %swap3A_86 = arith.constant 32 : index
    %swap3A_87 = tpu.vector_load %arg11[%swap3A_84, %swap3A_85, %swap3A_86] {strides = array<i32>} : memref<2x2x64xi32, #tpu.memory_space<vmem>>, vector<16xi32>,
    tpu.vector_store %arg11[%swap3A_84, %swap3A_85, %swap3A_86], %add3A_81 {strides = array<i32>} : memref<2x2x64xi32, #tpu.memory_space<vmem>>, vector<16xi32>,
    %get3A_88 = arith.constant 0 : i32
    %get3A_89 = arith.index_cast %get3A_88 : i32 to index
    %get3A_90 = arith.constant 48 : index
    %get3A_91 = tpu.vector_load %arg8[%get3A_89, %get3A_90] {strides = array<i32>} : memref<2x128xi32, #tpu.memory_space<vmem>>, vector<16xi32>,
    %shift_right_logical3A_92 = arith.constant 8 : i32
    %shift_right_logical3A_93 = vector.broadcast %shift_right_logical3A_92 : i32 to vector<16xi32>
    %shift_right_logical3A_94 = arith.shrui %get3A_91, %shift_right_logical3A_93 : vector<16xi32>
    %add3A_95 = vector.broadcast %mul3A_15 : i32 to vector<16xi32>
    %add3A_96 = arith.addi %shift_right_logical3A_94, %add3A_95 : vector<16xi32>
    %swap3A_97 = arith.constant 0 : i32
    %swap3A_98 = arith.constant 0 : i32
    %swap3A_99 = arith.index_cast %swap3A_97 : i32 to index
    %swap3A_100 = arith.index_cast %swap3A_98 : i32 to index
    %swap3A_101 = arith.constant 48 : index
    %swap3A_102 = tpu.vector_load %arg11[%swap3A_99, %swap3A_100, %swap3A_101] {strides = array<i32>} : memref<2x2x64xi32, #tpu.memory_space<vmem>>, vector<16xi32>,
    tpu.vector_store %arg11[%swap3A_99, %swap3A_100, %swap3A_101], %add3A_96 {strides = array<i32>} : memref<2x2x64xi32, #tpu.memory_space<vmem>>, vector<16xi32>,
    %add3A_103 = arith.constant 256 : i32
    %add3A_104 = arith.addi %mul3A_15, %add3A_103 : i32
    %add3A_105 = vector.broadcast %add3A_104 : i32 to vector<16xi32>
    %add3A_106 = arith.addi %shift_right_logical3A_94, %add3A_105 : vector<16xi32>
    %swap3A_107 = arith.constant 0 : i32
    %swap3A_108 = arith.constant 1 : i32
    %swap3A_109 = arith.index_cast %swap3A_107 : i32 to index
    %swap3A_110 = arith.index_cast %swap3A_108 : i32 to index
    %swap3A_111 = arith.constant 48 : index
    %swap3A_112 = tpu.vector_load %arg11[%swap3A_109, %swap3A_110, %swap3A_111] {strides = array<i32>} : memref<2x2x64xi32, #tpu.memory_space<vmem>>, vector<16xi32>,
    tpu.vector_store %arg11[%swap3A_109, %swap3A_110, %swap3A_111], %add3A_106 {strides = array<i32>} : memref<2x2x64xi32, #tpu.memory_space<vmem>>, vector<16xi32>,
    %dma_start3A = arith.constant 0 : i32
    %dma_start3A_113 = arith.constant 0 : i32
    %dma_start3A_114 = arith.constant 0 : i32
    %dma_start3A_115 = arith.constant 0 : i32
    %dma_start3A_116 = arith.constant 0 : i32
    %dma_start3A_117 = arith.constant 0 : i32
    %dma_start3A_118 = tpu.memref_slice %arg12[%dma_start3A_114, %dma_start3A_115, %dma_start3A_116, %dma_start3A_117] : memref<2x2x64x256xf32, #tpu.memory_space<vmem>> -> memref<1x1x64x256xf32, #tpu.memory_space<vmem>>
    %dma_start3A_119 = tpu.memref_squeeze %dma_start3A_118 : memref<1x1x64x256xf32, #tpu.memory_space<vmem>> -> memref<64x256xf32, #tpu.memory_space<vmem>>
    %dma_start3A_120 = arith.constant 0 : i32
    %dma_start3A_121 = tpu.memref_slice %arg11[%dma_start3A, %dma_start3A_113, %dma_start3A_120] : memref<2x2x64xi32, #tpu.memory_space<vmem>> -> memref<1x1x64xi32, #tpu.memory_space<vmem>>
    %dma_start3A_122 = tpu.memref_squeeze %dma_start3A_121 : memref<1x1x64xi32, #tpu.memory_space<vmem>> -> memref<64xi32, #tpu.memory_space<vmem>>
    %dma_start3A_123 = tpu.memref_reshape %arg2 : memref<64x2x256x256xf32, #tpu.memory_space<hbm>> -> memref<32768x256xf32, #tpu.memory_space<hbm>>
    %dma_start3A_124 = arith.constant 0 : i32
    %dma_start3A_125 = arith.constant 0 : i32
    %dma_start3A_126 = tpu.memref_slice %dma_start3A_123[%dma_start3A_124, %dma_start3A_125] : memref<32768x256xf32, #tpu.memory_space<hbm>> -> memref<32768x256xf32, #tpu.memory_space<hbm>>
    tpu.enqueue_indirect_dma source(%dma_start3A_126 : memref<32768x256xf32, #tpu.memory_space<hbm>>) target(%dma_start3A_119 : memref<64x256xf32, #tpu.memory_space<vmem>>) offsets(%dma_start3A_122 : memref<64xi32, #tpu.memory_space<vmem>>) semaphore(%arg16 : memref<!tpu.dma_semaphore, #tpu.memory_space<semaphore_mem>>)
    %dma_start3A_127 = arith.constant 0 : i32
    %dma_start3A_128 = arith.constant 1 : i32
    %dma_start3A_129 = arith.constant 0 : i32
    %dma_start3A_130 = arith.constant 1 : i32
    %dma_start3A_131 = arith.constant 0 : i32
    %dma_start3A_132 = arith.constant 0 : i32
    %dma_start3A_133 = tpu.memref_slice %arg12[%dma_start3A_129, %dma_start3A_130, %dma_start3A_131, %dma_start3A_132] : memref<2x2x64x256xf32, #tpu.memory_space<vmem>> -> memref<1x1x64x256xf32, #tpu.memory_space<vmem>>
    %dma_start3A_134 = tpu.memref_squeeze %dma_start3A_133 : memref<1x1x64x256xf32, #tpu.memory_space<vmem>> -> memref<64x256xf32, #tpu.memory_space<vmem>>
    %dma_start3A_135 = arith.constant 0 : i32
    %dma_start3A_136 = tpu.memref_slice %arg11[%dma_start3A_127, %dma_start3A_128, %dma_start3A_135] : memref<2x2x64xi32, #tpu.memory_space<vmem>> -> memref<1x1x64xi32, #tpu.memory_space<vmem>>
    %dma_start3A_137 = tpu.memref_squeeze %dma_start3A_136 : memref<1x1x64xi32, #tpu.memory_space<vmem>> -> memref<64xi32, #tpu.memory_space<vmem>>
    %dma_start3A_138 = tpu.memref_reshape %arg2 : memref<64x2x256x256xf32, #tpu.memory_space<hbm>> -> memref<32768x256xf32, #tpu.memory_space<hbm>>
    %dma_start3A_139 = arith.constant 0 : i32
    %dma_start3A_140 = arith.constant 0 : i32
    %dma_start3A_141 = tpu.memref_slice %dma_start3A_138[%dma_start3A_139, %dma_start3A_140] : memref<32768x256xf32, #tpu.memory_space<hbm>> -> memref<32768x256xf32, #tpu.memory_space<hbm>>
    tpu.enqueue_indirect_dma source(%dma_start3A_141 : memref<32768x256xf32, #tpu.memory_space<hbm>>) target(%dma_start3A_134 : memref<64x256xf32, #tpu.memory_space<vmem>>) offsets(%dma_start3A_137 : memref<64xi32, #tpu.memory_space<vmem>>) semaphore(%arg16 : memref<!tpu.dma_semaphore, #tpu.memory_space<semaphore_mem>>)
    %add3A_142 = arith.constant 0 : i32
    %add3A_143 = arith.addi %mul3A_2, %add3A_142 : i32
    %mul3A_144 = arith.constant 512 : i32
    %mul3A_145 = arith.muli %add3A_143, %mul3A_144 : i32
    %get3A_146 = arith.constant 0 : i32
    %get3A_147 = arith.index_cast %get3A_146 : i32 to index
    %get3A_148 = arith.constant 64 : index
    %get3A_149 = tpu.vector_load %arg8[%get3A_147, %get3A_148] {strides = array<i32>} : memref<2x128xi32, #tpu.memory_space<vmem>>, vector<16xi32>,
    %shift_right_logical3A_150 = arith.constant 8 : i32
    %shift_right_logical3A_151 = vector.broadcast %shift_right_logical3A_150 : i32 to vector<16xi32>
    %shift_right_logical3A_152 = arith.shrui %get3A_149, %shift_right_logical3A_151 : vector<16xi32>
    %add3A_153 = vector.broadcast %mul3A_145 : i32 to vector<16xi32>
    %add3A_154 = arith.addi %shift_right_logical3A_152, %add3A_153 : vector<16xi32>
    %swap3A_155 = arith.constant 1 : i32
    %swap3A_156 = arith.constant 0 : i32
    %swap3A_157 = arith.index_cast %swap3A_155 : i32 to index
    %swap3A_158 = arith.index_cast %swap3A_156 : i32 to index
    %swap3A_159 = arith.constant 0 : index
    %swap3A_160 = tpu.vector_load %arg11[%swap3A_157, %swap3A_158, %swap3A_159] {strides = array<i32>} : memref<2x2x64xi32, #tpu.memory_space<vmem>>, vector<16xi32>,
    tpu.vector_store %arg11[%swap3A_157, %swap3A_158, %swap3A_159], %add3A_154 {strides = array<i32>} : memref<2x2x64xi32, #tpu.memory_space<vmem>>, vector<16xi32>,
    %add3A_161 = arith.constant 256 : i32
    %add3A_162 = arith.addi %mul3A_145, %add3A_161 : i32
    %add3A_163 = vector.broadcast %add3A_162 : i32 to vector<16xi32>
    %add3A_164 = arith.addi %shift_right_logical3A_152, %add3A_163 : vector<16xi32>
    %swap3A_165 = arith.constant 1 : i32
    %swap3A_166 = arith.constant 1 : i32
    %swap3A_167 = arith.index_cast %swap3A_165 : i32 to index
    %swap3A_168 = arith.index_cast %swap3A_166 : i32 to index
    %swap3A_169 = arith.constant 0 : index
    %swap3A_170 = tpu.vector_load %arg11[%swap3A_167, %swap3A_168, %swap3A_169] {strides = array<i32>} : memref<2x2x64xi32, #tpu.memory_space<vmem>>, vector<16xi32>,
    tpu.vector_store %arg11[%swap3A_167, %swap3A_168, %swap3A_169], %add3A_164 {strides = array<i32>} : memref<2x2x64xi32, #tpu.memory_space<vmem>>, vector<16xi32>,
    %get3A_171 = arith.constant 0 : i32
    %get3A_172 = arith.index_cast %get3A_171 : i32 to index
    %get3A_173 = arith.constant 80 : index
    %get3A_174 = tpu.vector_load %arg8[%get3A_172, %get3A_173] {strides = array<i32>} : memref<2x128xi32, #tpu.memory_space<vmem>>, vector<16xi32>,
    %shift_right_logical3A_175 = arith.constant 8 : i32
    %shift_right_logical3A_176 = vector.broadcast %shift_right_logical3A_175 : i32 to vector<16xi32>
    %shift_right_logical3A_177 = arith.shrui %get3A_174, %shift_right_logical3A_176 : vector<16xi32>
    %add3A_178 = vector.broadcast %mul3A_145 : i32 to vector<16xi32>
    %add3A_179 = arith.addi %shift_right_logical3A_177, %add3A_178 : vector<16xi32>
    %swap3A_180 = arith.constant 1 : i32
    %swap3A_181 = arith.constant 0 : i32
    %swap3A_182 = arith.index_cast %swap3A_180 : i32 to index
    %swap3A_183 = arith.index_cast %swap3A_181 : i32 to index
    %swap3A_184 = arith.constant 16 : index
    %swap3A_185 = tpu.vector_load %arg11[%swap3A_182, %swap3A_183, %swap3A_184] {strides = array<i32>} : memref<2x2x64xi32, #tpu.memory_space<vmem>>, vector<16xi32>,
    tpu.vector_store %arg11[%swap3A_182, %swap3A_183, %swap3A_184], %add3A_179 {strides = array<i32>} : memref<2x2x64xi32, #tpu.memory_space<vmem>>, vector<16xi32>,
    %add3A_186 = arith.constant 256 : i32
    %add3A_187 = arith.addi %mul3A_145, %add3A_186 : i32
    %add3A_188 = vector.broadcast %add3A_187 : i32 to vector<16xi32>
    %add3A_189 = arith.addi %shift_right_logical3A_177, %add3A_188 : vector<16xi32>
    %swap3A_190 = arith.constant 1 : i32
    %swap3A_191 = arith.constant 1 : i32
    %swap3A_192 = arith.index_cast %swap3A_190 : i32 to index
    %swap3A_193 = arith.index_cast %swap3A_191 : i32 to index
    %swap3A_194 = arith.constant 16 : index
    %swap3A_195 = tpu.vector_load %arg11[%swap3A_192, %swap3A_193, %swap3A_194] {strides = array<i32>} : memref<2x2x64xi32, #tpu.memory_space<vmem>>, vector<16xi32>,
    tpu.vector_store %arg11[%swap3A_192, %swap3A_193, %swap3A_194], %add3A_189 {strides = array<i32>} : memref<2x2x64xi32, #tpu.memory_space<vmem>>, vector<16xi32>,
    %get3A_196 = arith.constant 0 : i32
    %get3A_197 = arith.index_cast %get3A_196 : i32 to index
    %get3A_198 = arith.constant 96 : index
    %get3A_199 = tpu.vector_load %arg8[%get3A_197, %get3A_198] {strides = array<i32>} : memref<2x128xi32, #tpu.memory_space<vmem>>, vector<16xi32>,
    %shift_right_logical3A_200 = arith.constant 8 : i32
    %shift_right_logical3A_201 = vector.broadcast %shift_right_logical3A_200 : i32 to vector<16xi32>
    %shift_right_logical3A_202 = arith.shrui %get3A_199, %shift_right_logical3A_201 : vector<16xi32>
    %add3A_203 = vector.broadcast %mul3A_145 : i32 to vector<16xi32>
    %add3A_204 = arith.addi %shift_right_logical3A_202, %add3A_203 : vector<16xi32>
    %swap3A_205 = arith.constant 1 : i32
    %swap3A_206 = arith.constant 0 : i32
    %swap3A_207 = arith.index_cast %swap3A_205 : i32 to index
    %swap3A_208 = arith.index_cast %swap3A_206 : i32 to index
    %swap3A_209 = arith.constant 32 : index
    %swap3A_210 = tpu.vector_load %arg11[%swap3A_207, %swap3A_208, %swap3A_209] {strides = array<i32>} : memref<2x2x64xi32, #tpu.memory_space<vmem>>, vector<16xi32>,
    tpu.vector_store %arg11[%swap3A_207, %swap3A_208, %swap3A_209], %add3A_204 {strides = array<i32>} : memref<2x2x64xi32, #tpu.memory_space<vmem>>, vector<16xi32>,
    %add3A_211 = arith.constant 256 : i32
    %add3A_212 = arith.addi %mul3A_145, %add3A_211 : i32
    %add3A_213 = vector.broadcast %add3A_212 : i32 to vector<16xi32>
    %add3A_214 = arith.addi %shift_right_logical3A_202, %add3A_213 : vector<16xi32>
    %swap3A_215 = arith.constant 1 : i32
    %swap3A_216 = arith.constant 1 : i32
    %swap3A_217 = arith.index_cast %swap3A_215 : i32 to index
    %swap3A_218 = arith.index_cast %swap3A_216 : i32 to index
    %swap3A_219 = arith.constant 32 : index
    %swap3A_220 = tpu.vector_load %arg11[%swap3A_217, %swap3A_218, %swap3A_219] {strides = array<i32>} : memref<2x2x64xi32, #tpu.memory_space<vmem>>, vector<16xi32>,
    tpu.vector_store %arg11[%swap3A_217, %swap3A_218, %swap3A_219], %add3A_214 {strides = array<i32>} : memref<2x2x64xi32, #tpu.memory_space<vmem>>, vector<16xi32>,
    %get3A_221 = arith.constant 0 : i32
    %get3A_222 = arith.index_cast %get3A_221 : i32 to index
    %get3A_223 = arith.constant 112 : index
    %get3A_224 = tpu.vector_load %arg8[%get3A_222, %get3A_223] {strides = array<i32>} : memref<2x128xi32, #tpu.memory_space<vmem>>, vector<16xi32>,
    %shift_right_logical3A_225 = arith.constant 8 : i32
    %shift_right_logical3A_226 = vector.broadcast %shift_right_logical3A_225 : i32 to vector<16xi32>
    %shift_right_logical3A_227 = arith.shrui %get3A_224, %shift_right_logical3A_226 : vector<16xi32>
    %add3A_228 = vector.broadcast %mul3A_145 : i32 to vector<16xi32>
    %add3A_229 = arith.addi %shift_right_logical3A_227, %add3A_228 : vector<16xi32>
    %swap3A_230 = arith.constant 1 : i32
    %swap3A_231 = arith.constant 0 : i32
    %swap3A_232 = arith.index_cast %swap3A_230 : i32 to index
    %swap3A_233 = arith.index_cast %swap3A_231 : i32 to index
    %swap3A_234 = arith.constant 48 : index
    %swap3A_235 = tpu.vector_load %arg11[%swap3A_232, %swap3A_233, %swap3A_234] {strides = array<i32>} : memref<2x2x64xi32, #tpu.memory_space<vmem>>, vector<16xi32>,
    tpu.vector_store %arg11[%swap3A_232, %swap3A_233, %swap3A_234], %add3A_229 {strides = array<i32>} : memref<2x2x64xi32, #tpu.memory_space<vmem>>, vector<16xi32>,
    %add3A_236 = arith.constant 256 : i32
    %add3A_237 = arith.addi %mul3A_145, %add3A_236 : i32
    %add3A_238 = vector.broadcast %add3A_237 : i32 to vector<16xi32>
    %add3A_239 = arith.addi %shift_right_logical3A_227, %add3A_238 : vector<16xi32>
    %swap3A_240 = arith.constant 1 : i32
    %swap3A_241 = arith.constant 1 : i32
    %swap3A_242 = arith.index_cast %swap3A_240 : i32 to index
    %swap3A_243 = arith.index_cast %swap3A_241 : i32 to index
    %swap3A_244 = arith.constant 48 : index
    %swap3A_245 = tpu.vector_load %arg11[%swap3A_242, %swap3A_243, %swap3A_244] {strides = array<i32>} : memref<2x2x64xi32, #tpu.memory_space<vmem>>, vector<16xi32>,
    tpu.vector_store %arg11[%swap3A_242, %swap3A_243, %swap3A_244], %add3A_239 {strides = array<i32>} : memref<2x2x64xi32, #tpu.memory_space<vmem>>, vector<16xi32>,
    %dma_start3A_246 = arith.constant 1 : i32
    %dma_start3A_247 = arith.constant 0 : i32
    %dma_start3A_248 = arith.constant 1 : i32
    %dma_start3A_249 = arith.constant 0 : i32
    %dma_start3A_250 = arith.constant 0 : i32
    %dma_start3A_251 = arith.constant 0 : i32
    %dma_start3A_252 = tpu.memref_slice %arg12[%dma_start3A_248, %dma_start3A_249, %dma_start3A_250, %dma_start3A_251] : memref<2x2x64x256xf32, #tpu.memory_space<vmem>> -> memref<1x1x64x256xf32, #tpu.memory_space<vmem>>
    %dma_start3A_253 = tpu.memref_squeeze %dma_start3A_252 : memref<1x1x64x256xf32, #tpu.memory_space<vmem>> -> memref<64x256xf32, #tpu.memory_space<vmem>>
    %dma_start3A_254 = arith.constant 0 : i32
    %dma_start3A_255 = tpu.memref_slice %arg11[%dma_start3A_246, %dma_start3A_247, %dma_start3A_254] : memref<2x2x64xi32, #tpu.memory_space<vmem>> -> memref<1x1x64xi32, #tpu.memory_space<vmem>>
    %dma_start3A_256 = tpu.memref_squeeze %dma_start3A_255 : memref<1x1x64xi32, #tpu.memory_space<vmem>> -> memref<64xi32, #tpu.memory_space<vmem>>
    %dma_start3A_257 = tpu.memref_reshape %arg2 : memref<64x2x256x256xf32, #tpu.memory_space<hbm>> -> memref<32768x256xf32, #tpu.memory_space<hbm>>
    %dma_start3A_258 = arith.constant 0 : i32
    %dma_start3A_259 = arith.constant 0 : i32
    %dma_start3A_260 = tpu.memref_slice %dma_start3A_257[%dma_start3A_258, %dma_start3A_259] : memref<32768x256xf32, #tpu.memory_space<hbm>> -> memref<32768x256xf32, #tpu.memory_space<hbm>>
    tpu.enqueue_indirect_dma source(%dma_start3A_260 : memref<32768x256xf32, #tpu.memory_space<hbm>>) target(%dma_start3A_253 : memref<64x256xf32, #tpu.memory_space<vmem>>) offsets(%dma_start3A_256 : memref<64xi32, #tpu.memory_space<vmem>>) semaphore(%arg17 : memref<!tpu.dma_semaphore, #tpu.memory_space<semaphore_mem>>)
    %dma_start3A_261 = arith.constant 1 : i32
    %dma_start3A_262 = arith.constant 1 : i32
    %dma_start3A_263 = arith.constant 1 : i32
    %dma_start3A_264 = arith.constant 1 : i32
    %dma_start3A_265 = arith.constant 0 : i32
    %dma_start3A_266 = arith.constant 0 : i32
    %dma_start3A_267 = tpu.memref_slice %arg12[%dma_start3A_263, %dma_start3A_264, %dma_start3A_265, %dma_start3A_266] : memref<2x2x64x256xf32, #tpu.memory_space<vmem>> -> memref<1x1x64x256xf32, #tpu.memory_space<vmem>>
    %dma_start3A_268 = tpu.memref_squeeze %dma_start3A_267 : memref<1x1x64x256xf32, #tpu.memory_space<vmem>> -> memref<64x256xf32, #tpu.memory_space<vmem>>
    %dma_start3A_269 = arith.constant 0 : i32
    %dma_start3A_270 = tpu.memref_slice %arg11[%dma_start3A_261, %dma_start3A_262, %dma_start3A_269] : memref<2x2x64xi32, #tpu.memory_space<vmem>> -> memref<1x1x64xi32, #tpu.memory_space<vmem>>
    %dma_start3A_271 = tpu.memref_squeeze %dma_start3A_270 : memref<1x1x64xi32, #tpu.memory_space<vmem>> -> memref<64xi32, #tpu.memory_space<vmem>>
    %dma_start3A_272 = tpu.memref_reshape %arg2 : memref<64x2x256x256xf32, #tpu.memory_space<hbm>> -> memref<32768x256xf32, #tpu.memory_space<hbm>>
    %dma_start3A_273 = arith.constant 0 : i32
    %dma_start3A_274 = arith.constant 0 : i32
    %dma_start3A_275 = tpu.memref_slice %dma_start3A_272[%dma_start3A_273, %dma_start3A_274] : memref<32768x256xf32, #tpu.memory_space<hbm>> -> memref<32768x256xf32, #tpu.memory_space<hbm>>
    tpu.enqueue_indirect_dma source(%dma_start3A_275 : memref<32768x256xf32, #tpu.memory_space<hbm>>) target(%dma_start3A_268 : memref<64x256xf32, #tpu.memory_space<vmem>>) offsets(%dma_start3A_271 : memref<64xi32, #tpu.memory_space<vmem>>) semaphore(%arg17 : memref<!tpu.dma_semaphore, #tpu.memory_space<semaphore_mem>>)
    %dma_wait3A = arith.constant 0 : i32
    %dma_wait3A_276 = arith.constant 0 : i32
    %dma_wait3A_277 = arith.constant 0 : i32
    %dma_wait3A_278 = arith.constant 0 : i32
    %dma_wait3A_279 = arith.constant 0 : i32
    %dma_wait3A_280 = arith.constant 0 : i32
    %dma_wait3A_281 = tpu.memref_slice %arg12[%dma_wait3A_277, %dma_wait3A_278, %dma_wait3A_279, %dma_wait3A_280] : memref<2x2x64x256xf32, #tpu.memory_space<vmem>> -> memref<1x1x64x256xf32, #tpu.memory_space<vmem>>
    %dma_wait3A_282 = tpu.memref_squeeze %dma_wait3A_281 : memref<1x1x64x256xf32, #tpu.memory_space<vmem>> -> memref<64x256xf32, #tpu.memory_space<vmem>>
    %dma_wait3A_283 = arith.constant 0 : i32
    %dma_wait3A_284 = tpu.memref_slice %arg11[%dma_wait3A, %dma_wait3A_276, %dma_wait3A_283] : memref<2x2x64xi32, #tpu.memory_space<vmem>> -> memref<1x1x64xi32, #tpu.memory_space<vmem>>
    %dma_wait3A_285 = tpu.memref_squeeze %dma_wait3A_284 : memref<1x1x64xi32, #tpu.memory_space<vmem>> -> memref<64xi32, #tpu.memory_space<vmem>>
    %dma_wait3A_286 = tpu.memref_reshape %arg2 : memref<64x2x256x256xf32, #tpu.memory_space<hbm>> -> memref<32768x256xf32, #tpu.memory_space<hbm>>
    %dma_wait3A_287 = arith.constant 0 : i32
    %dma_wait3A_288 = arith.constant 0 : i32
    %dma_wait3A_289 = tpu.memref_slice %dma_wait3A_286[%dma_wait3A_287, %dma_wait3A_288] : memref<32768x256xf32, #tpu.memory_space<hbm>> -> memref<32768x256xf32, #tpu.memory_space<hbm>>
    tpu.wait_indirect_dma semaphore(%arg16 : memref<!tpu.dma_semaphore, #tpu.memory_space<semaphore_mem>>) src(%dma_wait3A_289 : memref<32768x256xf32, #tpu.memory_space<hbm>>) dst(%dma_wait3A_282 : memref<64x256xf32, #tpu.memory_space<vmem>>)
    %dma_wait3A_290 = arith.constant 0 : i32
    %dma_wait3A_291 = arith.constant 1 : i32
    %dma_wait3A_292 = arith.constant 0 : i32
    %dma_wait3A_293 = arith.constant 1 : i32
    %dma_wait3A_294 = arith.constant 0 : i32
    %dma_wait3A_295 = arith.constant 0 : i32
    %dma_wait3A_296 = tpu.memref_slice %arg12[%dma_wait3A_292, %dma_wait3A_293, %dma_wait3A_294, %dma_wait3A_295] : memref<2x2x64x256xf32, #tpu.memory_space<vmem>> -> memref<1x1x64x256xf32, #tpu.memory_space<vmem>>
    %dma_wait3A_297 = tpu.memref_squeeze %dma_wait3A_296 : memref<1x1x64x256xf32, #tpu.memory_space<vmem>> -> memref<64x256xf32, #tpu.memory_space<vmem>>
    %dma_wait3A_298 = arith.constant 0 : i32
    %dma_wait3A_299 = tpu.memref_slice %arg11[%dma_wait3A_290, %dma_wait3A_291, %dma_wait3A_298] : memref<2x2x64xi32, #tpu.memory_space<vmem>> -> memref<1x1x64xi32, #tpu.memory_space<vmem>>
    %dma_wait3A_300 = tpu.memref_squeeze %dma_wait3A_299 : memref<1x1x64xi32, #tpu.memory_space<vmem>> -> memref<64xi32, #tpu.memory_space<vmem>>
    %dma_wait3A_301 = tpu.memref_reshape %arg2 : memref<64x2x256x256xf32, #tpu.memory_space<hbm>> -> memref<32768x256xf32, #tpu.memory_space<hbm>>
    %dma_wait3A_302 = arith.constant 0 : i32
    %dma_wait3A_303 = arith.constant 0 : i32
    %dma_wait3A_304 = tpu.memref_slice %dma_wait3A_301[%dma_wait3A_302, %dma_wait3A_303] : memref<32768x256xf32, #tpu.memory_space<hbm>> -> memref<32768x256xf32, #tpu.memory_space<hbm>>
    tpu.wait_indirect_dma semaphore(%arg16 : memref<!tpu.dma_semaphore, #tpu.memory_space<semaphore_mem>>) src(%dma_wait3A_304 : memref<32768x256xf32, #tpu.memory_space<hbm>>) dst(%dma_wait3A_297 : memref<64x256xf32, #tpu.memory_space<vmem>>)
    %get3A_305 = arith.constant 0 : i32
    %get3A_306 = arith.index_cast %get3A_305 : i32 to index
    %get3A_307 = arith.constant 0 : index
    %get3A_308 = tpu.vector_load %arg8[%get3A_306, %get3A_307] {strides = array<i32>} : memref<2x128xi32, #tpu.memory_space<vmem>>, vector<16xi32>,
    %and3A = arith.constant 255 : i32
    %and3A_309 = vector.broadcast %and3A : i32 to vector<16xi32>
    %and3A_310 = arith.andi %get3A_308, %and3A_309 : vector<16xi32>
    %add3A_311 = arith.constant 0 : i32
    %add3A_312 = vector.broadcast %add3A_311 : i32 to vector<16xi32>
    %add3A_313 = arith.addi %iota3A, %add3A_312 : vector<16xi32>
    %add3A_314 = arith.constant 0 : i32
    %add3A_315 = vector.broadcast %add3A_314 : i32 to vector<16xi32>
    %add3A_316 = arith.addi %iota3A, %add3A_315 : vector<16xi32>
    %gather3A = arith.constant 0 : i32
    %gather3A_317 = arith.constant 0 : i32
    %gather3A_318 = arith.constant 0 : i32
    %gather3A_319 = arith.constant 0 : i32
    %gather3A_320 = tpu.memref_slice %arg12[%gather3A, %gather3A_317, %gather3A_318, %gather3A_319] : memref<2x2x64x256xf32, #tpu.memory_space<vmem>> -> memref<1x1x64x256xf32, #tpu.memory_space<vmem>>
    %gather3A_321 = tpu.memref_squeeze %gather3A_320 : memref<1x1x64x256xf32, #tpu.memory_space<vmem>> -> memref<64x256xf32, #tpu.memory_space<vmem>>
    %gather3A_322 = tpu.vector_load_idx %gather3A_321[%add3A_313, %and3A_310] : memref<64x256xf32, #tpu.memory_space<vmem>>[vector<16xi32>, vector<16xi32>], vector<16xf32>,
    %gather3A_323 = arith.constant 0 : i32
    %gather3A_324 = arith.constant 1 : i32
    %gather3A_325 = arith.constant 0 : i32
    %gather3A_326 = arith.constant 0 : i32
    %gather3A_327 = tpu.memref_slice %arg12[%gather3A_323, %gather3A_324, %gather3A_325, %gather3A_326] : memref<2x2x64x256xf32, #tpu.memory_space<vmem>> -> memref<1x1x64x256xf32, #tpu.memory_space<vmem>>
    %gather3A_328 = tpu.memref_squeeze %gather3A_327 : memref<1x1x64x256xf32, #tpu.memory_space<vmem>> -> memref<64x256xf32, #tpu.memory_space<vmem>>
    %gather3A_329 = tpu.vector_load_idx %gather3A_328[%add3A_313, %and3A_310] : memref<64x256xf32, #tpu.memory_space<vmem>>[vector<16xi32>, vector<16xi32>], vector<16xf32>,
    %gather3A_330 = arith.constant 0 : i32
    %gather3A_331 = arith.constant 0 : i32
    %gather3A_332 = arith.constant 0 : i32
    %gather3A_333 = tpu.memref_slice %arg10[%gather3A_330, %gather3A_331, %gather3A_332] : memref<2x128x2xf32, #tpu.memory_space<vmem>> -> memref<1x128x2xf32, #tpu.memory_space<vmem>>
    %gather3A_334 = tpu.memref_squeeze %gather3A_333 : memref<1x128x2xf32, #tpu.memory_space<vmem>> -> memref<128x2xf32, #tpu.memory_space<vmem>>
    %gather3A_335 = tpu.vector_load_idx %gather3A_334[%add3A_316, %mul3A_5] : memref<128x2xf32, #tpu.memory_space<vmem>>[vector<16xi32>, vector<16xi32>], vector<16xf32>,
    %gather3A_336 = arith.constant 0 : i32
    %gather3A_337 = arith.constant 0 : i32
    %gather3A_338 = arith.constant 0 : i32
    %gather3A_339 = tpu.memref_slice %arg10[%gather3A_336, %gather3A_337, %gather3A_338] : memref<2x128x2xf32, #tpu.memory_space<vmem>> -> memref<1x128x2xf32, #tpu.memory_space<vmem>>
    %gather3A_340 = tpu.memref_squeeze %gather3A_339 : memref<1x128x2xf32, #tpu.memory_space<vmem>> -> memref<128x2xf32, #tpu.memory_space<vmem>>
    %gather3A_341 = tpu.vector_load_idx %gather3A_340[%add3A_316, %add3A_8] : memref<128x2xf32, #tpu.memory_space<vmem>>[vector<16xi32>, vector<16xi32>], vector<16xf32>,
    %get3A_342 = arith.constant 0 : i32
    %get3A_343 = arith.index_cast %get3A_342 : i32 to index
    %get3A_344 = arith.constant 0 : index
    %get3A_345 = tpu.vector_load %arg9[%get3A_343, %get3A_344] {strides = array<i32>} : memref<2x128xi32, #tpu.memory_space<vmem>>, vector<16xi32>,
    %convert_element_type3A = arith.sitofp %get3A_345 : vector<16xi32> to vector<16xf32>
    %sub3A = arith.subf %gather3A_322, %gather3A_335 : vector<16xf32>
    %abs3A = math.absf %sub3A : vector<16xf32>
    %sub3A_346 = arith.subf %gather3A_329, %gather3A_341 : vector<16xf32>
    %abs3A_347 = math.absf %sub3A_346 : vector<16xf32>
    %add3A_348 = arith.addf %abs3A, %abs3A_347 : vector<16xf32>
    %mul3A_349 = arith.mulf %convert_element_type3A, %add3A_348 : vector<16xf32>
    %add3A_350 = arith.addf %broadcast_in_dim3A_9, %mul3A_349 : vector<16xf32>
    %add3A_351 = arith.addf %broadcast_in_dim3A_11, %convert_element_type3A : vector<16xf32>
    %get3A_352 = arith.constant 0 : i32
    %get3A_353 = arith.index_cast %get3A_352 : i32 to index
    %get3A_354 = arith.constant 16 : index
    %get3A_355 = tpu.vector_load %arg8[%get3A_353, %get3A_354] {strides = array<i32>} : memref<2x128xi32, #tpu.memory_space<vmem>>, vector<16xi32>,
    %and3A_356 = arith.constant 255 : i32
    %and3A_357 = vector.broadcast %and3A_356 : i32 to vector<16xi32>
    %and3A_358 = arith.andi %get3A_355, %and3A_357 : vector<16xi32>
    %add3A_359 = arith.constant 16 : i32
    %add3A_360 = vector.broadcast %add3A_359 : i32 to vector<16xi32>
    %add3A_361 = arith.addi %iota3A, %add3A_360 : vector<16xi32>
    %add3A_362 = arith.constant 16 : i32
    %add3A_363 = vector.broadcast %add3A_362 : i32 to vector<16xi32>
    %add3A_364 = arith.addi %iota3A, %add3A_363 : vector<16xi32>
    %gather3A_365 = arith.constant 0 : i32
    %gather3A_366 = arith.constant 0 : i32
    %gather3A_367 = arith.constant 0 : i32
    %gather3A_368 = arith.constant 0 : i32
    %gather3A_369 = tpu.memref_slice %arg12[%gather3A_365, %gather3A_366, %gather3A_367, %gather3A_368] : memref<2x2x64x256xf32, #tpu.memory_space<vmem>> -> memref<1x1x64x256xf32, #tpu.memory_space<vmem>>
    %gather3A_370 = tpu.memref_squeeze %gather3A_369 : memref<1x1x64x256xf32, #tpu.memory_space<vmem>> -> memref<64x256xf32, #tpu.memory_space<vmem>>
    %gather3A_371 = tpu.vector_load_idx %gather3A_370[%add3A_361, %and3A_358] : memref<64x256xf32, #tpu.memory_space<vmem>>[vector<16xi32>, vector<16xi32>], vector<16xf32>,
    %gather3A_372 = arith.constant 0 : i32
    %gather3A_373 = arith.constant 1 : i32
    %gather3A_374 = arith.constant 0 : i32
    %gather3A_375 = arith.constant 0 : i32
    %gather3A_376 = tpu.memref_slice %arg12[%gather3A_372, %gather3A_373, %gather3A_374, %gather3A_375] : memref<2x2x64x256xf32, #tpu.memory_space<vmem>> -> memref<1x1x64x256xf32, #tpu.memory_space<vmem>>
    %gather3A_377 = tpu.memref_squeeze %gather3A_376 : memref<1x1x64x256xf32, #tpu.memory_space<vmem>> -> memref<64x256xf32, #tpu.memory_space<vmem>>
    %gather3A_378 = tpu.vector_load_idx %gather3A_377[%add3A_361, %and3A_358] : memref<64x256xf32, #tpu.memory_space<vmem>>[vector<16xi32>, vector<16xi32>], vector<16xf32>,
    %gather3A_379 = arith.constant 0 : i32
    %gather3A_380 = arith.constant 0 : i32
    %gather3A_381 = arith.constant 0 : i32
    %gather3A_382 = tpu.memref_slice %arg10[%gather3A_379, %gather3A_380, %gather3A_381] : memref<2x128x2xf32, #tpu.memory_space<vmem>> -> memref<1x128x2xf32, #tpu.memory_space<vmem>>
    %gather3A_383 = tpu.memref_squeeze %gather3A_382 : memref<1x128x2xf32, #tpu.memory_space<vmem>> -> memref<128x2xf32, #tpu.memory_space<vmem>>
    %gather3A_384 = tpu.vector_load_idx %gather3A_383[%add3A_364, %mul3A_5] : memref<128x2xf32, #tpu.memory_space<vmem>>[vector<16xi32>, vector<16xi32>], vector<16xf32>,
    %gather3A_385 = arith.constant 0 : i32
    %gather3A_386 = arith.constant 0 : i32
    %gather3A_387 = arith.constant 0 : i32
    %gather3A_388 = tpu.memref_slice %arg10[%gather3A_385, %gather3A_386, %gather3A_387] : memref<2x128x2xf32, #tpu.memory_space<vmem>> -> memref<1x128x2xf32, #tpu.memory_space<vmem>>
    %gather3A_389 = tpu.memref_squeeze %gather3A_388 : memref<1x128x2xf32, #tpu.memory_space<vmem>> -> memref<128x2xf32, #tpu.memory_space<vmem>>
    %gather3A_390 = tpu.vector_load_idx %gather3A_389[%add3A_364, %add3A_8] : memref<128x2xf32, #tpu.memory_space<vmem>>[vector<16xi32>, vector<16xi32>], vector<16xf32>,
    %get3A_391 = arith.constant 0 : i32
    %get3A_392 = arith.index_cast %get3A_391 : i32 to index
    %get3A_393 = arith.constant 16 : index
    %get3A_394 = tpu.vector_load %arg9[%get3A_392, %get3A_393] {strides = array<i32>} : memref<2x128xi32, #tpu.memory_space<vmem>>, vector<16xi32>,
    %convert_element_type3A_395 = arith.sitofp %get3A_394 : vector<16xi32> to vector<16xf32>
    %sub3A_396 = arith.subf %gather3A_371, %gather3A_384 : vector<16xf32>
    %abs3A_397 = math.absf %sub3A_396 : vector<16xf32>
    %sub3A_398 = arith.subf %gather3A_378, %gather3A_390 : vector<16xf32>
    %abs3A_399 = math.absf %sub3A_398 : vector<16xf32>
    %add3A_400 = arith.addf %abs3A_397, %abs3A_399 : vector<16xf32>
    %mul3A_401 = arith.mulf %convert_element_type3A_395, %add3A_400 : vector<16xf32>
    %add3A_402 = arith.addf %add3A_350, %mul3A_401 : vector<16xf32>
    %add3A_403 = arith.addf %add3A_351, %convert_element_type3A_395 : vector<16xf32>
    %get3A_404 = arith.constant 0 : i32
    %get3A_405 = arith.index_cast %get3A_404 : i32 to index
    %get3A_406 = arith.constant 32 : index
    %get3A_407 = tpu.vector_load %arg8[%get3A_405, %get3A_406] {strides = array<i32>} : memref<2x128xi32, #tpu.memory_space<vmem>>, vector<16xi32>,
    %and3A_408 = arith.constant 255 : i32
    %and3A_409 = vector.broadcast %and3A_408 : i32 to vector<16xi32>
    %and3A_410 = arith.andi %get3A_407, %and3A_409 : vector<16xi32>
    %add3A_411 = arith.constant 32 : i32
    %add3A_412 = vector.broadcast %add3A_411 : i32 to vector<16xi32>
    %add3A_413 = arith.addi %iota3A, %add3A_412 : vector<16xi32>
    %add3A_414 = arith.constant 32 : i32
    %add3A_415 = vector.broadcast %add3A_414 : i32 to vector<16xi32>
    %add3A_416 = arith.addi %iota3A, %add3A_415 : vector<16xi32>
    %gather3A_417 = arith.constant 0 : i32
    %gather3A_418 = arith.constant 0 : i32
    %gather3A_419 = arith.constant 0 : i32
    %gather3A_420 = arith.constant 0 : i32
    %gather3A_421 = tpu.memref_slice %arg12[%gather3A_417, %gather3A_418, %gather3A_419, %gather3A_420] : memref<2x2x64x256xf32, #tpu.memory_space<vmem>> -> memref<1x1x64x256xf32, #tpu.memory_space<vmem>>
    %gather3A_422 = tpu.memref_squeeze %gather3A_421 : memref<1x1x64x256xf32, #tpu.memory_space<vmem>> -> memref<64x256xf32, #tpu.memory_space<vmem>>
    %gather3A_423 = tpu.vector_load_idx %gather3A_422[%add3A_413, %and3A_410] : memref<64x256xf32, #tpu.memory_space<vmem>>[vector<16xi32>, vector<16xi32>], vector<16xf32>,
    %gather3A_424 = arith.constant 0 : i32
    %gather3A_425 = arith.constant 1 : i32
    %gather3A_426 = arith.constant 0 : i32
    %gather3A_427 = arith.constant 0 : i32
    %gather3A_428 = tpu.memref_slice %arg12[%gather3A_424, %gather3A_425, %gather3A_426, %gather3A_427] : memref<2x2x64x256xf32, #tpu.memory_space<vmem>> -> memref<1x1x64x256xf32, #tpu.memory_space<vmem>>
    %gather3A_429 = tpu.memref_squeeze %gather3A_428 : memref<1x1x64x256xf32, #tpu.memory_space<vmem>> -> memref<64x256xf32, #tpu.memory_space<vmem>>
    %gather3A_430 = tpu.vector_load_idx %gather3A_429[%add3A_413, %and3A_410] : memref<64x256xf32, #tpu.memory_space<vmem>>[vector<16xi32>, vector<16xi32>], vector<16xf32>,
    %gather3A_431 = arith.constant 0 : i32
    %gather3A_432 = arith.constant 0 : i32
    %gather3A_433 = arith.constant 0 : i32
    %gather3A_434 = tpu.memref_slice %arg10[%gather3A_431, %gather3A_432, %gather3A_433] : memref<2x128x2xf32, #tpu.memory_space<vmem>> -> memref<1x128x2xf32, #tpu.memory_space<vmem>>
    %gather3A_435 = tpu.memref_squeeze %gather3A_434 : memref<1x128x2xf32, #tpu.memory_space<vmem>> -> memref<128x2xf32, #tpu.memory_space<vmem>>
    %gather3A_436 = tpu.vector_load_idx %gather3A_435[%add3A_416, %mul3A_5] : memref<128x2xf32, #tpu.memory_space<vmem>>[vector<16xi32>, vector<16xi32>], vector<16xf32>,
    %gather3A_437 = arith.constant 0 : i32
    %gather3A_438 = arith.constant 0 : i32
    %gather3A_439 = arith.constant 0 : i32
    %gather3A_440 = tpu.memref_slice %arg10[%gather3A_437, %gather3A_438, %gather3A_439] : memref<2x128x2xf32, #tpu.memory_space<vmem>> -> memref<1x128x2xf32, #tpu.memory_space<vmem>>
    %gather3A_441 = tpu.memref_squeeze %gather3A_440 : memref<1x128x2xf32, #tpu.memory_space<vmem>> -> memref<128x2xf32, #tpu.memory_space<vmem>>
    %gather3A_442 = tpu.vector_load_idx %gather3A_441[%add3A_416, %add3A_8] : memref<128x2xf32, #tpu.memory_space<vmem>>[vector<16xi32>, vector<16xi32>], vector<16xf32>,
    %get3A_443 = arith.constant 0 : i32
    %get3A_444 = arith.index_cast %get3A_443 : i32 to index
    %get3A_445 = arith.constant 32 : index
    %get3A_446 = tpu.vector_load %arg9[%get3A_444, %get3A_445] {strides = array<i32>} : memref<2x128xi32, #tpu.memory_space<vmem>>, vector<16xi32>,
    %convert_element_type3A_447 = arith.sitofp %get3A_446 : vector<16xi32> to vector<16xf32>
    %sub3A_448 = arith.subf %gather3A_423, %gather3A_436 : vector<16xf32>
    %abs3A_449 = math.absf %sub3A_448 : vector<16xf32>
    %sub3A_450 = arith.subf %gather3A_430, %gather3A_442 : vector<16xf32>
    %abs3A_451 = math.absf %sub3A_450 : vector<16xf32>
    %add3A_452 = arith.addf %abs3A_449, %abs3A_451 : vector<16xf32>
    %mul3A_453 = arith.mulf %convert_element_type3A_447, %add3A_452 : vector<16xf32>
    %add3A_454 = arith.addf %add3A_402, %mul3A_453 : vector<16xf32>
    %add3A_455 = arith.addf %add3A_403, %convert_element_type3A_447 : vector<16xf32>
    %get3A_456 = arith.constant 0 : i32
    %get3A_457 = arith.index_cast %get3A_456 : i32 to index
    %get3A_458 = arith.constant 48 : index
    %get3A_459 = tpu.vector_load %arg8[%get3A_457, %get3A_458] {strides = array<i32>} : memref<2x128xi32, #tpu.memory_space<vmem>>, vector<16xi32>,
    %and3A_460 = arith.constant 255 : i32
    %and3A_461 = vector.broadcast %and3A_460 : i32 to vector<16xi32>
    %and3A_462 = arith.andi %get3A_459, %and3A_461 : vector<16xi32>
    %add3A_463 = arith.constant 48 : i32
    %add3A_464 = vector.broadcast %add3A_463 : i32 to vector<16xi32>
    %add3A_465 = arith.addi %iota3A, %add3A_464 : vector<16xi32>
    %add3A_466 = arith.constant 48 : i32
    %add3A_467 = vector.broadcast %add3A_466 : i32 to vector<16xi32>
    %add3A_468 = arith.addi %iota3A, %add3A_467 : vector<16xi32>
    %gather3A_469 = arith.constant 0 : i32
    %gather3A_470 = arith.constant 0 : i32
    %gather3A_471 = arith.constant 0 : i32
    %gather3A_472 = arith.constant 0 : i32
    %gather3A_473 = tpu.memref_slice %arg12[%gather3A_469, %gather3A_470, %gather3A_471, %gather3A_472] : memref<2x2x64x256xf32, #tpu.memory_space<vmem>> -> memref<1x1x64x256xf32, #tpu.memory_space<vmem>>
    %gather3A_474 = tpu.memref_squeeze %gather3A_473 : memref<1x1x64x256xf32, #tpu.memory_space<vmem>> -> memref<64x256xf32, #tpu.memory_space<vmem>>
    %gather3A_475 = tpu.vector_load_idx %gather3A_474[%add3A_465, %and3A_462] : memref<64x256xf32, #tpu.memory_space<vmem>>[vector<16xi32>, vector<16xi32>], vector<16xf32>,
    %gather3A_476 = arith.constant 0 : i32
    %gather3A_477 = arith.constant 1 : i32
    %gather3A_478 = arith.constant 0 : i32
    %gather3A_479 = arith.constant 0 : i32
    %gather3A_480 = tpu.memref_slice %arg12[%gather3A_476, %gather3A_477, %gather3A_478, %gather3A_479] : memref<2x2x64x256xf32, #tpu.memory_space<vmem>> -> memref<1x1x64x256xf32, #tpu.memory_space<vmem>>
    %gather3A_481 = tpu.memref_squeeze %gather3A_480 : memref<1x1x64x256xf32, #tpu.memory_space<vmem>> -> memref<64x256xf32, #tpu.memory_space<vmem>>
    %gather3A_482 = tpu.vector_load_idx %gather3A_481[%add3A_465, %and3A_462] : memref<64x256xf32, #tpu.memory_space<vmem>>[vector<16xi32>, vector<16xi32>], vector<16xf32>,
    %gather3A_483 = arith.constant 0 : i32
    %gather3A_484 = arith.constant 0 : i32
    %gather3A_485 = arith.constant 0 : i32
    %gather3A_486 = tpu.memref_slice %arg10[%gather3A_483, %gather3A_484, %gather3A_485] : memref<2x128x2xf32, #tpu.memory_space<vmem>> -> memref<1x128x2xf32, #tpu.memory_space<vmem>>
    %gather3A_487 = tpu.memref_squeeze %gather3A_486 : memref<1x128x2xf32, #tpu.memory_space<vmem>> -> memref<128x2xf32, #tpu.memory_space<vmem>>
    %gather3A_488 = tpu.vector_load_idx %gather3A_487[%add3A_468, %mul3A_5] : memref<128x2xf32, #tpu.memory_space<vmem>>[vector<16xi32>, vector<16xi32>], vector<16xf32>,
    %gather3A_489 = arith.constant 0 : i32
    %gather3A_490 = arith.constant 0 : i32
    %gather3A_491 = arith.constant 0 : i32
    %gather3A_492 = tpu.memref_slice %arg10[%gather3A_489, %gather3A_490, %gather3A_491] : memref<2x128x2xf32, #tpu.memory_space<vmem>> -> memref<1x128x2xf32, #tpu.memory_space<vmem>>
    %gather3A_493 = tpu.memref_squeeze %gather3A_492 : memref<1x128x2xf32, #tpu.memory_space<vmem>> -> memref<128x2xf32, #tpu.memory_space<vmem>>
    %gather3A_494 = tpu.vector_load_idx %gather3A_493[%add3A_468, %add3A_8] : memref<128x2xf32, #tpu.memory_space<vmem>>[vector<16xi32>, vector<16xi32>], vector<16xf32>,
    %get3A_495 = arith.constant 0 : i32
    %get3A_496 = arith.index_cast %get3A_495 : i32 to index
    %get3A_497 = arith.constant 48 : index
    %get3A_498 = tpu.vector_load %arg9[%get3A_496, %get3A_497] {strides = array<i32>} : memref<2x128xi32, #tpu.memory_space<vmem>>, vector<16xi32>,
    %convert_element_type3A_499 = arith.sitofp %get3A_498 : vector<16xi32> to vector<16xf32>
    %sub3A_500 = arith.subf %gather3A_475, %gather3A_488 : vector<16xf32>
    %abs3A_501 = math.absf %sub3A_500 : vector<16xf32>
    %sub3A_502 = arith.subf %gather3A_482, %gather3A_494 : vector<16xf32>
    %abs3A_503 = math.absf %sub3A_502 : vector<16xf32>
    %add3A_504 = arith.addf %abs3A_501, %abs3A_503 : vector<16xf32>
    %mul3A_505 = arith.mulf %convert_element_type3A_499, %add3A_504 : vector<16xf32>
    %add3A_506 = arith.addf %add3A_454, %mul3A_505 : vector<16xf32>
    %add3A_507 = arith.addf %add3A_455, %convert_element_type3A_499 : vector<16xf32>
    %add3A_508 = arith.constant 1 : i32
    %add3A_509 = arith.addi %mul3A_2, %add3A_508 : i32
    %mul3A_510 = arith.constant 512 : i32
    %mul3A_511 = arith.muli %add3A_509, %mul3A_510 : i32
    %get3A_512 = arith.constant 1 : i32
    %get3A_513 = arith.index_cast %get3A_512 : i32 to index
    %get3A_514 = arith.constant 0 : index
    %get3A_515 = tpu.vector_load %arg8[%get3A_513, %get3A_514] {strides = array<i32>} : memref<2x128xi32, #tpu.memory_space<vmem>>, vector<16xi32>,
    %shift_right_logical3A_516 = arith.constant 8 : i32
    %shift_right_logical3A_517 = vector.broadcast %shift_right_logical3A_516 : i32 to vector<16xi32>
    %shift_right_logical3A_518 = arith.shrui %get3A_515, %shift_right_logical3A_517 : vector<16xi32>
    %add3A_519 = vector.broadcast %mul3A_511 : i32 to vector<16xi32>
    %add3A_520 = arith.addi %shift_right_logical3A_518, %add3A_519 : vector<16xi32>
    %swap3A_521 = arith.constant 0 : i32
    %swap3A_522 = arith.constant 0 : i32
    %swap3A_523 = arith.index_cast %swap3A_521 : i32 to index
    %swap3A_524 = arith.index_cast %swap3A_522 : i32 to index
    %swap3A_525 = arith.constant 0 : index
    %swap3A_526 = tpu.vector_load %arg11[%swap3A_523, %swap3A_524, %swap3A_525] {strides = array<i32>} : memref<2x2x64xi32, #tpu.memory_space<vmem>>, vector<16xi32>,
    tpu.vector_store %arg11[%swap3A_523, %swap3A_524, %swap3A_525], %add3A_520 {strides = array<i32>} : memref<2x2x64xi32, #tpu.memory_space<vmem>>, vector<16xi32>,
    %add3A_527 = arith.constant 256 : i32
    %add3A_528 = arith.addi %mul3A_511, %add3A_527 : i32
    %add3A_529 = vector.broadcast %add3A_528 : i32 to vector<16xi32>
    %add3A_530 = arith.addi %shift_right_logical3A_518, %add3A_529 : vector<16xi32>
    %swap3A_531 = arith.constant 0 : i32
    %swap3A_532 = arith.constant 1 : i32
    %swap3A_533 = arith.index_cast %swap3A_531 : i32 to index
    %swap3A_534 = arith.index_cast %swap3A_532 : i32 to index
    %swap3A_535 = arith.constant 0 : index
    %swap3A_536 = tpu.vector_load %arg11[%swap3A_533, %swap3A_534, %swap3A_535] {strides = array<i32>} : memref<2x2x64xi32, #tpu.memory_space<vmem>>, vector<16xi32>,
    tpu.vector_store %arg11[%swap3A_533, %swap3A_534, %swap3A_535], %add3A_530 {strides = array<i32>} : memref<2x2x64xi32, #tpu.memory_space<vmem>>, vector<16xi32>,
    %get3A_537 = arith.constant 1 : i32
    %get3A_538 = arith.index_cast %get3A_537 : i32 to index
    %get3A_539 = arith.constant 16 : index
    %get3A_540 = tpu.vector_load %arg8[%get3A_538, %get3A_539] {strides = array<i32>} : memref<2x128xi32, #tpu.memory_space<vmem>>, vector<16xi32>,
    %shift_right_logical3A_541 = arith.constant 8 : i32
    %shift_right_logical3A_542 = vector.broadcast %shift_right_logical3A_541 : i32 to vector<16xi32>
    %shift_right_logical3A_543 = arith.shrui %get3A_540, %shift_right_logical3A_542 : vector<16xi32>
    %add3A_544 = vector.broadcast %mul3A_511 : i32 to vector<16xi32>
    %add3A_545 = arith.addi %shift_right_logical3A_543, %add3A_544 : vector<16xi32>
    %swap3A_546 = arith.constant 0 : i32
    %swap3A_547 = arith.constant 0 : i32
    %swap3A_548 = arith.index_cast %swap3A_546 : i32 to index
    %swap3A_549 = arith.index_cast %swap3A_547 : i32 to index
    %swap3A_550 = arith.constant 16 : index
    %swap3A_551 = tpu.vector_load %arg11[%swap3A_548, %swap3A_549, %swap3A_550] {strides = array<i32>} : memref<2x2x64xi32, #tpu.memory_space<vmem>>, vector<16xi32>,
    tpu.vector_store %arg11[%swap3A_548, %swap3A_549, %swap3A_550], %add3A_545 {strides = array<i32>} : memref<2x2x64xi32, #tpu.memory_space<vmem>>, vector<16xi32>,
    %add3A_552 = arith.constant 256 : i32
    %add3A_553 = arith.addi %mul3A_511, %add3A_552 : i32
    %add3A_554 = vector.broadcast %add3A_553 : i32 to vector<16xi32>
    %add3A_555 = arith.addi %shift_right_logical3A_543, %add3A_554 : vector<16xi32>
    %swap3A_556 = arith.constant 0 : i32
    %swap3A_557 = arith.constant 1 : i32
    %swap3A_558 = arith.index_cast %swap3A_556 : i32 to index
    %swap3A_559 = arith.index_cast %swap3A_557 : i32 to index
    %swap3A_560 = arith.constant 16 : index
    %swap3A_561 = tpu.vector_load %arg11[%swap3A_558, %swap3A_559, %swap3A_560] {strides = array<i32>} : memref<2x2x64xi32, #tpu.memory_space<vmem>>, vector<16xi32>,
    tpu.vector_store %arg11[%swap3A_558, %swap3A_559, %swap3A_560], %add3A_555 {strides = array<i32>} : memref<2x2x64xi32, #tpu.memory_space<vmem>>, vector<16xi32>,
    %get3A_562 = arith.constant 1 : i32
    %get3A_563 = arith.index_cast %get3A_562 : i32 to index
    %get3A_564 = arith.constant 32 : index
    %get3A_565 = tpu.vector_load %arg8[%get3A_563, %get3A_564] {strides = array<i32>} : memref<2x128xi32, #tpu.memory_space<vmem>>, vector<16xi32>,
    %shift_right_logical3A_566 = arith.constant 8 : i32
    %shift_right_logical3A_567 = vector.broadcast %shift_right_logical3A_566 : i32 to vector<16xi32>
    %shift_right_logical3A_568 = arith.shrui %get3A_565, %shift_right_logical3A_567 : vector<16xi32>
    %add3A_569 = vector.broadcast %mul3A_511 : i32 to vector<16xi32>
    %add3A_570 = arith.addi %shift_right_logical3A_568, %add3A_569 : vector<16xi32>
    %swap3A_571 = arith.constant 0 : i32
    %swap3A_572 = arith.constant 0 : i32
    %swap3A_573 = arith.index_cast %swap3A_571 : i32 to index
    %swap3A_574 = arith.index_cast %swap3A_572 : i32 to index
    %swap3A_575 = arith.constant 32 : index
    %swap3A_576 = tpu.vector_load %arg11[%swap3A_573, %swap3A_574, %swap3A_575] {strides = array<i32>} : memref<2x2x64xi32, #tpu.memory_space<vmem>>, vector<16xi32>,
    tpu.vector_store %arg11[%swap3A_573, %swap3A_574, %swap3A_575], %add3A_570 {strides = array<i32>} : memref<2x2x64xi32, #tpu.memory_space<vmem>>, vector<16xi32>,
    %add3A_577 = arith.constant 256 : i32
    %add3A_578 = arith.addi %mul3A_511, %add3A_577 : i32
    %add3A_579 = vector.broadcast %add3A_578 : i32 to vector<16xi32>
    %add3A_580 = arith.addi %shift_right_logical3A_568, %add3A_579 : vector<16xi32>
    %swap3A_581 = arith.constant 0 : i32
    %swap3A_582 = arith.constant 1 : i32
    %swap3A_583 = arith.index_cast %swap3A_581 : i32 to index
    %swap3A_584 = arith.index_cast %swap3A_582 : i32 to index
    %swap3A_585 = arith.constant 32 : index
    %swap3A_586 = tpu.vector_load %arg11[%swap3A_583, %swap3A_584, %swap3A_585] {strides = array<i32>} : memref<2x2x64xi32, #tpu.memory_space<vmem>>, vector<16xi32>,
    tpu.vector_store %arg11[%swap3A_583, %swap3A_584, %swap3A_585], %add3A_580 {strides = array<i32>} : memref<2x2x64xi32, #tpu.memory_space<vmem>>, vector<16xi32>,
    %get3A_587 = arith.constant 1 : i32
    %get3A_588 = arith.index_cast %get3A_587 : i32 to index
    %get3A_589 = arith.constant 48 : index
    %get3A_590 = tpu.vector_load %arg8[%get3A_588, %get3A_589] {strides = array<i32>} : memref<2x128xi32, #tpu.memory_space<vmem>>, vector<16xi32>,
    %shift_right_logical3A_591 = arith.constant 8 : i32
    %shift_right_logical3A_592 = vector.broadcast %shift_right_logical3A_591 : i32 to vector<16xi32>
    %shift_right_logical3A_593 = arith.shrui %get3A_590, %shift_right_logical3A_592 : vector<16xi32>
    %add3A_594 = vector.broadcast %mul3A_511 : i32 to vector<16xi32>
    %add3A_595 = arith.addi %shift_right_logical3A_593, %add3A_594 : vector<16xi32>
    %swap3A_596 = arith.constant 0 : i32
    %swap3A_597 = arith.constant 0 : i32
    %swap3A_598 = arith.index_cast %swap3A_596 : i32 to index
    %swap3A_599 = arith.index_cast %swap3A_597 : i32 to index
    %swap3A_600 = arith.constant 48 : index
    %swap3A_601 = tpu.vector_load %arg11[%swap3A_598, %swap3A_599, %swap3A_600] {strides = array<i32>} : memref<2x2x64xi32, #tpu.memory_space<vmem>>, vector<16xi32>,
    tpu.vector_store %arg11[%swap3A_598, %swap3A_599, %swap3A_600], %add3A_595 {strides = array<i32>} : memref<2x2x64xi32, #tpu.memory_space<vmem>>, vector<16xi32>,
    %add3A_602 = arith.constant 256 : i32
    %add3A_603 = arith.addi %mul3A_511, %add3A_602 : i32
    %add3A_604 = vector.broadcast %add3A_603 : i32 to vector<16xi32>
    %add3A_605 = arith.addi %shift_right_logical3A_593, %add3A_604 : vector<16xi32>
    %swap3A_606 = arith.constant 0 : i32
    %swap3A_607 = arith.constant 1 : i32
    %swap3A_608 = arith.index_cast %swap3A_606 : i32 to index
    %swap3A_609 = arith.index_cast %swap3A_607 : i32 to index
    %swap3A_610 = arith.constant 48 : index
    %swap3A_611 = tpu.vector_load %arg11[%swap3A_608, %swap3A_609, %swap3A_610] {strides = array<i32>} : memref<2x2x64xi32, #tpu.memory_space<vmem>>, vector<16xi32>,
    tpu.vector_store %arg11[%swap3A_608, %swap3A_609, %swap3A_610], %add3A_605 {strides = array<i32>} : memref<2x2x64xi32, #tpu.memory_space<vmem>>, vector<16xi32>,
    %dma_start3A_612 = arith.constant 0 : i32
    %dma_start3A_613 = arith.constant 0 : i32
    %dma_start3A_614 = arith.constant 0 : i32
    %dma_start3A_615 = arith.constant 0 : i32
    %dma_start3A_616 = arith.constant 0 : i32
    %dma_start3A_617 = arith.constant 0 : i32
    %dma_start3A_618 = tpu.memref_slice %arg12[%dma_start3A_614, %dma_start3A_615, %dma_start3A_616, %dma_start3A_617] : memref<2x2x64x256xf32, #tpu.memory_space<vmem>> -> memref<1x1x64x256xf32, #tpu.memory_space<vmem>>
    %dma_start3A_619 = tpu.memref_squeeze %dma_start3A_618 : memref<1x1x64x256xf32, #tpu.memory_space<vmem>> -> memref<64x256xf32, #tpu.memory_space<vmem>>
    %dma_start3A_620 = arith.constant 0 : i32
    %dma_start3A_621 = tpu.memref_slice %arg11[%dma_start3A_612, %dma_start3A_613, %dma_start3A_620] : memref<2x2x64xi32, #tpu.memory_space<vmem>> -> memref<1x1x64xi32, #tpu.memory_space<vmem>>
    %dma_start3A_622 = tpu.memref_squeeze %dma_start3A_621 : memref<1x1x64xi32, #tpu.memory_space<vmem>> -> memref<64xi32, #tpu.memory_space<vmem>>
    %dma_start3A_623 = tpu.memref_reshape %arg2 : memref<64x2x256x256xf32, #tpu.memory_space<hbm>> -> memref<32768x256xf32, #tpu.memory_space<hbm>>
    %dma_start3A_624 = arith.constant 0 : i32
    %dma_start3A_625 = arith.constant 0 : i32
    %dma_start3A_626 = tpu.memref_slice %dma_start3A_623[%dma_start3A_624, %dma_start3A_625] : memref<32768x256xf32, #tpu.memory_space<hbm>> -> memref<32768x256xf32, #tpu.memory_space<hbm>>
    tpu.enqueue_indirect_dma source(%dma_start3A_626 : memref<32768x256xf32, #tpu.memory_space<hbm>>) target(%dma_start3A_619 : memref<64x256xf32, #tpu.memory_space<vmem>>) offsets(%dma_start3A_622 : memref<64xi32, #tpu.memory_space<vmem>>) semaphore(%arg16 : memref<!tpu.dma_semaphore, #tpu.memory_space<semaphore_mem>>)
    %dma_start3A_627 = arith.constant 0 : i32
    %dma_start3A_628 = arith.constant 1 : i32
    %dma_start3A_629 = arith.constant 0 : i32
    %dma_start3A_630 = arith.constant 1 : i32
    %dma_start3A_631 = arith.constant 0 : i32
    %dma_start3A_632 = arith.constant 0 : i32
    %dma_start3A_633 = tpu.memref_slice %arg12[%dma_start3A_629, %dma_start3A_630, %dma_start3A_631, %dma_start3A_632] : memref<2x2x64x256xf32, #tpu.memory_space<vmem>> -> memref<1x1x64x256xf32, #tpu.memory_space<vmem>>
    %dma_start3A_634 = tpu.memref_squeeze %dma_start3A_633 : memref<1x1x64x256xf32, #tpu.memory_space<vmem>> -> memref<64x256xf32, #tpu.memory_space<vmem>>
    %dma_start3A_635 = arith.constant 0 : i32
    %dma_start3A_636 = tpu.memref_slice %arg11[%dma_start3A_627, %dma_start3A_628, %dma_start3A_635] : memref<2x2x64xi32, #tpu.memory_space<vmem>> -> memref<1x1x64xi32, #tpu.memory_space<vmem>>
    %dma_start3A_637 = tpu.memref_squeeze %dma_start3A_636 : memref<1x1x64xi32, #tpu.memory_space<vmem>> -> memref<64xi32, #tpu.memory_space<vmem>>
    %dma_start3A_638 = tpu.memref_reshape %arg2 : memref<64x2x256x256xf32, #tpu.memory_space<hbm>> -> memref<32768x256xf32, #tpu.memory_space<hbm>>
    %dma_start3A_639 = arith.constant 0 : i32
    %dma_start3A_640 = arith.constant 0 : i32
    %dma_start3A_641 = tpu.memref_slice %dma_start3A_638[%dma_start3A_639, %dma_start3A_640] : memref<32768x256xf32, #tpu.memory_space<hbm>> -> memref<32768x256xf32, #tpu.memory_space<hbm>>
    tpu.enqueue_indirect_dma source(%dma_start3A_641 : memref<32768x256xf32, #tpu.memory_space<hbm>>) target(%dma_start3A_634 : memref<64x256xf32, #tpu.memory_space<vmem>>) offsets(%dma_start3A_637 : memref<64xi32, #tpu.memory_space<vmem>>) semaphore(%arg16 : memref<!tpu.dma_semaphore, #tpu.memory_space<semaphore_mem>>)
    %dma_wait3A_642 = arith.constant 1 : i32
    %dma_wait3A_643 = arith.constant 0 : i32
    %dma_wait3A_644 = arith.constant 1 : i32
    %dma_wait3A_645 = arith.constant 0 : i32
    %dma_wait3A_646 = arith.constant 0 : i32
    %dma_wait3A_647 = arith.constant 0 : i32
    %dma_wait3A_648 = tpu.memref_slice %arg12[%dma_wait3A_644, %dma_wait3A_645, %dma_wait3A_646, %dma_wait3A_647] : memref<2x2x64x256xf32, #tpu.memory_space<vmem>> -> memref<1x1x64x256xf32, #tpu.memory_space<vmem>>
    %dma_wait3A_649 = tpu.memref_squeeze %dma_wait3A_648 : memref<1x1x64x256xf32, #tpu.memory_space<vmem>> -> memref<64x256xf32, #tpu.memory_space<vmem>>
    %dma_wait3A_650 = arith.constant 0 : i32
    %dma_wait3A_651 = tpu.memref_slice %arg11[%dma_wait3A_642, %dma_wait3A_643, %dma_wait3A_650] : memref<2x2x64xi32, #tpu.memory_space<vmem>> -> memref<1x1x64xi32, #tpu.memory_space<vmem>>
    %dma_wait3A_652 = tpu.memref_squeeze %dma_wait3A_651 : memref<1x1x64xi32, #tpu.memory_space<vmem>> -> memref<64xi32, #tpu.memory_space<vmem>>
    %dma_wait3A_653 = tpu.memref_reshape %arg2 : memref<64x2x256x256xf32, #tpu.memory_space<hbm>> -> memref<32768x256xf32, #tpu.memory_space<hbm>>
    %dma_wait3A_654 = arith.constant 0 : i32
    %dma_wait3A_655 = arith.constant 0 : i32
    %dma_wait3A_656 = tpu.memref_slice %dma_wait3A_653[%dma_wait3A_654, %dma_wait3A_655] : memref<32768x256xf32, #tpu.memory_space<hbm>> -> memref<32768x256xf32, #tpu.memory_space<hbm>>
    tpu.wait_indirect_dma semaphore(%arg17 : memref<!tpu.dma_semaphore, #tpu.memory_space<semaphore_mem>>) src(%dma_wait3A_656 : memref<32768x256xf32, #tpu.memory_space<hbm>>) dst(%dma_wait3A_649 : memref<64x256xf32, #tpu.memory_space<vmem>>)
    %dma_wait3A_657 = arith.constant 1 : i32
    %dma_wait3A_658 = arith.constant 1 : i32
    %dma_wait3A_659 = arith.constant 1 : i32
    %dma_wait3A_660 = arith.constant 1 : i32
    %dma_wait3A_661 = arith.constant 0 : i32
    %dma_wait3A_662 = arith.constant 0 : i32
    %dma_wait3A_663 = tpu.memref_slice %arg12[%dma_wait3A_659, %dma_wait3A_660, %dma_wait3A_661, %dma_wait3A_662] : memref<2x2x64x256xf32, #tpu.memory_space<vmem>> -> memref<1x1x64x256xf32, #tpu.memory_space<vmem>>
    %dma_wait3A_664 = tpu.memref_squeeze %dma_wait3A_663 : memref<1x1x64x256xf32, #tpu.memory_space<vmem>> -> memref<64x256xf32, #tpu.memory_space<vmem>>
    %dma_wait3A_665 = arith.constant 0 : i32
    %dma_wait3A_666 = tpu.memref_slice %arg11[%dma_wait3A_657, %dma_wait3A_658, %dma_wait3A_665] : memref<2x2x64xi32, #tpu.memory_space<vmem>> -> memref<1x1x64xi32, #tpu.memory_space<vmem>>
    %dma_wait3A_667 = tpu.memref_squeeze %dma_wait3A_666 : memref<1x1x64xi32, #tpu.memory_space<vmem>> -> memref<64xi32, #tpu.memory_space<vmem>>
    %dma_wait3A_668 = tpu.memref_reshape %arg2 : memref<64x2x256x256xf32, #tpu.memory_space<hbm>> -> memref<32768x256xf32, #tpu.memory_space<hbm>>
    %dma_wait3A_669 = arith.constant 0 : i32
    %dma_wait3A_670 = arith.constant 0 : i32
    %dma_wait3A_671 = tpu.memref_slice %dma_wait3A_668[%dma_wait3A_669, %dma_wait3A_670] : memref<32768x256xf32, #tpu.memory_space<hbm>> -> memref<32768x256xf32, #tpu.memory_space<hbm>>
    tpu.wait_indirect_dma semaphore(%arg17 : memref<!tpu.dma_semaphore, #tpu.memory_space<semaphore_mem>>) src(%dma_wait3A_671 : memref<32768x256xf32, #tpu.memory_space<hbm>>) dst(%dma_wait3A_664 : memref<64x256xf32, #tpu.memory_space<vmem>>)
    %get3A_672 = arith.constant 0 : i32
    %get3A_673 = arith.index_cast %get3A_672 : i32 to index
    %get3A_674 = arith.constant 64 : index
    %get3A_675 = tpu.vector_load %arg8[%get3A_673, %get3A_674] {strides = array<i32>} : memref<2x128xi32, #tpu.memory_space<vmem>>, vector<16xi32>,
    %and3A_676 = arith.constant 255 : i32
    %and3A_677 = vector.broadcast %and3A_676 : i32 to vector<16xi32>
    %and3A_678 = arith.andi %get3A_675, %and3A_677 : vector<16xi32>
    %add3A_679 = arith.constant 0 : i32
    %add3A_680 = vector.broadcast %add3A_679 : i32 to vector<16xi32>
    %add3A_681 = arith.addi %iota3A, %add3A_680 : vector<16xi32>
    %add3A_682 = arith.constant 64 : i32
    %add3A_683 = vector.broadcast %add3A_682 : i32 to vector<16xi32>
    %add3A_684 = arith.addi %iota3A, %add3A_683 : vector<16xi32>
    %gather3A_685 = arith.constant 1 : i32
    %gather3A_686 = arith.constant 0 : i32
    %gather3A_687 = arith.constant 0 : i32
    %gather3A_688 = arith.constant 0 : i32
    %gather3A_689 = tpu.memref_slice %arg12[%gather3A_685, %gather3A_686, %gather3A_687, %gather3A_688] : memref<2x2x64x256xf32, #tpu.memory_space<vmem>> -> memref<1x1x64x256xf32, #tpu.memory_space<vmem>>
    %gather3A_690 = tpu.memref_squeeze %gather3A_689 : memref<1x1x64x256xf32, #tpu.memory_space<vmem>> -> memref<64x256xf32, #tpu.memory_space<vmem>>
    %gather3A_691 = tpu.vector_load_idx %gather3A_690[%add3A_681, %and3A_678] : memref<64x256xf32, #tpu.memory_space<vmem>>[vector<16xi32>, vector<16xi32>], vector<16xf32>,
    %gather3A_692 = arith.constant 1 : i32
    %gather3A_693 = arith.constant 1 : i32
    %gather3A_694 = arith.constant 0 : i32
    %gather3A_695 = arith.constant 0 : i32
    %gather3A_696 = tpu.memref_slice %arg12[%gather3A_692, %gather3A_693, %gather3A_694, %gather3A_695] : memref<2x2x64x256xf32, #tpu.memory_space<vmem>> -> memref<1x1x64x256xf32, #tpu.memory_space<vmem>>
    %gather3A_697 = tpu.memref_squeeze %gather3A_696 : memref<1x1x64x256xf32, #tpu.memory_space<vmem>> -> memref<64x256xf32, #tpu.memory_space<vmem>>
    %gather3A_698 = tpu.vector_load_idx %gather3A_697[%add3A_681, %and3A_678] : memref<64x256xf32, #tpu.memory_space<vmem>>[vector<16xi32>, vector<16xi32>], vector<16xf32>,
    %gather3A_699 = arith.constant 0 : i32
    %gather3A_700 = arith.constant 0 : i32
    %gather3A_701 = arith.constant 0 : i32
    %gather3A_702 = tpu.memref_slice %arg10[%gather3A_699, %gather3A_700, %gather3A_701] : memref<2x128x2xf32, #tpu.memory_space<vmem>> -> memref<1x128x2xf32, #tpu.memory_space<vmem>>
    %gather3A_703 = tpu.memref_squeeze %gather3A_702 : memref<1x128x2xf32, #tpu.memory_space<vmem>> -> memref<128x2xf32, #tpu.memory_space<vmem>>
    %gather3A_704 = tpu.vector_load_idx %gather3A_703[%add3A_684, %mul3A_5] : memref<128x2xf32, #tpu.memory_space<vmem>>[vector<16xi32>, vector<16xi32>], vector<16xf32>,
    %gather3A_705 = arith.constant 0 : i32
    %gather3A_706 = arith.constant 0 : i32
    %gather3A_707 = arith.constant 0 : i32
    %gather3A_708 = tpu.memref_slice %arg10[%gather3A_705, %gather3A_706, %gather3A_707] : memref<2x128x2xf32, #tpu.memory_space<vmem>> -> memref<1x128x2xf32, #tpu.memory_space<vmem>>
    %gather3A_709 = tpu.memref_squeeze %gather3A_708 : memref<1x128x2xf32, #tpu.memory_space<vmem>> -> memref<128x2xf32, #tpu.memory_space<vmem>>
    %gather3A_710 = tpu.vector_load_idx %gather3A_709[%add3A_684, %add3A_8] : memref<128x2xf32, #tpu.memory_space<vmem>>[vector<16xi32>, vector<16xi32>], vector<16xf32>,
    %get3A_711 = arith.constant 0 : i32
    %get3A_712 = arith.index_cast %get3A_711 : i32 to index
    %get3A_713 = arith.constant 64 : index
    %get3A_714 = tpu.vector_load %arg9[%get3A_712, %get3A_713] {strides = array<i32>} : memref<2x128xi32, #tpu.memory_space<vmem>>, vector<16xi32>,
    %convert_element_type3A_715 = arith.sitofp %get3A_714 : vector<16xi32> to vector<16xf32>
    %sub3A_716 = arith.subf %gather3A_691, %gather3A_704 : vector<16xf32>
    %abs3A_717 = math.absf %sub3A_716 : vector<16xf32>
    %sub3A_718 = arith.subf %gather3A_698, %gather3A_710 : vector<16xf32>
    %abs3A_719 = math.absf %sub3A_718 : vector<16xf32>
    %add3A_720 = arith.addf %abs3A_717, %abs3A_719 : vector<16xf32>
    %mul3A_721 = arith.mulf %convert_element_type3A_715, %add3A_720 : vector<16xf32>
    %add3A_722 = arith.addf %add3A_506, %mul3A_721 : vector<16xf32>
    %add3A_723 = arith.addf %add3A_507, %convert_element_type3A_715 : vector<16xf32>
    %get3A_724 = arith.constant 0 : i32
    %get3A_725 = arith.index_cast %get3A_724 : i32 to index
    %get3A_726 = arith.constant 80 : index
    %get3A_727 = tpu.vector_load %arg8[%get3A_725, %get3A_726] {strides = array<i32>} : memref<2x128xi32, #tpu.memory_space<vmem>>, vector<16xi32>,
    %and3A_728 = arith.constant 255 : i32
    %and3A_729 = vector.broadcast %and3A_728 : i32 to vector<16xi32>
    %and3A_730 = arith.andi %get3A_727, %and3A_729 : vector<16xi32>
    %add3A_731 = arith.constant 16 : i32
    %add3A_732 = vector.broadcast %add3A_731 : i32 to vector<16xi32>
    %add3A_733 = arith.addi %iota3A, %add3A_732 : vector<16xi32>
    %add3A_734 = arith.constant 80 : i32
    %add3A_735 = vector.broadcast %add3A_734 : i32 to vector<16xi32>
    %add3A_736 = arith.addi %iota3A, %add3A_735 : vector<16xi32>
    %gather3A_737 = arith.constant 1 : i32
    %gather3A_738 = arith.constant 0 : i32
    %gather3A_739 = arith.constant 0 : i32
    %gather3A_740 = arith.constant 0 : i32
    %gather3A_741 = tpu.memref_slice %arg12[%gather3A_737, %gather3A_738, %gather3A_739, %gather3A_740] : memref<2x2x64x256xf32, #tpu.memory_space<vmem>> -> memref<1x1x64x256xf32, #tpu.memory_space<vmem>>
    %gather3A_742 = tpu.memref_squeeze %gather3A_741 : memref<1x1x64x256xf32, #tpu.memory_space<vmem>> -> memref<64x256xf32, #tpu.memory_space<vmem>>
    %gather3A_743 = tpu.vector_load_idx %gather3A_742[%add3A_733, %and3A_730] : memref<64x256xf32, #tpu.memory_space<vmem>>[vector<16xi32>, vector<16xi32>], vector<16xf32>,
    %gather3A_744 = arith.constant 1 : i32
    %gather3A_745 = arith.constant 1 : i32
    %gather3A_746 = arith.constant 0 : i32
    %gather3A_747 = arith.constant 0 : i32
    %gather3A_748 = tpu.memref_slice %arg12[%gather3A_744, %gather3A_745, %gather3A_746, %gather3A_747] : memref<2x2x64x256xf32, #tpu.memory_space<vmem>> -> memref<1x1x64x256xf32, #tpu.memory_space<vmem>>
    %gather3A_749 = tpu.memref_squeeze %gather3A_748 : memref<1x1x64x256xf32, #tpu.memory_space<vmem>> -> memref<64x256xf32, #tpu.memory_space<vmem>>
    %gather3A_750 = tpu.vector_load_idx %gather3A_749[%add3A_733, %and3A_730] : memref<64x256xf32, #tpu.memory_space<vmem>>[vector<16xi32>, vector<16xi32>], vector<16xf32>,
    %gather3A_751 = arith.constant 0 : i32
    %gather3A_752 = arith.constant 0 : i32
    %gather3A_753 = arith.constant 0 : i32
    %gather3A_754 = tpu.memref_slice %arg10[%gather3A_751, %gather3A_752, %gather3A_753] : memref<2x128x2xf32, #tpu.memory_space<vmem>> -> memref<1x128x2xf32, #tpu.memory_space<vmem>>
    %gather3A_755 = tpu.memref_squeeze %gather3A_754 : memref<1x128x2xf32, #tpu.memory_space<vmem>> -> memref<128x2xf32, #tpu.memory_space<vmem>>
    %gather3A_756 = tpu.vector_load_idx %gather3A_755[%add3A_736, %mul3A_5] : memref<128x2xf32, #tpu.memory_space<vmem>>[vector<16xi32>, vector<16xi32>], vector<16xf32>,
    %gather3A_757 = arith.constant 0 : i32
    %gather3A_758 = arith.constant 0 : i32
    %gather3A_759 = arith.constant 0 : i32
    %gather3A_760 = tpu.memref_slice %arg10[%gather3A_757, %gather3A_758, %gather3A_759] : memref<2x128x2xf32, #tpu.memory_space<vmem>> -> memref<1x128x2xf32, #tpu.memory_space<vmem>>
    %gather3A_761 = tpu.memref_squeeze %gather3A_760 : memref<1x128x2xf32, #tpu.memory_space<vmem>> -> memref<128x2xf32, #tpu.memory_space<vmem>>
    %gather3A_762 = tpu.vector_load_idx %gather3A_761[%add3A_736, %add3A_8] : memref<128x2xf32, #tpu.memory_space<vmem>>[vector<16xi32>, vector<16xi32>], vector<16xf32>,
    %get3A_763 = arith.constant 0 : i32
    %get3A_764 = arith.index_cast %get3A_763 : i32 to index
    %get3A_765 = arith.constant 80 : index
    %get3A_766 = tpu.vector_load %arg9[%get3A_764, %get3A_765] {strides = array<i32>} : memref<2x128xi32, #tpu.memory_space<vmem>>, vector<16xi32>,
    %convert_element_type3A_767 = arith.sitofp %get3A_766 : vector<16xi32> to vector<16xf32>
    %sub3A_768 = arith.subf %gather3A_743, %gather3A_756 : vector<16xf32>
    %abs3A_769 = math.absf %sub3A_768 : vector<16xf32>
    %sub3A_770 = arith.subf %gather3A_750, %gather3A_762 : vector<16xf32>
    %abs3A_771 = math.absf %sub3A_770 : vector<16xf32>
    %add3A_772 = arith.addf %abs3A_769, %abs3A_771 : vector<16xf32>
    %mul3A_773 = arith.mulf %convert_element_type3A_767, %add3A_772 : vector<16xf32>
    %add3A_774 = arith.addf %add3A_722, %mul3A_773 : vector<16xf32>
    %add3A_775 = arith.addf %add3A_723, %convert_element_type3A_767 : vector<16xf32>
    %get3A_776 = arith.constant 0 : i32
    %get3A_777 = arith.index_cast %get3A_776 : i32 to index
    %get3A_778 = arith.constant 96 : index
    %get3A_779 = tpu.vector_load %arg8[%get3A_777, %get3A_778] {strides = array<i32>} : memref<2x128xi32, #tpu.memory_space<vmem>>, vector<16xi32>,
    %and3A_780 = arith.constant 255 : i32
    %and3A_781 = vector.broadcast %and3A_780 : i32 to vector<16xi32>
    %and3A_782 = arith.andi %get3A_779, %and3A_781 : vector<16xi32>
    %add3A_783 = arith.constant 32 : i32
    %add3A_784 = vector.broadcast %add3A_783 : i32 to vector<16xi32>
    %add3A_785 = arith.addi %iota3A, %add3A_784 : vector<16xi32>
    %add3A_786 = arith.constant 96 : i32
    %add3A_787 = vector.broadcast %add3A_786 : i32 to vector<16xi32>
    %add3A_788 = arith.addi %iota3A, %add3A_787 : vector<16xi32>
    %gather3A_789 = arith.constant 1 : i32
    %gather3A_790 = arith.constant 0 : i32
    %gather3A_791 = arith.constant 0 : i32
    %gather3A_792 = arith.constant 0 : i32
    %gather3A_793 = tpu.memref_slice %arg12[%gather3A_789, %gather3A_790, %gather3A_791, %gather3A_792] : memref<2x2x64x256xf32, #tpu.memory_space<vmem>> -> memref<1x1x64x256xf32, #tpu.memory_space<vmem>>
    %gather3A_794 = tpu.memref_squeeze %gather3A_793 : memref<1x1x64x256xf32, #tpu.memory_space<vmem>> -> memref<64x256xf32, #tpu.memory_space<vmem>>
    %gather3A_795 = tpu.vector_load_idx %gather3A_794[%add3A_785, %and3A_782] : memref<64x256xf32, #tpu.memory_space<vmem>>[vector<16xi32>, vector<16xi32>], vector<16xf32>,
    %gather3A_796 = arith.constant 1 : i32
    %gather3A_797 = arith.constant 1 : i32
    %gather3A_798 = arith.constant 0 : i32
    %gather3A_799 = arith.constant 0 : i32
    %gather3A_800 = tpu.memref_slice %arg12[%gather3A_796, %gather3A_797, %gather3A_798, %gather3A_799] : memref<2x2x64x256xf32, #tpu.memory_space<vmem>> -> memref<1x1x64x256xf32, #tpu.memory_space<vmem>>
    %gather3A_801 = tpu.memref_squeeze %gather3A_800 : memref<1x1x64x256xf32, #tpu.memory_space<vmem>> -> memref<64x256xf32, #tpu.memory_space<vmem>>
    %gather3A_802 = tpu.vector_load_idx %gather3A_801[%add3A_785, %and3A_782] : memref<64x256xf32, #tpu.memory_space<vmem>>[vector<16xi32>, vector<16xi32>], vector<16xf32>,
    %gather3A_803 = arith.constant 0 : i32
    %gather3A_804 = arith.constant 0 : i32
    %gather3A_805 = arith.constant 0 : i32
    %gather3A_806 = tpu.memref_slice %arg10[%gather3A_803, %gather3A_804, %gather3A_805] : memref<2x128x2xf32, #tpu.memory_space<vmem>> -> memref<1x128x2xf32, #tpu.memory_space<vmem>>
    %gather3A_807 = tpu.memref_squeeze %gather3A_806 : memref<1x128x2xf32, #tpu.memory_space<vmem>> -> memref<128x2xf32, #tpu.memory_space<vmem>>
    %gather3A_808 = tpu.vector_load_idx %gather3A_807[%add3A_788, %mul3A_5] : memref<128x2xf32, #tpu.memory_space<vmem>>[vector<16xi32>, vector<16xi32>], vector<16xf32>,
    %gather3A_809 = arith.constant 0 : i32
    %gather3A_810 = arith.constant 0 : i32
    %gather3A_811 = arith.constant 0 : i32
    %gather3A_812 = tpu.memref_slice %arg10[%gather3A_809, %gather3A_810, %gather3A_811] : memref<2x128x2xf32, #tpu.memory_space<vmem>> -> memref<1x128x2xf32, #tpu.memory_space<vmem>>
    %gather3A_813 = tpu.memref_squeeze %gather3A_812 : memref<1x128x2xf32, #tpu.memory_space<vmem>> -> memref<128x2xf32, #tpu.memory_space<vmem>>
    %gather3A_814 = tpu.vector_load_idx %gather3A_813[%add3A_788, %add3A_8] : memref<128x2xf32, #tpu.memory_space<vmem>>[vector<16xi32>, vector<16xi32>], vector<16xf32>,
    %get3A_815 = arith.constant 0 : i32
    %get3A_816 = arith.index_cast %get3A_815 : i32 to index
    %get3A_817 = arith.constant 96 : index
    %get3A_818 = tpu.vector_load %arg9[%get3A_816, %get3A_817] {strides = array<i32>} : memref<2x128xi32, #tpu.memory_space<vmem>>, vector<16xi32>,
    %convert_element_type3A_819 = arith.sitofp %get3A_818 : vector<16xi32> to vector<16xf32>
    %sub3A_820 = arith.subf %gather3A_795, %gather3A_808 : vector<16xf32>
    %abs3A_821 = math.absf %sub3A_820 : vector<16xf32>
    %sub3A_822 = arith.subf %gather3A_802, %gather3A_814 : vector<16xf32>
    %abs3A_823 = math.absf %sub3A_822 : vector<16xf32>
    %add3A_824 = arith.addf %abs3A_821, %abs3A_823 : vector<16xf32>
    %mul3A_825 = arith.mulf %convert_element_type3A_819, %add3A_824 : vector<16xf32>
    %add3A_826 = arith.addf %add3A_774, %mul3A_825 : vector<16xf32>
    %add3A_827 = arith.addf %add3A_775, %convert_element_type3A_819 : vector<16xf32>
    %get3A_828 = arith.constant 0 : i32
    %get3A_829 = arith.index_cast %get3A_828 : i32 to index
    %get3A_830 = arith.constant 112 : index
    %get3A_831 = tpu.vector_load %arg8[%get3A_829, %get3A_830] {strides = array<i32>} : memref<2x128xi32, #tpu.memory_space<vmem>>, vector<16xi32>,
    %and3A_832 = arith.constant 255 : i32
    %and3A_833 = vector.broadcast %and3A_832 : i32 to vector<16xi32>
    %and3A_834 = arith.andi %get3A_831, %and3A_833 : vector<16xi32>
    %add3A_835 = arith.constant 48 : i32
    %add3A_836 = vector.broadcast %add3A_835 : i32 to vector<16xi32>
    %add3A_837 = arith.addi %iota3A, %add3A_836 : vector<16xi32>
    %add3A_838 = arith.constant 112 : i32
    %add3A_839 = vector.broadcast %add3A_838 : i32 to vector<16xi32>
    %add3A_840 = arith.addi %iota3A, %add3A_839 : vector<16xi32>
    %gather3A_841 = arith.constant 1 : i32
    %gather3A_842 = arith.constant 0 : i32
    %gather3A_843 = arith.constant 0 : i32
    %gather3A_844 = arith.constant 0 : i32
    %gather3A_845 = tpu.memref_slice %arg12[%gather3A_841, %gather3A_842, %gather3A_843, %gather3A_844] : memref<2x2x64x256xf32, #tpu.memory_space<vmem>> -> memref<1x1x64x256xf32, #tpu.memory_space<vmem>>
    %gather3A_846 = tpu.memref_squeeze %gather3A_845 : memref<1x1x64x256xf32, #tpu.memory_space<vmem>> -> memref<64x256xf32, #tpu.memory_space<vmem>>
    %gather3A_847 = tpu.vector_load_idx %gather3A_846[%add3A_837, %and3A_834] : memref<64x256xf32, #tpu.memory_space<vmem>>[vector<16xi32>, vector<16xi32>], vector<16xf32>,
    %gather3A_848 = arith.constant 1 : i32
    %gather3A_849 = arith.constant 1 : i32
    %gather3A_850 = arith.constant 0 : i32
    %gather3A_851 = arith.constant 0 : i32
    %gather3A_852 = tpu.memref_slice %arg12[%gather3A_848, %gather3A_849, %gather3A_850, %gather3A_851] : memref<2x2x64x256xf32, #tpu.memory_space<vmem>> -> memref<1x1x64x256xf32, #tpu.memory_space<vmem>>
    %gather3A_853 = tpu.memref_squeeze %gather3A_852 : memref<1x1x64x256xf32, #tpu.memory_space<vmem>> -> memref<64x256xf32, #tpu.memory_space<vmem>>
    %gather3A_854 = tpu.vector_load_idx %gather3A_853[%add3A_837, %and3A_834] : memref<64x256xf32, #tpu.memory_space<vmem>>[vector<16xi32>, vector<16xi32>], vector<16xf32>,
    %gather3A_855 = arith.constant 0 : i32
    %gather3A_856 = arith.constant 0 : i32
    %gather3A_857 = arith.constant 0 : i32
    %gather3A_858 = tpu.memref_slice %arg10[%gather3A_855, %gather3A_856, %gather3A_857] : memref<2x128x2xf32, #tpu.memory_space<vmem>> -> memref<1x128x2xf32, #tpu.memory_space<vmem>>
    %gather3A_859 = tpu.memref_squeeze %gather3A_858 : memref<1x128x2xf32, #tpu.memory_space<vmem>> -> memref<128x2xf32, #tpu.memory_space<vmem>>
    %gather3A_860 = tpu.vector_load_idx %gather3A_859[%add3A_840, %mul3A_5] : memref<128x2xf32, #tpu.memory_space<vmem>>[vector<16xi32>, vector<16xi32>], vector<16xf32>,
    %gather3A_861 = arith.constant 0 : i32
    %gather3A_862 = arith.constant 0 : i32
    %gather3A_863 = arith.constant 0 : i32
    %gather3A_864 = tpu.memref_slice %arg10[%gather3A_861, %gather3A_862, %gather3A_863] : memref<2x128x2xf32, #tpu.memory_space<vmem>> -> memref<1x128x2xf32, #tpu.memory_space<vmem>>
    %gather3A_865 = tpu.memref_squeeze %gather3A_864 : memref<1x128x2xf32, #tpu.memory_space<vmem>> -> memref<128x2xf32, #tpu.memory_space<vmem>>
    %gather3A_866 = tpu.vector_load_idx %gather3A_865[%add3A_840, %add3A_8] : memref<128x2xf32, #tpu.memory_space<vmem>>[vector<16xi32>, vector<16xi32>], vector<16xf32>,
    %get3A_867 = arith.constant 0 : i32
    %get3A_868 = arith.index_cast %get3A_867 : i32 to index
    %get3A_869 = arith.constant 112 : index
    %get3A_870 = tpu.vector_load %arg9[%get3A_868, %get3A_869] {strides = array<i32>} : memref<2x128xi32, #tpu.memory_space<vmem>>, vector<16xi32>,
    %convert_element_type3A_871 = arith.sitofp %get3A_870 : vector<16xi32> to vector<16xf32>
    %sub3A_872 = arith.subf %gather3A_847, %gather3A_860 : vector<16xf32>
    %abs3A_873 = math.absf %sub3A_872 : vector<16xf32>
    %sub3A_874 = arith.subf %gather3A_854, %gather3A_866 : vector<16xf32>
    %abs3A_875 = math.absf %sub3A_874 : vector<16xf32>
    %add3A_876 = arith.addf %abs3A_873, %abs3A_875 : vector<16xf32>
    %mul3A_877 = arith.mulf %convert_element_type3A_871, %add3A_876 : vector<16xf32>
    %add3A_878 = arith.addf %add3A_826, %mul3A_877 : vector<16xf32>
    %add3A_879 = arith.addf %add3A_827, %convert_element_type3A_871 : vector<16xf32>
    %add3A_880 = arith.constant 1 : i32
    %add3A_881 = arith.addi %mul3A_2, %add3A_880 : i32
    %mul3A_882 = arith.constant 512 : i32
    %mul3A_883 = arith.muli %add3A_881, %mul3A_882 : i32
    %get3A_884 = arith.constant 1 : i32
    %get3A_885 = arith.index_cast %get3A_884 : i32 to index
    %get3A_886 = arith.constant 64 : index
    %get3A_887 = tpu.vector_load %arg8[%get3A_885, %get3A_886] {strides = array<i32>} : memref<2x128xi32, #tpu.memory_space<vmem>>, vector<16xi32>,
    %shift_right_logical3A_888 = arith.constant 8 : i32
    %shift_right_logical3A_889 = vector.broadcast %shift_right_logical3A_888 : i32 to vector<16xi32>
    %shift_right_logical3A_890 = arith.shrui %get3A_887, %shift_right_logical3A_889 : vector<16xi32>
    %add3A_891 = vector.broadcast %mul3A_883 : i32 to vector<16xi32>
    %add3A_892 = arith.addi %shift_right_logical3A_890, %add3A_891 : vector<16xi32>
    %swap3A_893 = arith.constant 1 : i32
    %swap3A_894 = arith.constant 0 : i32
    %swap3A_895 = arith.index_cast %swap3A_893 : i32 to index
    %swap3A_896 = arith.index_cast %swap3A_894 : i32 to index
    %swap3A_897 = arith.constant 0 : index
    %swap3A_898 = tpu.vector_load %arg11[%swap3A_895, %swap3A_896, %swap3A_897] {strides = array<i32>} : memref<2x2x64xi32, #tpu.memory_space<vmem>>, vector<16xi32>,
    tpu.vector_store %arg11[%swap3A_895, %swap3A_896, %swap3A_897], %add3A_892 {strides = array<i32>} : memref<2x2x64xi32, #tpu.memory_space<vmem>>, vector<16xi32>,
    %add3A_899 = arith.constant 256 : i32
    %add3A_900 = arith.addi %mul3A_883, %add3A_899 : i32
    %add3A_901 = vector.broadcast %add3A_900 : i32 to vector<16xi32>
    %add3A_902 = arith.addi %shift_right_logical3A_890, %add3A_901 : vector<16xi32>
    %swap3A_903 = arith.constant 1 : i32
    %swap3A_904 = arith.constant 1 : i32
    %swap3A_905 = arith.index_cast %swap3A_903 : i32 to index
    %swap3A_906 = arith.index_cast %swap3A_904 : i32 to index
    %swap3A_907 = arith.constant 0 : index
    %swap3A_908 = tpu.vector_load %arg11[%swap3A_905, %swap3A_906, %swap3A_907] {strides = array<i32>} : memref<2x2x64xi32, #tpu.memory_space<vmem>>, vector<16xi32>,
    tpu.vector_store %arg11[%swap3A_905, %swap3A_906, %swap3A_907], %add3A_902 {strides = array<i32>} : memref<2x2x64xi32, #tpu.memory_space<vmem>>, vector<16xi32>,
    %get3A_909 = arith.constant 1 : i32
    %get3A_910 = arith.index_cast %get3A_909 : i32 to index
    %get3A_911 = arith.constant 80 : index
    %get3A_912 = tpu.vector_load %arg8[%get3A_910, %get3A_911] {strides = array<i32>} : memref<2x128xi32, #tpu.memory_space<vmem>>, vector<16xi32>,
    %shift_right_logical3A_913 = arith.constant 8 : i32
    %shift_right_logical3A_914 = vector.broadcast %shift_right_logical3A_913 : i32 to vector<16xi32>
    %shift_right_logical3A_915 = arith.shrui %get3A_912, %shift_right_logical3A_914 : vector<16xi32>
    %add3A_916 = vector.broadcast %mul3A_883 : i32 to vector<16xi32>
    %add3A_917 = arith.addi %shift_right_logical3A_915, %add3A_916 : vector<16xi32>
    %swap3A_918 = arith.constant 1 : i32
    %swap3A_919 = arith.constant 0 : i32
    %swap3A_920 = arith.index_cast %swap3A_918 : i32 to index
    %swap3A_921 = arith.index_cast %swap3A_919 : i32 to index
    %swap3A_922 = arith.constant 16 : index
    %swap3A_923 = tpu.vector_load %arg11[%swap3A_920, %swap3A_921, %swap3A_922] {strides = array<i32>} : memref<2x2x64xi32, #tpu.memory_space<vmem>>, vector<16xi32>,
    tpu.vector_store %arg11[%swap3A_920, %swap3A_921, %swap3A_922], %add3A_917 {strides = array<i32>} : memref<2x2x64xi32, #tpu.memory_space<vmem>>, vector<16xi32>,
    %add3A_924 = arith.constant 256 : i32
    %add3A_925 = arith.addi %mul3A_883, %add3A_924 : i32
    %add3A_926 = vector.broadcast %add3A_925 : i32 to vector<16xi32>
    %add3A_927 = arith.addi %shift_right_logical3A_915, %add3A_926 : vector<16xi32>
    %swap3A_928 = arith.constant 1 : i32
    %swap3A_929 = arith.constant 1 : i32
    %swap3A_930 = arith.index_cast %swap3A_928 : i32 to index
    %swap3A_931 = arith.index_cast %swap3A_929 : i32 to index
    %swap3A_932 = arith.constant 16 : index
    %swap3A_933 = tpu.vector_load %arg11[%swap3A_930, %swap3A_931, %swap3A_932] {strides = array<i32>} : memref<2x2x64xi32, #tpu.memory_space<vmem>>, vector<16xi32>,
    tpu.vector_store %arg11[%swap3A_930, %swap3A_931, %swap3A_932], %add3A_927 {strides = array<i32>} : memref<2x2x64xi32, #tpu.memory_space<vmem>>, vector<16xi32>,
    %get3A_934 = arith.constant 1 : i32
    %get3A_935 = arith.index_cast %get3A_934 : i32 to index
    %get3A_936 = arith.constant 96 : index
    %get3A_937 = tpu.vector_load %arg8[%get3A_935, %get3A_936] {strides = array<i32>} : memref<2x128xi32, #tpu.memory_space<vmem>>, vector<16xi32>,
    %shift_right_logical3A_938 = arith.constant 8 : i32
    %shift_right_logical3A_939 = vector.broadcast %shift_right_logical3A_938 : i32 to vector<16xi32>
    %shift_right_logical3A_940 = arith.shrui %get3A_937, %shift_right_logical3A_939 : vector<16xi32>
    %add3A_941 = vector.broadcast %mul3A_883 : i32 to vector<16xi32>
    %add3A_942 = arith.addi %shift_right_logical3A_940, %add3A_941 : vector<16xi32>
    %swap3A_943 = arith.constant 1 : i32
    %swap3A_944 = arith.constant 0 : i32
    %swap3A_945 = arith.index_cast %swap3A_943 : i32 to index
    %swap3A_946 = arith.index_cast %swap3A_944 : i32 to index
    %swap3A_947 = arith.constant 32 : index
    %swap3A_948 = tpu.vector_load %arg11[%swap3A_945, %swap3A_946, %swap3A_947] {strides = array<i32>} : memref<2x2x64xi32, #tpu.memory_space<vmem>>, vector<16xi32>,
    tpu.vector_store %arg11[%swap3A_945, %swap3A_946, %swap3A_947], %add3A_942 {strides = array<i32>} : memref<2x2x64xi32, #tpu.memory_space<vmem>>, vector<16xi32>,
    %add3A_949 = arith.constant 256 : i32
    %add3A_950 = arith.addi %mul3A_883, %add3A_949 : i32
    %add3A_951 = vector.broadcast %add3A_950 : i32 to vector<16xi32>
    %add3A_952 = arith.addi %shift_right_logical3A_940, %add3A_951 : vector<16xi32>
    %swap3A_953 = arith.constant 1 : i32
    %swap3A_954 = arith.constant 1 : i32
    %swap3A_955 = arith.index_cast %swap3A_953 : i32 to index
    %swap3A_956 = arith.index_cast %swap3A_954 : i32 to index
    %swap3A_957 = arith.constant 32 : index
    %swap3A_958 = tpu.vector_load %arg11[%swap3A_955, %swap3A_956, %swap3A_957] {strides = array<i32>} : memref<2x2x64xi32, #tpu.memory_space<vmem>>, vector<16xi32>,
    tpu.vector_store %arg11[%swap3A_955, %swap3A_956, %swap3A_957], %add3A_952 {strides = array<i32>} : memref<2x2x64xi32, #tpu.memory_space<vmem>>, vector<16xi32>,
    %get3A_959 = arith.constant 1 : i32
    %get3A_960 = arith.index_cast %get3A_959 : i32 to index
    %get3A_961 = arith.constant 112 : index
    %get3A_962 = tpu.vector_load %arg8[%get3A_960, %get3A_961] {strides = array<i32>} : memref<2x128xi32, #tpu.memory_space<vmem>>, vector<16xi32>,
    %shift_right_logical3A_963 = arith.constant 8 : i32
    %shift_right_logical3A_964 = vector.broadcast %shift_right_logical3A_963 : i32 to vector<16xi32>
    %shift_right_logical3A_965 = arith.shrui %get3A_962, %shift_right_logical3A_964 : vector<16xi32>
    %add3A_966 = vector.broadcast %mul3A_883 : i32 to vector<16xi32>
    %add3A_967 = arith.addi %shift_right_logical3A_965, %add3A_966 : vector<16xi32>
    %swap3A_968 = arith.constant 1 : i32
    %swap3A_969 = arith.constant 0 : i32
    %swap3A_970 = arith.index_cast %swap3A_968 : i32 to index
    %swap3A_971 = arith.index_cast %swap3A_969 : i32 to index
    %swap3A_972 = arith.constant 48 : index
    %swap3A_973 = tpu.vector_load %arg11[%swap3A_970, %swap3A_971, %swap3A_972] {strides = array<i32>} : memref<2x2x64xi32, #tpu.memory_space<vmem>>, vector<16xi32>,
    tpu.vector_store %arg11[%swap3A_970, %swap3A_971, %swap3A_972], %add3A_967 {strides = array<i32>} : memref<2x2x64xi32, #tpu.memory_space<vmem>>, vector<16xi32>,
    %add3A_974 = arith.constant 256 : i32
    %add3A_975 = arith.addi %mul3A_883, %add3A_974 : i32
    %add3A_976 = vector.broadcast %add3A_975 : i32 to vector<16xi32>
    %add3A_977 = arith.addi %shift_right_logical3A_965, %add3A_976 : vector<16xi32>
    %swap3A_978 = arith.constant 1 : i32
    %swap3A_979 = arith.constant 1 : i32
    %swap3A_980 = arith.index_cast %swap3A_978 : i32 to index
    %swap3A_981 = arith.index_cast %swap3A_979 : i32 to index
    %swap3A_982 = arith.constant 48 : index
    %swap3A_983 = tpu.vector_load %arg11[%swap3A_980, %swap3A_981, %swap3A_982] {strides = array<i32>} : memref<2x2x64xi32, #tpu.memory_space<vmem>>, vector<16xi32>,
    tpu.vector_store %arg11[%swap3A_980, %swap3A_981, %swap3A_982], %add3A_977 {strides = array<i32>} : memref<2x2x64xi32, #tpu.memory_space<vmem>>, vector<16xi32>,
    %dma_start3A_984 = arith.constant 1 : i32
    %dma_start3A_985 = arith.constant 0 : i32
    %dma_start3A_986 = arith.constant 1 : i32
    %dma_start3A_987 = arith.constant 0 : i32
    %dma_start3A_988 = arith.constant 0 : i32
    %dma_start3A_989 = arith.constant 0 : i32
    %dma_start3A_990 = tpu.memref_slice %arg12[%dma_start3A_986, %dma_start3A_987, %dma_start3A_988, %dma_start3A_989] : memref<2x2x64x256xf32, #tpu.memory_space<vmem>> -> memref<1x1x64x256xf32, #tpu.memory_space<vmem>>
    %dma_start3A_991 = tpu.memref_squeeze %dma_start3A_990 : memref<1x1x64x256xf32, #tpu.memory_space<vmem>> -> memref<64x256xf32, #tpu.memory_space<vmem>>
    %dma_start3A_992 = arith.constant 0 : i32
    %dma_start3A_993 = tpu.memref_slice %arg11[%dma_start3A_984, %dma_start3A_985, %dma_start3A_992] : memref<2x2x64xi32, #tpu.memory_space<vmem>> -> memref<1x1x64xi32, #tpu.memory_space<vmem>>
    %dma_start3A_994 = tpu.memref_squeeze %dma_start3A_993 : memref<1x1x64xi32, #tpu.memory_space<vmem>> -> memref<64xi32, #tpu.memory_space<vmem>>
    %dma_start3A_995 = tpu.memref_reshape %arg2 : memref<64x2x256x256xf32, #tpu.memory_space<hbm>> -> memref<32768x256xf32, #tpu.memory_space<hbm>>
    %dma_start3A_996 = arith.constant 0 : i32
    %dma_start3A_997 = arith.constant 0 : i32
    %dma_start3A_998 = tpu.memref_slice %dma_start3A_995[%dma_start3A_996, %dma_start3A_997] : memref<32768x256xf32, #tpu.memory_space<hbm>> -> memref<32768x256xf32, #tpu.memory_space<hbm>>
    tpu.enqueue_indirect_dma source(%dma_start3A_998 : memref<32768x256xf32, #tpu.memory_space<hbm>>) target(%dma_start3A_991 : memref<64x256xf32, #tpu.memory_space<vmem>>) offsets(%dma_start3A_994 : memref<64xi32, #tpu.memory_space<vmem>>) semaphore(%arg17 : memref<!tpu.dma_semaphore, #tpu.memory_space<semaphore_mem>>)
    %dma_start3A_999 = arith.constant 1 : i32
    %dma_start3A_1000 = arith.constant 1 : i32
    %dma_start3A_1001 = arith.constant 1 : i32
    %dma_start3A_1002 = arith.constant 1 : i32
    %dma_start3A_1003 = arith.constant 0 : i32
    %dma_start3A_1004 = arith.constant 0 : i32
    %dma_start3A_1005 = tpu.memref_slice %arg12[%dma_start3A_1001, %dma_start3A_1002, %dma_start3A_1003, %dma_start3A_1004] : memref<2x2x64x256xf32, #tpu.memory_space<vmem>> -> memref<1x1x64x256xf32, #tpu.memory_space<vmem>>
    %dma_start3A_1006 = tpu.memref_squeeze %dma_start3A_1005 : memref<1x1x64x256xf32, #tpu.memory_space<vmem>> -> memref<64x256xf32, #tpu.memory_space<vmem>>
    %dma_start3A_1007 = arith.constant 0 : i32
    %dma_start3A_1008 = tpu.memref_slice %arg11[%dma_start3A_999, %dma_start3A_1000, %dma_start3A_1007] : memref<2x2x64xi32, #tpu.memory_space<vmem>> -> memref<1x1x64xi32, #tpu.memory_space<vmem>>
    %dma_start3A_1009 = tpu.memref_squeeze %dma_start3A_1008 : memref<1x1x64xi32, #tpu.memory_space<vmem>> -> memref<64xi32, #tpu.memory_space<vmem>>
    %dma_start3A_1010 = tpu.memref_reshape %arg2 : memref<64x2x256x256xf32, #tpu.memory_space<hbm>> -> memref<32768x256xf32, #tpu.memory_space<hbm>>
    %dma_start3A_1011 = arith.constant 0 : i32
    %dma_start3A_1012 = arith.constant 0 : i32
    %dma_start3A_1013 = tpu.memref_slice %dma_start3A_1010[%dma_start3A_1011, %dma_start3A_1012] : memref<32768x256xf32, #tpu.memory_space<hbm>> -> memref<32768x256xf32, #tpu.memory_space<hbm>>
    tpu.enqueue_indirect_dma source(%dma_start3A_1013 : memref<32768x256xf32, #tpu.memory_space<hbm>>) target(%dma_start3A_1006 : memref<64x256xf32, #tpu.memory_space<vmem>>) offsets(%dma_start3A_1009 : memref<64xi32, #tpu.memory_space<vmem>>) semaphore(%arg17 : memref<!tpu.dma_semaphore, #tpu.memory_space<semaphore_mem>>)
    %dma_wait3A_1014 = arith.constant 0 : i32
    %dma_wait3A_1015 = arith.constant 0 : i32
    %dma_wait3A_1016 = arith.constant 0 : i32
    %dma_wait3A_1017 = arith.constant 0 : i32
    %dma_wait3A_1018 = arith.constant 0 : i32
    %dma_wait3A_1019 = arith.constant 0 : i32
    %dma_wait3A_1020 = tpu.memref_slice %arg12[%dma_wait3A_1016, %dma_wait3A_1017, %dma_wait3A_1018, %dma_wait3A_1019] : memref<2x2x64x256xf32, #tpu.memory_space<vmem>> -> memref<1x1x64x256xf32, #tpu.memory_space<vmem>>
    %dma_wait3A_1021 = tpu.memref_squeeze %dma_wait3A_1020 : memref<1x1x64x256xf32, #tpu.memory_space<vmem>> -> memref<64x256xf32, #tpu.memory_space<vmem>>
    %dma_wait3A_1022 = arith.constant 0 : i32
    %dma_wait3A_1023 = tpu.memref_slice %arg11[%dma_wait3A_1014, %dma_wait3A_1015, %dma_wait3A_1022] : memref<2x2x64xi32, #tpu.memory_space<vmem>> -> memref<1x1x64xi32, #tpu.memory_space<vmem>>
    %dma_wait3A_1024 = tpu.memref_squeeze %dma_wait3A_1023 : memref<1x1x64xi32, #tpu.memory_space<vmem>> -> memref<64xi32, #tpu.memory_space<vmem>>
    %dma_wait3A_1025 = tpu.memref_reshape %arg2 : memref<64x2x256x256xf32, #tpu.memory_space<hbm>> -> memref<32768x256xf32, #tpu.memory_space<hbm>>
    %dma_wait3A_1026 = arith.constant 0 : i32
    %dma_wait3A_1027 = arith.constant 0 : i32
    %dma_wait3A_1028 = tpu.memref_slice %dma_wait3A_1025[%dma_wait3A_1026, %dma_wait3A_1027] : memref<32768x256xf32, #tpu.memory_space<hbm>> -> memref<32768x256xf32, #tpu.memory_space<hbm>>
    tpu.wait_indirect_dma semaphore(%arg16 : memref<!tpu.dma_semaphore, #tpu.memory_space<semaphore_mem>>) src(%dma_wait3A_1028 : memref<32768x256xf32, #tpu.memory_space<hbm>>) dst(%dma_wait3A_1021 : memref<64x256xf32, #tpu.memory_space<vmem>>)
    %dma_wait3A_1029 = arith.constant 0 : i32
    %dma_wait3A_1030 = arith.constant 1 : i32
    %dma_wait3A_1031 = arith.constant 0 : i32
    %dma_wait3A_1032 = arith.constant 1 : i32
    %dma_wait3A_1033 = arith.constant 0 : i32
    %dma_wait3A_1034 = arith.constant 0 : i32
    %dma_wait3A_1035 = tpu.memref_slice %arg12[%dma_wait3A_1031, %dma_wait3A_1032, %dma_wait3A_1033, %dma_wait3A_1034] : memref<2x2x64x256xf32, #tpu.memory_space<vmem>> -> memref<1x1x64x256xf32, #tpu.memory_space<vmem>>
    %dma_wait3A_1036 = tpu.memref_squeeze %dma_wait3A_1035 : memref<1x1x64x256xf32, #tpu.memory_space<vmem>> -> memref<64x256xf32, #tpu.memory_space<vmem>>
    %dma_wait3A_1037 = arith.constant 0 : i32
    %dma_wait3A_1038 = tpu.memref_slice %arg11[%dma_wait3A_1029, %dma_wait3A_1030, %dma_wait3A_1037] : memref<2x2x64xi32, #tpu.memory_space<vmem>> -> memref<1x1x64xi32, #tpu.memory_space<vmem>>
    %dma_wait3A_1039 = tpu.memref_squeeze %dma_wait3A_1038 : memref<1x1x64xi32, #tpu.memory_space<vmem>> -> memref<64xi32, #tpu.memory_space<vmem>>
    %dma_wait3A_1040 = tpu.memref_reshape %arg2 : memref<64x2x256x256xf32, #tpu.memory_space<hbm>> -> memref<32768x256xf32, #tpu.memory_space<hbm>>
    %dma_wait3A_1041 = arith.constant 0 : i32
    %dma_wait3A_1042 = arith.constant 0 : i32
    %dma_wait3A_1043 = tpu.memref_slice %dma_wait3A_1040[%dma_wait3A_1041, %dma_wait3A_1042] : memref<32768x256xf32, #tpu.memory_space<hbm>> -> memref<32768x256xf32, #tpu.memory_space<hbm>>
    tpu.wait_indirect_dma semaphore(%arg16 : memref<!tpu.dma_semaphore, #tpu.memory_space<semaphore_mem>>) src(%dma_wait3A_1043 : memref<32768x256xf32, #tpu.memory_space<hbm>>) dst(%dma_wait3A_1036 : memref<64x256xf32, #tpu.memory_space<vmem>>)
    %get3A_1044 = arith.constant 1 : i32
    %get3A_1045 = arith.index_cast %get3A_1044 : i32 to index
    %get3A_1046 = arith.constant 0 : index
    %get3A_1047 = tpu.vector_load %arg8[%get3A_1045, %get3A_1046] {strides = array<i32>} : memref<2x128xi32, #tpu.memory_space<vmem>>, vector<16xi32>,
    %and3A_1048 = arith.constant 255 : i32
    %and3A_1049 = vector.broadcast %and3A_1048 : i32 to vector<16xi32>
    %and3A_1050 = arith.andi %get3A_1047, %and3A_1049 : vector<16xi32>
    %add3A_1051 = arith.constant 0 : i32
    %add3A_1052 = vector.broadcast %add3A_1051 : i32 to vector<16xi32>
    %add3A_1053 = arith.addi %iota3A, %add3A_1052 : vector<16xi32>
    %add3A_1054 = arith.constant 0 : i32
    %add3A_1055 = vector.broadcast %add3A_1054 : i32 to vector<16xi32>
    %add3A_1056 = arith.addi %iota3A, %add3A_1055 : vector<16xi32>
    %gather3A_1057 = arith.constant 0 : i32
    %gather3A_1058 = arith.constant 0 : i32
    %gather3A_1059 = arith.constant 0 : i32
    %gather3A_1060 = arith.constant 0 : i32
    %gather3A_1061 = tpu.memref_slice %arg12[%gather3A_1057, %gather3A_1058, %gather3A_1059, %gather3A_1060] : memref<2x2x64x256xf32, #tpu.memory_space<vmem>> -> memref<1x1x64x256xf32, #tpu.memory_space<vmem>>
    %gather3A_1062 = tpu.memref_squeeze %gather3A_1061 : memref<1x1x64x256xf32, #tpu.memory_space<vmem>> -> memref<64x256xf32, #tpu.memory_space<vmem>>
    %gather3A_1063 = tpu.vector_load_idx %gather3A_1062[%add3A_1053, %and3A_1050] : memref<64x256xf32, #tpu.memory_space<vmem>>[vector<16xi32>, vector<16xi32>], vector<16xf32>,
    %gather3A_1064 = arith.constant 0 : i32
    %gather3A_1065 = arith.constant 1 : i32
    %gather3A_1066 = arith.constant 0 : i32
    %gather3A_1067 = arith.constant 0 : i32
    %gather3A_1068 = tpu.memref_slice %arg12[%gather3A_1064, %gather3A_1065, %gather3A_1066, %gather3A_1067] : memref<2x2x64x256xf32, #tpu.memory_space<vmem>> -> memref<1x1x64x256xf32, #tpu.memory_space<vmem>>
    %gather3A_1069 = tpu.memref_squeeze %gather3A_1068 : memref<1x1x64x256xf32, #tpu.memory_space<vmem>> -> memref<64x256xf32, #tpu.memory_space<vmem>>
    %gather3A_1070 = tpu.vector_load_idx %gather3A_1069[%add3A_1053, %and3A_1050] : memref<64x256xf32, #tpu.memory_space<vmem>>[vector<16xi32>, vector<16xi32>], vector<16xf32>,
    %gather3A_1071 = arith.constant 1 : i32
    %gather3A_1072 = arith.constant 0 : i32
    %gather3A_1073 = arith.constant 0 : i32
    %gather3A_1074 = tpu.memref_slice %arg10[%gather3A_1071, %gather3A_1072, %gather3A_1073] : memref<2x128x2xf32, #tpu.memory_space<vmem>> -> memref<1x128x2xf32, #tpu.memory_space<vmem>>
    %gather3A_1075 = tpu.memref_squeeze %gather3A_1074 : memref<1x128x2xf32, #tpu.memory_space<vmem>> -> memref<128x2xf32, #tpu.memory_space<vmem>>
    %gather3A_1076 = tpu.vector_load_idx %gather3A_1075[%add3A_1056, %mul3A_5] : memref<128x2xf32, #tpu.memory_space<vmem>>[vector<16xi32>, vector<16xi32>], vector<16xf32>,
    %gather3A_1077 = arith.constant 1 : i32
    %gather3A_1078 = arith.constant 0 : i32
    %gather3A_1079 = arith.constant 0 : i32
    %gather3A_1080 = tpu.memref_slice %arg10[%gather3A_1077, %gather3A_1078, %gather3A_1079] : memref<2x128x2xf32, #tpu.memory_space<vmem>> -> memref<1x128x2xf32, #tpu.memory_space<vmem>>
    %gather3A_1081 = tpu.memref_squeeze %gather3A_1080 : memref<1x128x2xf32, #tpu.memory_space<vmem>> -> memref<128x2xf32, #tpu.memory_space<vmem>>
    %gather3A_1082 = tpu.vector_load_idx %gather3A_1081[%add3A_1056, %add3A_8] : memref<128x2xf32, #tpu.memory_space<vmem>>[vector<16xi32>, vector<16xi32>], vector<16xf32>,
    %get3A_1083 = arith.constant 1 : i32
    %get3A_1084 = arith.index_cast %get3A_1083 : i32 to index
    %get3A_1085 = arith.constant 0 : index
    %get3A_1086 = tpu.vector_load %arg9[%get3A_1084, %get3A_1085] {strides = array<i32>} : memref<2x128xi32, #tpu.memory_space<vmem>>, vector<16xi32>,
    %convert_element_type3A_1087 = arith.sitofp %get3A_1086 : vector<16xi32> to vector<16xf32>
    %sub3A_1088 = arith.subf %gather3A_1063, %gather3A_1076 : vector<16xf32>
    %abs3A_1089 = math.absf %sub3A_1088 : vector<16xf32>
    %sub3A_1090 = arith.subf %gather3A_1070, %gather3A_1082 : vector<16xf32>
    %abs3A_1091 = math.absf %sub3A_1090 : vector<16xf32>
    %add3A_1092 = arith.addf %abs3A_1089, %abs3A_1091 : vector<16xf32>
    %mul3A_1093 = arith.mulf %convert_element_type3A_1087, %add3A_1092 : vector<16xf32>
    %add3A_1094 = arith.addf %add3A_878, %mul3A_1093 : vector<16xf32>
    %add3A_1095 = arith.addf %add3A_879, %convert_element_type3A_1087 : vector<16xf32>
    %get3A_1096 = arith.constant 1 : i32
    %get3A_1097 = arith.index_cast %get3A_1096 : i32 to index
    %get3A_1098 = arith.constant 16 : index
    %get3A_1099 = tpu.vector_load %arg8[%get3A_1097, %get3A_1098] {strides = array<i32>} : memref<2x128xi32, #tpu.memory_space<vmem>>, vector<16xi32>,
    %and3A_1100 = arith.constant 255 : i32
    %and3A_1101 = vector.broadcast %and3A_1100 : i32 to vector<16xi32>
    %and3A_1102 = arith.andi %get3A_1099, %and3A_1101 : vector<16xi32>
    %add3A_1103 = arith.constant 16 : i32
    %add3A_1104 = vector.broadcast %add3A_1103 : i32 to vector<16xi32>
    %add3A_1105 = arith.addi %iota3A, %add3A_1104 : vector<16xi32>
    %add3A_1106 = arith.constant 16 : i32
    %add3A_1107 = vector.broadcast %add3A_1106 : i32 to vector<16xi32>
    %add3A_1108 = arith.addi %iota3A, %add3A_1107 : vector<16xi32>
    %gather3A_1109 = arith.constant 0 : i32
    %gather3A_1110 = arith.constant 0 : i32
    %gather3A_1111 = arith.constant 0 : i32
    %gather3A_1112 = arith.constant 0 : i32
    %gather3A_1113 = tpu.memref_slice %arg12[%gather3A_1109, %gather3A_1110, %gather3A_1111, %gather3A_1112] : memref<2x2x64x256xf32, #tpu.memory_space<vmem>> -> memref<1x1x64x256xf32, #tpu.memory_space<vmem>>
    %gather3A_1114 = tpu.memref_squeeze %gather3A_1113 : memref<1x1x64x256xf32, #tpu.memory_space<vmem>> -> memref<64x256xf32, #tpu.memory_space<vmem>>
    %gather3A_1115 = tpu.vector_load_idx %gather3A_1114[%add3A_1105, %and3A_1102] : memref<64x256xf32, #tpu.memory_space<vmem>>[vector<16xi32>, vector<16xi32>], vector<16xf32>,
    %gather3A_1116 = arith.constant 0 : i32
    %gather3A_1117 = arith.constant 1 : i32
    %gather3A_1118 = arith.constant 0 : i32
    %gather3A_1119 = arith.constant 0 : i32
    %gather3A_1120 = tpu.memref_slice %arg12[%gather3A_1116, %gather3A_1117, %gather3A_1118, %gather3A_1119] : memref<2x2x64x256xf32, #tpu.memory_space<vmem>> -> memref<1x1x64x256xf32, #tpu.memory_space<vmem>>
    %gather3A_1121 = tpu.memref_squeeze %gather3A_1120 : memref<1x1x64x256xf32, #tpu.memory_space<vmem>> -> memref<64x256xf32, #tpu.memory_space<vmem>>
    %gather3A_1122 = tpu.vector_load_idx %gather3A_1121[%add3A_1105, %and3A_1102] : memref<64x256xf32, #tpu.memory_space<vmem>>[vector<16xi32>, vector<16xi32>], vector<16xf32>,
    %gather3A_1123 = arith.constant 1 : i32
    %gather3A_1124 = arith.constant 0 : i32
    %gather3A_1125 = arith.constant 0 : i32
    %gather3A_1126 = tpu.memref_slice %arg10[%gather3A_1123, %gather3A_1124, %gather3A_1125] : memref<2x128x2xf32, #tpu.memory_space<vmem>> -> memref<1x128x2xf32, #tpu.memory_space<vmem>>
    %gather3A_1127 = tpu.memref_squeeze %gather3A_1126 : memref<1x128x2xf32, #tpu.memory_space<vmem>> -> memref<128x2xf32, #tpu.memory_space<vmem>>
    %gather3A_1128 = tpu.vector_load_idx %gather3A_1127[%add3A_1108, %mul3A_5] : memref<128x2xf32, #tpu.memory_space<vmem>>[vector<16xi32>, vector<16xi32>], vector<16xf32>,
    %gather3A_1129 = arith.constant 1 : i32
    %gather3A_1130 = arith.constant 0 : i32
    %gather3A_1131 = arith.constant 0 : i32
    %gather3A_1132 = tpu.memref_slice %arg10[%gather3A_1129, %gather3A_1130, %gather3A_1131] : memref<2x128x2xf32, #tpu.memory_space<vmem>> -> memref<1x128x2xf32, #tpu.memory_space<vmem>>
    %gather3A_1133 = tpu.memref_squeeze %gather3A_1132 : memref<1x128x2xf32, #tpu.memory_space<vmem>> -> memref<128x2xf32, #tpu.memory_space<vmem>>
    %gather3A_1134 = tpu.vector_load_idx %gather3A_1133[%add3A_1108, %add3A_8] : memref<128x2xf32, #tpu.memory_space<vmem>>[vector<16xi32>, vector<16xi32>], vector<16xf32>,
    %get3A_1135 = arith.constant 1 : i32
    %get3A_1136 = arith.index_cast %get3A_1135 : i32 to index
    %get3A_1137 = arith.constant 16 : index
    %get3A_1138 = tpu.vector_load %arg9[%get3A_1136, %get3A_1137] {strides = array<i32>} : memref<2x128xi32, #tpu.memory_space<vmem>>, vector<16xi32>,
    %convert_element_type3A_1139 = arith.sitofp %get3A_1138 : vector<16xi32> to vector<16xf32>
    %sub3A_1140 = arith.subf %gather3A_1115, %gather3A_1128 : vector<16xf32>
    %abs3A_1141 = math.absf %sub3A_1140 : vector<16xf32>
    %sub3A_1142 = arith.subf %gather3A_1122, %gather3A_1134 : vector<16xf32>
    %abs3A_1143 = math.absf %sub3A_1142 : vector<16xf32>
    %add3A_1144 = arith.addf %abs3A_1141, %abs3A_1143 : vector<16xf32>
    %mul3A_1145 = arith.mulf %convert_element_type3A_1139, %add3A_1144 : vector<16xf32>
    %add3A_1146 = arith.addf %add3A_1094, %mul3A_1145 : vector<16xf32>
    %add3A_1147 = arith.addf %add3A_1095, %convert_element_type3A_1139 : vector<16xf32>
    %get3A_1148 = arith.constant 1 : i32
    %get3A_1149 = arith.index_cast %get3A_1148 : i32 to index
    %get3A_1150 = arith.constant 32 : index
    %get3A_1151 = tpu.vector_load %arg8[%get3A_1149, %get3A_1150] {strides = array<i32>} : memref<2x128xi32, #tpu.memory_space<vmem>>, vector<16xi32>,
    %and3A_1152 = arith.constant 255 : i32
    %and3A_1153 = vector.broadcast %and3A_1152 : i32 to vector<16xi32>
    %and3A_1154 = arith.andi %get3A_1151, %and3A_1153 : vector<16xi32>
    %add3A_1155 = arith.constant 32 : i32
    %add3A_1156 = vector.broadcast %add3A_1155 : i32 to vector<16xi32>
    %add3A_1157 = arith.addi %iota3A, %add3A_1156 : vector<16xi32>
    %add3A_1158 = arith.constant 32 : i32
    %add3A_1159 = vector.broadcast %add3A_1158 : i32 to vector<16xi32>
    %add3A_1160 = arith.addi %iota3A, %add3A_1159 : vector<16xi32>
    %gather3A_1161 = arith.constant 0 : i32
    %gather3A_1162 = arith.constant 0 : i32
    %gather3A_1163 = arith.constant 0 : i32
    %gather3A_1164 = arith.constant 0 : i32
    %gather3A_1165 = tpu.memref_slice %arg12[%gather3A_1161, %gather3A_1162, %gather3A_1163, %gather3A_1164] : memref<2x2x64x256xf32, #tpu.memory_space<vmem>> -> memref<1x1x64x256xf32, #tpu.memory_space<vmem>>
    %gather3A_1166 = tpu.memref_squeeze %gather3A_1165 : memref<1x1x64x256xf32, #tpu.memory_space<vmem>> -> memref<64x256xf32, #tpu.memory_space<vmem>>
    %gather3A_1167 = tpu.vector_load_idx %gather3A_1166[%add3A_1157, %and3A_1154] : memref<64x256xf32, #tpu.memory_space<vmem>>[vector<16xi32>, vector<16xi32>], vector<16xf32>,
    %gather3A_1168 = arith.constant 0 : i32
    %gather3A_1169 = arith.constant 1 : i32
    %gather3A_1170 = arith.constant 0 : i32
    %gather3A_1171 = arith.constant 0 : i32
    %gather3A_1172 = tpu.memref_slice %arg12[%gather3A_1168, %gather3A_1169, %gather3A_1170, %gather3A_1171] : memref<2x2x64x256xf32, #tpu.memory_space<vmem>> -> memref<1x1x64x256xf32, #tpu.memory_space<vmem>>
    %gather3A_1173 = tpu.memref_squeeze %gather3A_1172 : memref<1x1x64x256xf32, #tpu.memory_space<vmem>> -> memref<64x256xf32, #tpu.memory_space<vmem>>
    %gather3A_1174 = tpu.vector_load_idx %gather3A_1173[%add3A_1157, %and3A_1154] : memref<64x256xf32, #tpu.memory_space<vmem>>[vector<16xi32>, vector<16xi32>], vector<16xf32>,
    %gather3A_1175 = arith.constant 1 : i32
    %gather3A_1176 = arith.constant 0 : i32
    %gather3A_1177 = arith.constant 0 : i32
    %gather3A_1178 = tpu.memref_slice %arg10[%gather3A_1175, %gather3A_1176, %gather3A_1177] : memref<2x128x2xf32, #tpu.memory_space<vmem>> -> memref<1x128x2xf32, #tpu.memory_space<vmem>>
    %gather3A_1179 = tpu.memref_squeeze %gather3A_1178 : memref<1x128x2xf32, #tpu.memory_space<vmem>> -> memref<128x2xf32, #tpu.memory_space<vmem>>
    %gather3A_1180 = tpu.vector_load_idx %gather3A_1179[%add3A_1160, %mul3A_5] : memref<128x2xf32, #tpu.memory_space<vmem>>[vector<16xi32>, vector<16xi32>], vector<16xf32>,
    %gather3A_1181 = arith.constant 1 : i32
    %gather3A_1182 = arith.constant 0 : i32
    %gather3A_1183 = arith.constant 0 : i32
    %gather3A_1184 = tpu.memref_slice %arg10[%gather3A_1181, %gather3A_1182, %gather3A_1183] : memref<2x128x2xf32, #tpu.memory_space<vmem>> -> memref<1x128x2xf32, #tpu.memory_space<vmem>>
    %gather3A_1185 = tpu.memref_squeeze %gather3A_1184 : memref<1x128x2xf32, #tpu.memory_space<vmem>> -> memref<128x2xf32, #tpu.memory_space<vmem>>
    %gather3A_1186 = tpu.vector_load_idx %gather3A_1185[%add3A_1160, %add3A_8] : memref<128x2xf32, #tpu.memory_space<vmem>>[vector<16xi32>, vector<16xi32>], vector<16xf32>,
    %get3A_1187 = arith.constant 1 : i32
    %get3A_1188 = arith.index_cast %get3A_1187 : i32 to index
    %get3A_1189 = arith.constant 32 : index
    %get3A_1190 = tpu.vector_load %arg9[%get3A_1188, %get3A_1189] {strides = array<i32>} : memref<2x128xi32, #tpu.memory_space<vmem>>, vector<16xi32>,
    %convert_element_type3A_1191 = arith.sitofp %get3A_1190 : vector<16xi32> to vector<16xf32>
    %sub3A_1192 = arith.subf %gather3A_1167, %gather3A_1180 : vector<16xf32>
    %abs3A_1193 = math.absf %sub3A_1192 : vector<16xf32>
    %sub3A_1194 = arith.subf %gather3A_1174, %gather3A_1186 : vector<16xf32>
    %abs3A_1195 = math.absf %sub3A_1194 : vector<16xf32>
    %add3A_1196 = arith.addf %abs3A_1193, %abs3A_1195 : vector<16xf32>
    %mul3A_1197 = arith.mulf %convert_element_type3A_1191, %add3A_1196 : vector<16xf32>
    %add3A_1198 = arith.addf %add3A_1146, %mul3A_1197 : vector<16xf32>
    %add3A_1199 = arith.addf %add3A_1147, %convert_element_type3A_1191 : vector<16xf32>
    %get3A_1200 = arith.constant 1 : i32
    %get3A_1201 = arith.index_cast %get3A_1200 : i32 to index
    %get3A_1202 = arith.constant 48 : index
    %get3A_1203 = tpu.vector_load %arg8[%get3A_1201, %get3A_1202] {strides = array<i32>} : memref<2x128xi32, #tpu.memory_space<vmem>>, vector<16xi32>,
    %and3A_1204 = arith.constant 255 : i32
    %and3A_1205 = vector.broadcast %and3A_1204 : i32 to vector<16xi32>
    %and3A_1206 = arith.andi %get3A_1203, %and3A_1205 : vector<16xi32>
    %add3A_1207 = arith.constant 48 : i32
    %add3A_1208 = vector.broadcast %add3A_1207 : i32 to vector<16xi32>
    %add3A_1209 = arith.addi %iota3A, %add3A_1208 : vector<16xi32>
    %add3A_1210 = arith.constant 48 : i32
    %add3A_1211 = vector.broadcast %add3A_1210 : i32 to vector<16xi32>
    %add3A_1212 = arith.addi %iota3A, %add3A_1211 : vector<16xi32>
    %gather3A_1213 = arith.constant 0 : i32
    %gather3A_1214 = arith.constant 0 : i32
    %gather3A_1215 = arith.constant 0 : i32
    %gather3A_1216 = arith.constant 0 : i32
    %gather3A_1217 = tpu.memref_slice %arg12[%gather3A_1213, %gather3A_1214, %gather3A_1215, %gather3A_1216] : memref<2x2x64x256xf32, #tpu.memory_space<vmem>> -> memref<1x1x64x256xf32, #tpu.memory_space<vmem>>
    %gather3A_1218 = tpu.memref_squeeze %gather3A_1217 : memref<1x1x64x256xf32, #tpu.memory_space<vmem>> -> memref<64x256xf32, #tpu.memory_space<vmem>>
    %gather3A_1219 = tpu.vector_load_idx %gather3A_1218[%add3A_1209, %and3A_1206] : memref<64x256xf32, #tpu.memory_space<vmem>>[vector<16xi32>, vector<16xi32>], vector<16xf32>,
    %gather3A_1220 = arith.constant 0 : i32
    %gather3A_1221 = arith.constant 1 : i32
    %gather3A_1222 = arith.constant 0 : i32
    %gather3A_1223 = arith.constant 0 : i32
    %gather3A_1224 = tpu.memref_slice %arg12[%gather3A_1220, %gather3A_1221, %gather3A_1222, %gather3A_1223] : memref<2x2x64x256xf32, #tpu.memory_space<vmem>> -> memref<1x1x64x256xf32, #tpu.memory_space<vmem>>
    %gather3A_1225 = tpu.memref_squeeze %gather3A_1224 : memref<1x1x64x256xf32, #tpu.memory_space<vmem>> -> memref<64x256xf32, #tpu.memory_space<vmem>>
    %gather3A_1226 = tpu.vector_load_idx %gather3A_1225[%add3A_1209, %and3A_1206] : memref<64x256xf32, #tpu.memory_space<vmem>>[vector<16xi32>, vector<16xi32>], vector<16xf32>,
    %gather3A_1227 = arith.constant 1 : i32
    %gather3A_1228 = arith.constant 0 : i32
    %gather3A_1229 = arith.constant 0 : i32
    %gather3A_1230 = tpu.memref_slice %arg10[%gather3A_1227, %gather3A_1228, %gather3A_1229] : memref<2x128x2xf32, #tpu.memory_space<vmem>> -> memref<1x128x2xf32, #tpu.memory_space<vmem>>
    %gather3A_1231 = tpu.memref_squeeze %gather3A_1230 : memref<1x128x2xf32, #tpu.memory_space<vmem>> -> memref<128x2xf32, #tpu.memory_space<vmem>>
    %gather3A_1232 = tpu.vector_load_idx %gather3A_1231[%add3A_1212, %mul3A_5] : memref<128x2xf32, #tpu.memory_space<vmem>>[vector<16xi32>, vector<16xi32>], vector<16xf32>,
    %gather3A_1233 = arith.constant 1 : i32
    %gather3A_1234 = arith.constant 0 : i32
    %gather3A_1235 = arith.constant 0 : i32
    %gather3A_1236 = tpu.memref_slice %arg10[%gather3A_1233, %gather3A_1234, %gather3A_1235] : memref<2x128x2xf32, #tpu.memory_space<vmem>> -> memref<1x128x2xf32, #tpu.memory_space<vmem>>
    %gather3A_1237 = tpu.memref_squeeze %gather3A_1236 : memref<1x128x2xf32, #tpu.memory_space<vmem>> -> memref<128x2xf32, #tpu.memory_space<vmem>>
    %gather3A_1238 = tpu.vector_load_idx %gather3A_1237[%add3A_1212, %add3A_8] : memref<128x2xf32, #tpu.memory_space<vmem>>[vector<16xi32>, vector<16xi32>], vector<16xf32>,
    %get3A_1239 = arith.constant 1 : i32
    %get3A_1240 = arith.index_cast %get3A_1239 : i32 to index
    %get3A_1241 = arith.constant 48 : index
    %get3A_1242 = tpu.vector_load %arg9[%get3A_1240, %get3A_1241] {strides = array<i32>} : memref<2x128xi32, #tpu.memory_space<vmem>>, vector<16xi32>,
    %convert_element_type3A_1243 = arith.sitofp %get3A_1242 : vector<16xi32> to vector<16xf32>
    %sub3A_1244 = arith.subf %gather3A_1219, %gather3A_1232 : vector<16xf32>
    %abs3A_1245 = math.absf %sub3A_1244 : vector<16xf32>
    %sub3A_1246 = arith.subf %gather3A_1226, %gather3A_1238 : vector<16xf32>
    %abs3A_1247 = math.absf %sub3A_1246 : vector<16xf32>
    %add3A_1248 = arith.addf %abs3A_1245, %abs3A_1247 : vector<16xf32>
    %mul3A_1249 = arith.mulf %convert_element_type3A_1243, %add3A_1248 : vector<16xf32>
    %add3A_1250 = arith.addf %add3A_1198, %mul3A_1249 : vector<16xf32>
    %add3A_1251 = arith.addf %add3A_1199, %convert_element_type3A_1243 : vector<16xf32>
    %dma_wait3A_1252 = arith.constant 1 : i32
    %dma_wait3A_1253 = arith.constant 0 : i32
    %dma_wait3A_1254 = arith.constant 1 : i32
    %dma_wait3A_1255 = arith.constant 0 : i32
    %dma_wait3A_1256 = arith.constant 0 : i32
    %dma_wait3A_1257 = arith.constant 0 : i32
    %dma_wait3A_1258 = tpu.memref_slice %arg12[%dma_wait3A_1254, %dma_wait3A_1255, %dma_wait3A_1256, %dma_wait3A_1257] : memref<2x2x64x256xf32, #tpu.memory_space<vmem>> -> memref<1x1x64x256xf32, #tpu.memory_space<vmem>>
    %dma_wait3A_1259 = tpu.memref_squeeze %dma_wait3A_1258 : memref<1x1x64x256xf32, #tpu.memory_space<vmem>> -> memref<64x256xf32, #tpu.memory_space<vmem>>
    %dma_wait3A_1260 = arith.constant 0 : i32
    %dma_wait3A_1261 = tpu.memref_slice %arg11[%dma_wait3A_1252, %dma_wait3A_1253, %dma_wait3A_1260] : memref<2x2x64xi32, #tpu.memory_space<vmem>> -> memref<1x1x64xi32, #tpu.memory_space<vmem>>
    %dma_wait3A_1262 = tpu.memref_squeeze %dma_wait3A_1261 : memref<1x1x64xi32, #tpu.memory_space<vmem>> -> memref<64xi32, #tpu.memory_space<vmem>>
    %dma_wait3A_1263 = tpu.memref_reshape %arg2 : memref<64x2x256x256xf32, #tpu.memory_space<hbm>> -> memref<32768x256xf32, #tpu.memory_space<hbm>>
    %dma_wait3A_1264 = arith.constant 0 : i32
    %dma_wait3A_1265 = arith.constant 0 : i32
    %dma_wait3A_1266 = tpu.memref_slice %dma_wait3A_1263[%dma_wait3A_1264, %dma_wait3A_1265] : memref<32768x256xf32, #tpu.memory_space<hbm>> -> memref<32768x256xf32, #tpu.memory_space<hbm>>
    tpu.wait_indirect_dma semaphore(%arg17 : memref<!tpu.dma_semaphore, #tpu.memory_space<semaphore_mem>>) src(%dma_wait3A_1266 : memref<32768x256xf32, #tpu.memory_space<hbm>>) dst(%dma_wait3A_1259 : memref<64x256xf32, #tpu.memory_space<vmem>>)
    %dma_wait3A_1267 = arith.constant 1 : i32
    %dma_wait3A_1268 = arith.constant 1 : i32
    %dma_wait3A_1269 = arith.constant 1 : i32
    %dma_wait3A_1270 = arith.constant 1 : i32
    %dma_wait3A_1271 = arith.constant 0 : i32
    %dma_wait3A_1272 = arith.constant 0 : i32
    %dma_wait3A_1273 = tpu.memref_slice %arg12[%dma_wait3A_1269, %dma_wait3A_1270, %dma_wait3A_1271, %dma_wait3A_1272] : memref<2x2x64x256xf32, #tpu.memory_space<vmem>> -> memref<1x1x64x256xf32, #tpu.memory_space<vmem>>
    %dma_wait3A_1274 = tpu.memref_squeeze %dma_wait3A_1273 : memref<1x1x64x256xf32, #tpu.memory_space<vmem>> -> memref<64x256xf32, #tpu.memory_space<vmem>>
    %dma_wait3A_1275 = arith.constant 0 : i32
    %dma_wait3A_1276 = tpu.memref_slice %arg11[%dma_wait3A_1267, %dma_wait3A_1268, %dma_wait3A_1275] : memref<2x2x64xi32, #tpu.memory_space<vmem>> -> memref<1x1x64xi32, #tpu.memory_space<vmem>>
    %dma_wait3A_1277 = tpu.memref_squeeze %dma_wait3A_1276 : memref<1x1x64xi32, #tpu.memory_space<vmem>> -> memref<64xi32, #tpu.memory_space<vmem>>
    %dma_wait3A_1278 = tpu.memref_reshape %arg2 : memref<64x2x256x256xf32, #tpu.memory_space<hbm>> -> memref<32768x256xf32, #tpu.memory_space<hbm>>
    %dma_wait3A_1279 = arith.constant 0 : i32
    %dma_wait3A_1280 = arith.constant 0 : i32
    %dma_wait3A_1281 = tpu.memref_slice %dma_wait3A_1278[%dma_wait3A_1279, %dma_wait3A_1280] : memref<32768x256xf32, #tpu.memory_space<hbm>> -> memref<32768x256xf32, #tpu.memory_space<hbm>>
    tpu.wait_indirect_dma semaphore(%arg17 : memref<!tpu.dma_semaphore, #tpu.memory_space<semaphore_mem>>) src(%dma_wait3A_1281 : memref<32768x256xf32, #tpu.memory_space<hbm>>) dst(%dma_wait3A_1274 : memref<64x256xf32, #tpu.memory_space<vmem>>)
    %get3A_1282 = arith.constant 1 : i32
    %get3A_1283 = arith.index_cast %get3A_1282 : i32 to index
    %get3A_1284 = arith.constant 64 : index
    %get3A_1285 = tpu.vector_load %arg8[%get3A_1283, %get3A_1284] {strides = array<i32>} : memref<2x128xi32, #tpu.memory_space<vmem>>, vector<16xi32>,
    %and3A_1286 = arith.constant 255 : i32
    %and3A_1287 = vector.broadcast %and3A_1286 : i32 to vector<16xi32>
    %and3A_1288 = arith.andi %get3A_1285, %and3A_1287 : vector<16xi32>
    %add3A_1289 = arith.constant 0 : i32
    %add3A_1290 = vector.broadcast %add3A_1289 : i32 to vector<16xi32>
    %add3A_1291 = arith.addi %iota3A, %add3A_1290 : vector<16xi32>
    %add3A_1292 = arith.constant 64 : i32
    %add3A_1293 = vector.broadcast %add3A_1292 : i32 to vector<16xi32>
    %add3A_1294 = arith.addi %iota3A, %add3A_1293 : vector<16xi32>
    %gather3A_1295 = arith.constant 1 : i32
    %gather3A_1296 = arith.constant 0 : i32
    %gather3A_1297 = arith.constant 0 : i32
    %gather3A_1298 = arith.constant 0 : i32
    %gather3A_1299 = tpu.memref_slice %arg12[%gather3A_1295, %gather3A_1296, %gather3A_1297, %gather3A_1298] : memref<2x2x64x256xf32, #tpu.memory_space<vmem>> -> memref<1x1x64x256xf32, #tpu.memory_space<vmem>>
    %gather3A_1300 = tpu.memref_squeeze %gather3A_1299 : memref<1x1x64x256xf32, #tpu.memory_space<vmem>> -> memref<64x256xf32, #tpu.memory_space<vmem>>
    %gather3A_1301 = tpu.vector_load_idx %gather3A_1300[%add3A_1291, %and3A_1288] : memref<64x256xf32, #tpu.memory_space<vmem>>[vector<16xi32>, vector<16xi32>], vector<16xf32>,
    %gather3A_1302 = arith.constant 1 : i32
    %gather3A_1303 = arith.constant 1 : i32
    %gather3A_1304 = arith.constant 0 : i32
    %gather3A_1305 = arith.constant 0 : i32
    %gather3A_1306 = tpu.memref_slice %arg12[%gather3A_1302, %gather3A_1303, %gather3A_1304, %gather3A_1305] : memref<2x2x64x256xf32, #tpu.memory_space<vmem>> -> memref<1x1x64x256xf32, #tpu.memory_space<vmem>>
    %gather3A_1307 = tpu.memref_squeeze %gather3A_1306 : memref<1x1x64x256xf32, #tpu.memory_space<vmem>> -> memref<64x256xf32, #tpu.memory_space<vmem>>
    %gather3A_1308 = tpu.vector_load_idx %gather3A_1307[%add3A_1291, %and3A_1288] : memref<64x256xf32, #tpu.memory_space<vmem>>[vector<16xi32>, vector<16xi32>], vector<16xf32>,
    %gather3A_1309 = arith.constant 1 : i32
    %gather3A_1310 = arith.constant 0 : i32
    %gather3A_1311 = arith.constant 0 : i32
    %gather3A_1312 = tpu.memref_slice %arg10[%gather3A_1309, %gather3A_1310, %gather3A_1311] : memref<2x128x2xf32, #tpu.memory_space<vmem>> -> memref<1x128x2xf32, #tpu.memory_space<vmem>>
    %gather3A_1313 = tpu.memref_squeeze %gather3A_1312 : memref<1x128x2xf32, #tpu.memory_space<vmem>> -> memref<128x2xf32, #tpu.memory_space<vmem>>
    %gather3A_1314 = tpu.vector_load_idx %gather3A_1313[%add3A_1294, %mul3A_5] : memref<128x2xf32, #tpu.memory_space<vmem>>[vector<16xi32>, vector<16xi32>], vector<16xf32>,
    %gather3A_1315 = arith.constant 1 : i32
    %gather3A_1316 = arith.constant 0 : i32
    %gather3A_1317 = arith.constant 0 : i32
    %gather3A_1318 = tpu.memref_slice %arg10[%gather3A_1315, %gather3A_1316, %gather3A_1317] : memref<2x128x2xf32, #tpu.memory_space<vmem>> -> memref<1x128x2xf32, #tpu.memory_space<vmem>>
    %gather3A_1319 = tpu.memref_squeeze %gather3A_1318 : memref<1x128x2xf32, #tpu.memory_space<vmem>> -> memref<128x2xf32, #tpu.memory_space<vmem>>
    %gather3A_1320 = tpu.vector_load_idx %gather3A_1319[%add3A_1294, %add3A_8] : memref<128x2xf32, #tpu.memory_space<vmem>>[vector<16xi32>, vector<16xi32>], vector<16xf32>,
    %get3A_1321 = arith.constant 1 : i32
    %get3A_1322 = arith.index_cast %get3A_1321 : i32 to index
    %get3A_1323 = arith.constant 64 : index
    %get3A_1324 = tpu.vector_load %arg9[%get3A_1322, %get3A_1323] {strides = array<i32>} : memref<2x128xi32, #tpu.memory_space<vmem>>, vector<16xi32>,
    %convert_element_type3A_1325 = arith.sitofp %get3A_1324 : vector<16xi32> to vector<16xf32>
    %sub3A_1326 = arith.subf %gather3A_1301, %gather3A_1314 : vector<16xf32>
    %abs3A_1327 = math.absf %sub3A_1326 : vector<16xf32>
    %sub3A_1328 = arith.subf %gather3A_1308, %gather3A_1320 : vector<16xf32>
    %abs3A_1329 = math.absf %sub3A_1328 : vector<16xf32>
    %add3A_1330 = arith.addf %abs3A_1327, %abs3A_1329 : vector<16xf32>
    %mul3A_1331 = arith.mulf %convert_element_type3A_1325, %add3A_1330 : vector<16xf32>
    %add3A_1332 = arith.addf %add3A_1250, %mul3A_1331 : vector<16xf32>
    %add3A_1333 = arith.addf %add3A_1251, %convert_element_type3A_1325 : vector<16xf32>
    %get3A_1334 = arith.constant 1 : i32
    %get3A_1335 = arith.index_cast %get3A_1334 : i32 to index
    %get3A_1336 = arith.constant 80 : index
    %get3A_1337 = tpu.vector_load %arg8[%get3A_1335, %get3A_1336] {strides = array<i32>} : memref<2x128xi32, #tpu.memory_space<vmem>>, vector<16xi32>,
    %and3A_1338 = arith.constant 255 : i32
    %and3A_1339 = vector.broadcast %and3A_1338 : i32 to vector<16xi32>
    %and3A_1340 = arith.andi %get3A_1337, %and3A_1339 : vector<16xi32>
    %add3A_1341 = arith.constant 16 : i32
    %add3A_1342 = vector.broadcast %add3A_1341 : i32 to vector<16xi32>
    %add3A_1343 = arith.addi %iota3A, %add3A_1342 : vector<16xi32>
    %add3A_1344 = arith.constant 80 : i32
    %add3A_1345 = vector.broadcast %add3A_1344 : i32 to vector<16xi32>
    %add3A_1346 = arith.addi %iota3A, %add3A_1345 : vector<16xi32>
    %gather3A_1347 = arith.constant 1 : i32
    %gather3A_1348 = arith.constant 0 : i32
    %gather3A_1349 = arith.constant 0 : i32
    %gather3A_1350 = arith.constant 0 : i32
    %gather3A_1351 = tpu.memref_slice %arg12[%gather3A_1347, %gather3A_1348, %gather3A_1349, %gather3A_1350] : memref<2x2x64x256xf32, #tpu.memory_space<vmem>> -> memref<1x1x64x256xf32, #tpu.memory_space<vmem>>
    %gather3A_1352 = tpu.memref_squeeze %gather3A_1351 : memref<1x1x64x256xf32, #tpu.memory_space<vmem>> -> memref<64x256xf32, #tpu.memory_space<vmem>>
    %gather3A_1353 = tpu.vector_load_idx %gather3A_1352[%add3A_1343, %and3A_1340] : memref<64x256xf32, #tpu.memory_space<vmem>>[vector<16xi32>, vector<16xi32>], vector<16xf32>,
    %gather3A_1354 = arith.constant 1 : i32
    %gather3A_1355 = arith.constant 1 : i32
    %gather3A_1356 = arith.constant 0 : i32
    %gather3A_1357 = arith.constant 0 : i32
    %gather3A_1358 = tpu.memref_slice %arg12[%gather3A_1354, %gather3A_1355, %gather3A_1356, %gather3A_1357] : memref<2x2x64x256xf32, #tpu.memory_space<vmem>> -> memref<1x1x64x256xf32, #tpu.memory_space<vmem>>
    %gather3A_1359 = tpu.memref_squeeze %gather3A_1358 : memref<1x1x64x256xf32, #tpu.memory_space<vmem>> -> memref<64x256xf32, #tpu.memory_space<vmem>>
    %gather3A_1360 = tpu.vector_load_idx %gather3A_1359[%add3A_1343, %and3A_1340] : memref<64x256xf32, #tpu.memory_space<vmem>>[vector<16xi32>, vector<16xi32>], vector<16xf32>,
    %gather3A_1361 = arith.constant 1 : i32
    %gather3A_1362 = arith.constant 0 : i32
    %gather3A_1363 = arith.constant 0 : i32
    %gather3A_1364 = tpu.memref_slice %arg10[%gather3A_1361, %gather3A_1362, %gather3A_1363] : memref<2x128x2xf32, #tpu.memory_space<vmem>> -> memref<1x128x2xf32, #tpu.memory_space<vmem>>
    %gather3A_1365 = tpu.memref_squeeze %gather3A_1364 : memref<1x128x2xf32, #tpu.memory_space<vmem>> -> memref<128x2xf32, #tpu.memory_space<vmem>>
    %gather3A_1366 = tpu.vector_load_idx %gather3A_1365[%add3A_1346, %mul3A_5] : memref<128x2xf32, #tpu.memory_space<vmem>>[vector<16xi32>, vector<16xi32>], vector<16xf32>,
    %gather3A_1367 = arith.constant 1 : i32
    %gather3A_1368 = arith.constant 0 : i32
    %gather3A_1369 = arith.constant 0 : i32
    %gather3A_1370 = tpu.memref_slice %arg10[%gather3A_1367, %gather3A_1368, %gather3A_1369] : memref<2x128x2xf32, #tpu.memory_space<vmem>> -> memref<1x128x2xf32, #tpu.memory_space<vmem>>
    %gather3A_1371 = tpu.memref_squeeze %gather3A_1370 : memref<1x128x2xf32, #tpu.memory_space<vmem>> -> memref<128x2xf32, #tpu.memory_space<vmem>>
    %gather3A_1372 = tpu.vector_load_idx %gather3A_1371[%add3A_1346, %add3A_8] : memref<128x2xf32, #tpu.memory_space<vmem>>[vector<16xi32>, vector<16xi32>], vector<16xf32>,
    %get3A_1373 = arith.constant 1 : i32
    %get3A_1374 = arith.index_cast %get3A_1373 : i32 to index
    %get3A_1375 = arith.constant 80 : index
    %get3A_1376 = tpu.vector_load %arg9[%get3A_1374, %get3A_1375] {strides = array<i32>} : memref<2x128xi32, #tpu.memory_space<vmem>>, vector<16xi32>,
    %convert_element_type3A_1377 = arith.sitofp %get3A_1376 : vector<16xi32> to vector<16xf32>
    %sub3A_1378 = arith.subf %gather3A_1353, %gather3A_1366 : vector<16xf32>
    %abs3A_1379 = math.absf %sub3A_1378 : vector<16xf32>
    %sub3A_1380 = arith.subf %gather3A_1360, %gather3A_1372 : vector<16xf32>
    %abs3A_1381 = math.absf %sub3A_1380 : vector<16xf32>
    %add3A_1382 = arith.addf %abs3A_1379, %abs3A_1381 : vector<16xf32>
    %mul3A_1383 = arith.mulf %convert_element_type3A_1377, %add3A_1382 : vector<16xf32>
    %add3A_1384 = arith.addf %add3A_1332, %mul3A_1383 : vector<16xf32>
    %add3A_1385 = arith.addf %add3A_1333, %convert_element_type3A_1377 : vector<16xf32>
    %get3A_1386 = arith.constant 1 : i32
    %get3A_1387 = arith.index_cast %get3A_1386 : i32 to index
    %get3A_1388 = arith.constant 96 : index
    %get3A_1389 = tpu.vector_load %arg8[%get3A_1387, %get3A_1388] {strides = array<i32>} : memref<2x128xi32, #tpu.memory_space<vmem>>, vector<16xi32>,
    %and3A_1390 = arith.constant 255 : i32
    %and3A_1391 = vector.broadcast %and3A_1390 : i32 to vector<16xi32>
    %and3A_1392 = arith.andi %get3A_1389, %and3A_1391 : vector<16xi32>
    %add3A_1393 = arith.constant 32 : i32
    %add3A_1394 = vector.broadcast %add3A_1393 : i32 to vector<16xi32>
    %add3A_1395 = arith.addi %iota3A, %add3A_1394 : vector<16xi32>
    %add3A_1396 = arith.constant 96 : i32
    %add3A_1397 = vector.broadcast %add3A_1396 : i32 to vector<16xi32>
    %add3A_1398 = arith.addi %iota3A, %add3A_1397 : vector<16xi32>
    %gather3A_1399 = arith.constant 1 : i32
    %gather3A_1400 = arith.constant 0 : i32
    %gather3A_1401 = arith.constant 0 : i32
    %gather3A_1402 = arith.constant 0 : i32
    %gather3A_1403 = tpu.memref_slice %arg12[%gather3A_1399, %gather3A_1400, %gather3A_1401, %gather3A_1402] : memref<2x2x64x256xf32, #tpu.memory_space<vmem>> -> memref<1x1x64x256xf32, #tpu.memory_space<vmem>>
    %gather3A_1404 = tpu.memref_squeeze %gather3A_1403 : memref<1x1x64x256xf32, #tpu.memory_space<vmem>> -> memref<64x256xf32, #tpu.memory_space<vmem>>
    %gather3A_1405 = tpu.vector_load_idx %gather3A_1404[%add3A_1395, %and3A_1392] : memref<64x256xf32, #tpu.memory_space<vmem>>[vector<16xi32>, vector<16xi32>], vector<16xf32>,
    %gather3A_1406 = arith.constant 1 : i32
    %gather3A_1407 = arith.constant 1 : i32
    %gather3A_1408 = arith.constant 0 : i32
    %gather3A_1409 = arith.constant 0 : i32
    %gather3A_1410 = tpu.memref_slice %arg12[%gather3A_1406, %gather3A_1407, %gather3A_1408, %gather3A_1409] : memref<2x2x64x256xf32, #tpu.memory_space<vmem>> -> memref<1x1x64x256xf32, #tpu.memory_space<vmem>>
    %gather3A_1411 = tpu.memref_squeeze %gather3A_1410 : memref<1x1x64x256xf32, #tpu.memory_space<vmem>> -> memref<64x256xf32, #tpu.memory_space<vmem>>
    %gather3A_1412 = tpu.vector_load_idx %gather3A_1411[%add3A_1395, %and3A_1392] : memref<64x256xf32, #tpu.memory_space<vmem>>[vector<16xi32>, vector<16xi32>], vector<16xf32>,
    %gather3A_1413 = arith.constant 1 : i32
    %gather3A_1414 = arith.constant 0 : i32
    %gather3A_1415 = arith.constant 0 : i32
    %gather3A_1416 = tpu.memref_slice %arg10[%gather3A_1413, %gather3A_1414, %gather3A_1415] : memref<2x128x2xf32, #tpu.memory_space<vmem>> -> memref<1x128x2xf32, #tpu.memory_space<vmem>>
    %gather3A_1417 = tpu.memref_squeeze %gather3A_1416 : memref<1x128x2xf32, #tpu.memory_space<vmem>> -> memref<128x2xf32, #tpu.memory_space<vmem>>
    %gather3A_1418 = tpu.vector_load_idx %gather3A_1417[%add3A_1398, %mul3A_5] : memref<128x2xf32, #tpu.memory_space<vmem>>[vector<16xi32>, vector<16xi32>], vector<16xf32>,
    %gather3A_1419 = arith.constant 1 : i32
    %gather3A_1420 = arith.constant 0 : i32
    %gather3A_1421 = arith.constant 0 : i32
    %gather3A_1422 = tpu.memref_slice %arg10[%gather3A_1419, %gather3A_1420, %gather3A_1421] : memref<2x128x2xf32, #tpu.memory_space<vmem>> -> memref<1x128x2xf32, #tpu.memory_space<vmem>>
    %gather3A_1423 = tpu.memref_squeeze %gather3A_1422 : memref<1x128x2xf32, #tpu.memory_space<vmem>> -> memref<128x2xf32, #tpu.memory_space<vmem>>
    %gather3A_1424 = tpu.vector_load_idx %gather3A_1423[%add3A_1398, %add3A_8] : memref<128x2xf32, #tpu.memory_space<vmem>>[vector<16xi32>, vector<16xi32>], vector<16xf32>,
    %get3A_1425 = arith.constant 1 : i32
    %get3A_1426 = arith.index_cast %get3A_1425 : i32 to index
    %get3A_1427 = arith.constant 96 : index
    %get3A_1428 = tpu.vector_load %arg9[%get3A_1426, %get3A_1427] {strides = array<i32>} : memref<2x128xi32, #tpu.memory_space<vmem>>, vector<16xi32>,
    %convert_element_type3A_1429 = arith.sitofp %get3A_1428 : vector<16xi32> to vector<16xf32>
    %sub3A_1430 = arith.subf %gather3A_1405, %gather3A_1418 : vector<16xf32>
    %abs3A_1431 = math.absf %sub3A_1430 : vector<16xf32>
    %sub3A_1432 = arith.subf %gather3A_1412, %gather3A_1424 : vector<16xf32>
    %abs3A_1433 = math.absf %sub3A_1432 : vector<16xf32>
    %add3A_1434 = arith.addf %abs3A_1431, %abs3A_1433 : vector<16xf32>
    %mul3A_1435 = arith.mulf %convert_element_type3A_1429, %add3A_1434 : vector<16xf32>
    %add3A_1436 = arith.addf %add3A_1384, %mul3A_1435 : vector<16xf32>
    %add3A_1437 = arith.addf %add3A_1385, %convert_element_type3A_1429 : vector<16xf32>
    %get3A_1438 = arith.constant 1 : i32
    %get3A_1439 = arith.index_cast %get3A_1438 : i32 to index
    %get3A_1440 = arith.constant 112 : index
    %get3A_1441 = tpu.vector_load %arg8[%get3A_1439, %get3A_1440] {strides = array<i32>} : memref<2x128xi32, #tpu.memory_space<vmem>>, vector<16xi32>,
    %and3A_1442 = arith.constant 255 : i32
    %and3A_1443 = vector.broadcast %and3A_1442 : i32 to vector<16xi32>
    %and3A_1444 = arith.andi %get3A_1441, %and3A_1443 : vector<16xi32>
    %add3A_1445 = arith.constant 48 : i32
    %add3A_1446 = vector.broadcast %add3A_1445 : i32 to vector<16xi32>
    %add3A_1447 = arith.addi %iota3A, %add3A_1446 : vector<16xi32>
    %add3A_1448 = arith.constant 112 : i32
    %add3A_1449 = vector.broadcast %add3A_1448 : i32 to vector<16xi32>
    %add3A_1450 = arith.addi %iota3A, %add3A_1449 : vector<16xi32>
    %gather3A_1451 = arith.constant 1 : i32
    %gather3A_1452 = arith.constant 0 : i32
    %gather3A_1453 = arith.constant 0 : i32
    %gather3A_1454 = arith.constant 0 : i32
    %gather3A_1455 = tpu.memref_slice %arg12[%gather3A_1451, %gather3A_1452, %gather3A_1453, %gather3A_1454] : memref<2x2x64x256xf32, #tpu.memory_space<vmem>> -> memref<1x1x64x256xf32, #tpu.memory_space<vmem>>
    %gather3A_1456 = tpu.memref_squeeze %gather3A_1455 : memref<1x1x64x256xf32, #tpu.memory_space<vmem>> -> memref<64x256xf32, #tpu.memory_space<vmem>>
    %gather3A_1457 = tpu.vector_load_idx %gather3A_1456[%add3A_1447, %and3A_1444] : memref<64x256xf32, #tpu.memory_space<vmem>>[vector<16xi32>, vector<16xi32>], vector<16xf32>,
    %gather3A_1458 = arith.constant 1 : i32
    %gather3A_1459 = arith.constant 1 : i32
    %gather3A_1460 = arith.constant 0 : i32
    %gather3A_1461 = arith.constant 0 : i32
    %gather3A_1462 = tpu.memref_slice %arg12[%gather3A_1458, %gather3A_1459, %gather3A_1460, %gather3A_1461] : memref<2x2x64x256xf32, #tpu.memory_space<vmem>> -> memref<1x1x64x256xf32, #tpu.memory_space<vmem>>
    %gather3A_1463 = tpu.memref_squeeze %gather3A_1462 : memref<1x1x64x256xf32, #tpu.memory_space<vmem>> -> memref<64x256xf32, #tpu.memory_space<vmem>>
    %gather3A_1464 = tpu.vector_load_idx %gather3A_1463[%add3A_1447, %and3A_1444] : memref<64x256xf32, #tpu.memory_space<vmem>>[vector<16xi32>, vector<16xi32>], vector<16xf32>,
    %gather3A_1465 = arith.constant 1 : i32
    %gather3A_1466 = arith.constant 0 : i32
    %gather3A_1467 = arith.constant 0 : i32
    %gather3A_1468 = tpu.memref_slice %arg10[%gather3A_1465, %gather3A_1466, %gather3A_1467] : memref<2x128x2xf32, #tpu.memory_space<vmem>> -> memref<1x128x2xf32, #tpu.memory_space<vmem>>
    %gather3A_1469 = tpu.memref_squeeze %gather3A_1468 : memref<1x128x2xf32, #tpu.memory_space<vmem>> -> memref<128x2xf32, #tpu.memory_space<vmem>>
    %gather3A_1470 = tpu.vector_load_idx %gather3A_1469[%add3A_1450, %mul3A_5] : memref<128x2xf32, #tpu.memory_space<vmem>>[vector<16xi32>, vector<16xi32>], vector<16xf32>,
    %gather3A_1471 = arith.constant 1 : i32
    %gather3A_1472 = arith.constant 0 : i32
    %gather3A_1473 = arith.constant 0 : i32
    %gather3A_1474 = tpu.memref_slice %arg10[%gather3A_1471, %gather3A_1472, %gather3A_1473] : memref<2x128x2xf32, #tpu.memory_space<vmem>> -> memref<1x128x2xf32, #tpu.memory_space<vmem>>
    %gather3A_1475 = tpu.memref_squeeze %gather3A_1474 : memref<1x128x2xf32, #tpu.memory_space<vmem>> -> memref<128x2xf32, #tpu.memory_space<vmem>>
    %gather3A_1476 = tpu.vector_load_idx %gather3A_1475[%add3A_1450, %add3A_8] : memref<128x2xf32, #tpu.memory_space<vmem>>[vector<16xi32>, vector<16xi32>], vector<16xf32>,
    %get3A_1477 = arith.constant 1 : i32
    %get3A_1478 = arith.index_cast %get3A_1477 : i32 to index
    %get3A_1479 = arith.constant 112 : index
    %get3A_1480 = tpu.vector_load %arg9[%get3A_1478, %get3A_1479] {strides = array<i32>} : memref<2x128xi32, #tpu.memory_space<vmem>>, vector<16xi32>,
    %convert_element_type3A_1481 = arith.sitofp %get3A_1480 : vector<16xi32> to vector<16xf32>
    %sub3A_1482 = arith.subf %gather3A_1457, %gather3A_1470 : vector<16xf32>
    %abs3A_1483 = math.absf %sub3A_1482 : vector<16xf32>
    %sub3A_1484 = arith.subf %gather3A_1464, %gather3A_1476 : vector<16xf32>
    %abs3A_1485 = math.absf %sub3A_1484 : vector<16xf32>
    %add3A_1486 = arith.addf %abs3A_1483, %abs3A_1485 : vector<16xf32>
    %mul3A_1487 = arith.mulf %convert_element_type3A_1481, %add3A_1486 : vector<16xf32>
    %add3A_1488 = arith.addf %add3A_1436, %mul3A_1487 : vector<16xf32>
    %add3A_1489 = arith.addf %add3A_1437, %convert_element_type3A_1481 : vector<16xf32>
    %swap3A_1490 = arith.constant 0 : i32
    %swap3A_1491 = arith.index_cast %swap3A_1490 : i32 to index
    %swap3A_1492 = arith.constant 0 : index
    %swap3A_1493 = tpu.vector_load %arg13[%swap3A_1491, %swap3A_1492] {strides = array<i32>} : memref<2x16xf32, #tpu.memory_space<vmem>>, vector<16xf32>,
    tpu.vector_store %arg13[%swap3A_1491, %swap3A_1492], %add3A_1488 {strides = array<i32>} : memref<2x16xf32, #tpu.memory_space<vmem>>, vector<16xf32>,
    %swap3A_1494 = arith.constant 1 : i32
    %swap3A_1495 = arith.index_cast %swap3A_1494 : i32 to index
    %swap3A_1496 = arith.constant 0 : index
    %swap3A_1497 = tpu.vector_load %arg13[%swap3A_1495, %swap3A_1496] {strides = array<i32>} : memref<2x16xf32, #tpu.memory_space<vmem>>, vector<16xf32>,
    tpu.vector_store %arg13[%swap3A_1495, %swap3A_1496], %add3A_1489 {strides = array<i32>} : memref<2x16xf32, #tpu.memory_space<vmem>>, vector<16xf32>,
    "tpu.region"() ({
      %run_scoped3A = tpu.sem_alloc : memref<!tpu.dma_semaphore, #tpu.memory_space<semaphore_mem>>
      %dma_start3A_1501 = arith.constant 0 : i32
      %dma_start3A_1502 = arith.constant 0 : i32
      %dma_start3A_1503 = tpu.memref_slice %arg7[%add3A, %dma_start3A_1501, %dma_start3A_1502] : memref<32x2x16xf32, #tpu.memory_space<hbm>> -> memref<1x2x16xf32, #tpu.memory_space<hbm>>
      %dma_start3A_1504 = tpu.memref_squeeze %dma_start3A_1503 : memref<1x2x16xf32, #tpu.memory_space<hbm>> -> memref<2x16xf32, #tpu.memory_space<hbm>>
      %dma_start3A_1505 = arith.constant 0 : i32
      %dma_start3A_1506 = arith.constant 0 : i32
      %dma_start3A_1507 = tpu.memref_slice %arg7[%add3A, %dma_start3A_1505, %dma_start3A_1506] : memref<32x2x16xf32, #tpu.memory_space<hbm>> -> memref<1x2x16xf32, #tpu.memory_space<hbm>>
      %dma_start3A_1508 = tpu.memref_squeeze %dma_start3A_1507 : memref<1x2x16xf32, #tpu.memory_space<hbm>> -> memref<2x16xf32, #tpu.memory_space<hbm>>
      tpu.enqueue_dma source(%arg13 : memref<2x16xf32, #tpu.memory_space<vmem>>) target(%dma_start3A_1508 : memref<2x16xf32, #tpu.memory_space<hbm>>) target_semaphore(%run_scoped3A : memref<!tpu.dma_semaphore, #tpu.memory_space<semaphore_mem>>)
      %dma_wait3A_1509 = arith.constant 0 : i32
      %dma_wait3A_1510 = arith.constant 0 : i32
      %dma_wait3A_1511 = tpu.memref_slice %arg7[%add3A, %dma_wait3A_1509, %dma_wait3A_1510] : memref<32x2x16xf32, #tpu.memory_space<hbm>> -> memref<1x2x16xf32, #tpu.memory_space<hbm>>
      %dma_wait3A_1512 = tpu.memref_squeeze %dma_wait3A_1511 : memref<1x2x16xf32, #tpu.memory_space<hbm>> -> memref<2x16xf32, #tpu.memory_space<hbm>>
      %dma_wait3A_1513 = arith.constant 0 : i32
      %dma_wait3A_1514 = arith.constant 0 : i32
      %dma_wait3A_1515 = tpu.memref_slice %arg7[%add3A, %dma_wait3A_1513, %dma_wait3A_1514] : memref<32x2x16xf32, #tpu.memory_space<hbm>> -> memref<1x2x16xf32, #tpu.memory_space<hbm>>
      %dma_wait3A_1516 = tpu.memref_squeeze %dma_wait3A_1515 : memref<1x2x16xf32, #tpu.memory_space<hbm>> -> memref<2x16xf32, #tpu.memory_space<hbm>>
      tpu.wait_dma2 semaphore(%run_scoped3A : memref<!tpu.dma_semaphore, #tpu.memory_space<semaphore_mem>>) src(%arg13 : memref<2x16xf32, #tpu.memory_space<vmem>>) dst(%dma_wait3A_1516 : memref<2x16xf32, #tpu.memory_space<hbm>>)
      tpu.yield
    }) : () -> ()
    %barrier3A = arith.constant 0 : index
    tpu.barrier barrier_id(%barrier3A)
    %eq3A = arith.constant 0 : i32
    %eq3A_1498 = arith.cmpi eq, %add3A, %eq3A : i32
    %convert_element_type3A_1499 = arith.extui %eq3A_1498 : i1 to i32
    %cond3A = arith.constant 0 : i32
    %cond3A_1500 = arith.cmpi ne, %convert_element_type3A_1499, %cond3A : i32
    scf.if %cond3A_1500 {
      "tpu.region"() ({
        %run_scoped3A = tpu.sem_alloc : memref<!tpu.dma_semaphore, #tpu.memory_space<semaphore_mem>>
        tpu.enqueue_dma source(%arg7 : memref<32x2x16xf32, #tpu.memory_space<hbm>>) target(%arg14 : memref<32x2x16xf32, #tpu.memory_space<vmem>>) target_semaphore(%run_scoped3A : memref<!tpu.dma_semaphore, #tpu.memory_space<semaphore_mem>>)
        tpu.wait_dma2 semaphore(%run_scoped3A : memref<!tpu.dma_semaphore, #tpu.memory_space<semaphore_mem>>) src(%arg7 : memref<32x2x16xf32, #tpu.memory_space<hbm>>) dst(%arg14 : memref<32x2x16xf32, #tpu.memory_space<vmem>>)
        tpu.yield
      }) : () -> ()
      %broadcast_in_dim3A_1501 = arith.constant 0.000000e+00 : f32
      %broadcast_in_dim3A_1502 = vector.broadcast %broadcast_in_dim3A_1501 : f32 to vector<16xf32>
      %broadcast_in_dim3A_1503 = arith.constant 0.000000e+00 : f32
      %broadcast_in_dim3A_1504 = vector.broadcast %broadcast_in_dim3A_1503 : f32 to vector<16xf32>
      %get3A_1505 = arith.constant 0 : i32
      %get3A_1506 = arith.constant 0 : i32
      %get3A_1507 = arith.index_cast %get3A_1505 : i32 to index
      %get3A_1508 = arith.index_cast %get3A_1506 : i32 to index
      %get3A_1509 = arith.constant 0 : index
      %get3A_1510 = tpu.vector_load %arg14[%get3A_1507, %get3A_1508, %get3A_1509] {strides = array<i32>} : memref<32x2x16xf32, #tpu.memory_space<vmem>>, vector<16xf32>,
      %add3A_1511 = arith.addf %broadcast_in_dim3A_1502, %get3A_1510 : vector<16xf32>
      %get3A_1512 = arith.constant 0 : i32
      %get3A_1513 = arith.constant 1 : i32
      %get3A_1514 = arith.index_cast %get3A_1512 : i32 to index
      %get3A_1515 = arith.index_cast %get3A_1513 : i32 to index
      %get3A_1516 = arith.constant 0 : index
      %get3A_1517 = tpu.vector_load %arg14[%get3A_1514, %get3A_1515, %get3A_1516] {strides = array<i32>} : memref<32x2x16xf32, #tpu.memory_space<vmem>>, vector<16xf32>,
      %add3A_1518 = arith.addf %broadcast_in_dim3A_1504, %get3A_1517 : vector<16xf32>
      %get3A_1519 = arith.constant 1 : i32
      %get3A_1520 = arith.constant 0 : i32
      %get3A_1521 = arith.index_cast %get3A_1519 : i32 to index
      %get3A_1522 = arith.index_cast %get3A_1520 : i32 to index
      %get3A_1523 = arith.constant 0 : index
      %get3A_1524 = tpu.vector_load %arg14[%get3A_1521, %get3A_1522, %get3A_1523] {strides = array<i32>} : memref<32x2x16xf32, #tpu.memory_space<vmem>>, vector<16xf32>,
      %add3A_1525 = arith.addf %add3A_1511, %get3A_1524 : vector<16xf32>
      %get3A_1526 = arith.constant 1 : i32
      %get3A_1527 = arith.constant 1 : i32
      %get3A_1528 = arith.index_cast %get3A_1526 : i32 to index
      %get3A_1529 = arith.index_cast %get3A_1527 : i32 to index
      %get3A_1530 = arith.constant 0 : index
      %get3A_1531 = tpu.vector_load %arg14[%get3A_1528, %get3A_1529, %get3A_1530] {strides = array<i32>} : memref<32x2x16xf32, #tpu.memory_space<vmem>>, vector<16xf32>,
      %add3A_1532 = arith.addf %add3A_1518, %get3A_1531 : vector<16xf32>
      %get3A_1533 = arith.constant 2 : i32
      %get3A_1534 = arith.constant 0 : i32
      %get3A_1535 = arith.index_cast %get3A_1533 : i32 to index
      %get3A_1536 = arith.index_cast %get3A_1534 : i32 to index
      %get3A_1537 = arith.constant 0 : index
      %get3A_1538 = tpu.vector_load %arg14[%get3A_1535, %get3A_1536, %get3A_1537] {strides = array<i32>} : memref<32x2x16xf32, #tpu.memory_space<vmem>>, vector<16xf32>,
      %add3A_1539 = arith.addf %add3A_1525, %get3A_1538 : vector<16xf32>
      %get3A_1540 = arith.constant 2 : i32
      %get3A_1541 = arith.constant 1 : i32
      %get3A_1542 = arith.index_cast %get3A_1540 : i32 to index
      %get3A_1543 = arith.index_cast %get3A_1541 : i32 to index
      %get3A_1544 = arith.constant 0 : index
      %get3A_1545 = tpu.vector_load %arg14[%get3A_1542, %get3A_1543, %get3A_1544] {strides = array<i32>} : memref<32x2x16xf32, #tpu.memory_space<vmem>>, vector<16xf32>,
      %add3A_1546 = arith.addf %add3A_1532, %get3A_1545 : vector<16xf32>
      %get3A_1547 = arith.constant 3 : i32
      %get3A_1548 = arith.constant 0 : i32
      %get3A_1549 = arith.index_cast %get3A_1547 : i32 to index
      %get3A_1550 = arith.index_cast %get3A_1548 : i32 to index
      %get3A_1551 = arith.constant 0 : index
      %get3A_1552 = tpu.vector_load %arg14[%get3A_1549, %get3A_1550, %get3A_1551] {strides = array<i32>} : memref<32x2x16xf32, #tpu.memory_space<vmem>>, vector<16xf32>,
      %add3A_1553 = arith.addf %add3A_1539, %get3A_1552 : vector<16xf32>
      %get3A_1554 = arith.constant 3 : i32
      %get3A_1555 = arith.constant 1 : i32
      %get3A_1556 = arith.index_cast %get3A_1554 : i32 to index
      %get3A_1557 = arith.index_cast %get3A_1555 : i32 to index
      %get3A_1558 = arith.constant 0 : index
      %get3A_1559 = tpu.vector_load %arg14[%get3A_1556, %get3A_1557, %get3A_1558] {strides = array<i32>} : memref<32x2x16xf32, #tpu.memory_space<vmem>>, vector<16xf32>,
      %add3A_1560 = arith.addf %add3A_1546, %get3A_1559 : vector<16xf32>
      %get3A_1561 = arith.constant 4 : i32
      %get3A_1562 = arith.constant 0 : i32
      %get3A_1563 = arith.index_cast %get3A_1561 : i32 to index
      %get3A_1564 = arith.index_cast %get3A_1562 : i32 to index
      %get3A_1565 = arith.constant 0 : index
      %get3A_1566 = tpu.vector_load %arg14[%get3A_1563, %get3A_1564, %get3A_1565] {strides = array<i32>} : memref<32x2x16xf32, #tpu.memory_space<vmem>>, vector<16xf32>,
      %add3A_1567 = arith.addf %add3A_1553, %get3A_1566 : vector<16xf32>
      %get3A_1568 = arith.constant 4 : i32
      %get3A_1569 = arith.constant 1 : i32
      %get3A_1570 = arith.index_cast %get3A_1568 : i32 to index
      %get3A_1571 = arith.index_cast %get3A_1569 : i32 to index
      %get3A_1572 = arith.constant 0 : index
      %get3A_1573 = tpu.vector_load %arg14[%get3A_1570, %get3A_1571, %get3A_1572] {strides = array<i32>} : memref<32x2x16xf32, #tpu.memory_space<vmem>>, vector<16xf32>,
      %add3A_1574 = arith.addf %add3A_1560, %get3A_1573 : vector<16xf32>
      %get3A_1575 = arith.constant 5 : i32
      %get3A_1576 = arith.constant 0 : i32
      %get3A_1577 = arith.index_cast %get3A_1575 : i32 to index
      %get3A_1578 = arith.index_cast %get3A_1576 : i32 to index
      %get3A_1579 = arith.constant 0 : index
      %get3A_1580 = tpu.vector_load %arg14[%get3A_1577, %get3A_1578, %get3A_1579] {strides = array<i32>} : memref<32x2x16xf32, #tpu.memory_space<vmem>>, vector<16xf32>,
      %add3A_1581 = arith.addf %add3A_1567, %get3A_1580 : vector<16xf32>
      %get3A_1582 = arith.constant 5 : i32
      %get3A_1583 = arith.constant 1 : i32
      %get3A_1584 = arith.index_cast %get3A_1582 : i32 to index
      %get3A_1585 = arith.index_cast %get3A_1583 : i32 to index
      %get3A_1586 = arith.constant 0 : index
      %get3A_1587 = tpu.vector_load %arg14[%get3A_1584, %get3A_1585, %get3A_1586] {strides = array<i32>} : memref<32x2x16xf32, #tpu.memory_space<vmem>>, vector<16xf32>,
      %add3A_1588 = arith.addf %add3A_1574, %get3A_1587 : vector<16xf32>
      %get3A_1589 = arith.constant 6 : i32
      %get3A_1590 = arith.constant 0 : i32
      %get3A_1591 = arith.index_cast %get3A_1589 : i32 to index
      %get3A_1592 = arith.index_cast %get3A_1590 : i32 to index
      %get3A_1593 = arith.constant 0 : index
      %get3A_1594 = tpu.vector_load %arg14[%get3A_1591, %get3A_1592, %get3A_1593] {strides = array<i32>} : memref<32x2x16xf32, #tpu.memory_space<vmem>>, vector<16xf32>,
      %add3A_1595 = arith.addf %add3A_1581, %get3A_1594 : vector<16xf32>
      %get3A_1596 = arith.constant 6 : i32
      %get3A_1597 = arith.constant 1 : i32
      %get3A_1598 = arith.index_cast %get3A_1596 : i32 to index
      %get3A_1599 = arith.index_cast %get3A_1597 : i32 to index
      %get3A_1600 = arith.constant 0 : index
      %get3A_1601 = tpu.vector_load %arg14[%get3A_1598, %get3A_1599, %get3A_1600] {strides = array<i32>} : memref<32x2x16xf32, #tpu.memory_space<vmem>>, vector<16xf32>,
      %add3A_1602 = arith.addf %add3A_1588, %get3A_1601 : vector<16xf32>
      %get3A_1603 = arith.constant 7 : i32
      %get3A_1604 = arith.constant 0 : i32
      %get3A_1605 = arith.index_cast %get3A_1603 : i32 to index
      %get3A_1606 = arith.index_cast %get3A_1604 : i32 to index
      %get3A_1607 = arith.constant 0 : index
      %get3A_1608 = tpu.vector_load %arg14[%get3A_1605, %get3A_1606, %get3A_1607] {strides = array<i32>} : memref<32x2x16xf32, #tpu.memory_space<vmem>>, vector<16xf32>,
      %add3A_1609 = arith.addf %add3A_1595, %get3A_1608 : vector<16xf32>
      %get3A_1610 = arith.constant 7 : i32
      %get3A_1611 = arith.constant 1 : i32
      %get3A_1612 = arith.index_cast %get3A_1610 : i32 to index
      %get3A_1613 = arith.index_cast %get3A_1611 : i32 to index
      %get3A_1614 = arith.constant 0 : index
      %get3A_1615 = tpu.vector_load %arg14[%get3A_1612, %get3A_1613, %get3A_1614] {strides = array<i32>} : memref<32x2x16xf32, #tpu.memory_space<vmem>>, vector<16xf32>,
      %add3A_1616 = arith.addf %add3A_1602, %get3A_1615 : vector<16xf32>
      %get3A_1617 = arith.constant 8 : i32
      %get3A_1618 = arith.constant 0 : i32
      %get3A_1619 = arith.index_cast %get3A_1617 : i32 to index
      %get3A_1620 = arith.index_cast %get3A_1618 : i32 to index
      %get3A_1621 = arith.constant 0 : index
      %get3A_1622 = tpu.vector_load %arg14[%get3A_1619, %get3A_1620, %get3A_1621] {strides = array<i32>} : memref<32x2x16xf32, #tpu.memory_space<vmem>>, vector<16xf32>,
      %add3A_1623 = arith.addf %add3A_1609, %get3A_1622 : vector<16xf32>
      %get3A_1624 = arith.constant 8 : i32
      %get3A_1625 = arith.constant 1 : i32
      %get3A_1626 = arith.index_cast %get3A_1624 : i32 to index
      %get3A_1627 = arith.index_cast %get3A_1625 : i32 to index
      %get3A_1628 = arith.constant 0 : index
      %get3A_1629 = tpu.vector_load %arg14[%get3A_1626, %get3A_1627, %get3A_1628] {strides = array<i32>} : memref<32x2x16xf32, #tpu.memory_space<vmem>>, vector<16xf32>,
      %add3A_1630 = arith.addf %add3A_1616, %get3A_1629 : vector<16xf32>
      %get3A_1631 = arith.constant 9 : i32
      %get3A_1632 = arith.constant 0 : i32
      %get3A_1633 = arith.index_cast %get3A_1631 : i32 to index
      %get3A_1634 = arith.index_cast %get3A_1632 : i32 to index
      %get3A_1635 = arith.constant 0 : index
      %get3A_1636 = tpu.vector_load %arg14[%get3A_1633, %get3A_1634, %get3A_1635] {strides = array<i32>} : memref<32x2x16xf32, #tpu.memory_space<vmem>>, vector<16xf32>,
      %add3A_1637 = arith.addf %add3A_1623, %get3A_1636 : vector<16xf32>
      %get3A_1638 = arith.constant 9 : i32
      %get3A_1639 = arith.constant 1 : i32
      %get3A_1640 = arith.index_cast %get3A_1638 : i32 to index
      %get3A_1641 = arith.index_cast %get3A_1639 : i32 to index
      %get3A_1642 = arith.constant 0 : index
      %get3A_1643 = tpu.vector_load %arg14[%get3A_1640, %get3A_1641, %get3A_1642] {strides = array<i32>} : memref<32x2x16xf32, #tpu.memory_space<vmem>>, vector<16xf32>,
      %add3A_1644 = arith.addf %add3A_1630, %get3A_1643 : vector<16xf32>
      %get3A_1645 = arith.constant 10 : i32
      %get3A_1646 = arith.constant 0 : i32
      %get3A_1647 = arith.index_cast %get3A_1645 : i32 to index
      %get3A_1648 = arith.index_cast %get3A_1646 : i32 to index
      %get3A_1649 = arith.constant 0 : index
      %get3A_1650 = tpu.vector_load %arg14[%get3A_1647, %get3A_1648, %get3A_1649] {strides = array<i32>} : memref<32x2x16xf32, #tpu.memory_space<vmem>>, vector<16xf32>,
      %add3A_1651 = arith.addf %add3A_1637, %get3A_1650 : vector<16xf32>
      %get3A_1652 = arith.constant 10 : i32
      %get3A_1653 = arith.constant 1 : i32
      %get3A_1654 = arith.index_cast %get3A_1652 : i32 to index
      %get3A_1655 = arith.index_cast %get3A_1653 : i32 to index
      %get3A_1656 = arith.constant 0 : index
      %get3A_1657 = tpu.vector_load %arg14[%get3A_1654, %get3A_1655, %get3A_1656] {strides = array<i32>} : memref<32x2x16xf32, #tpu.memory_space<vmem>>, vector<16xf32>,
      %add3A_1658 = arith.addf %add3A_1644, %get3A_1657 : vector<16xf32>
      %get3A_1659 = arith.constant 11 : i32
      %get3A_1660 = arith.constant 0 : i32
      %get3A_1661 = arith.index_cast %get3A_1659 : i32 to index
      %get3A_1662 = arith.index_cast %get3A_1660 : i32 to index
      %get3A_1663 = arith.constant 0 : index
      %get3A_1664 = tpu.vector_load %arg14[%get3A_1661, %get3A_1662, %get3A_1663] {strides = array<i32>} : memref<32x2x16xf32, #tpu.memory_space<vmem>>, vector<16xf32>,
      %add3A_1665 = arith.addf %add3A_1651, %get3A_1664 : vector<16xf32>
      %get3A_1666 = arith.constant 11 : i32
      %get3A_1667 = arith.constant 1 : i32
      %get3A_1668 = arith.index_cast %get3A_1666 : i32 to index
      %get3A_1669 = arith.index_cast %get3A_1667 : i32 to index
      %get3A_1670 = arith.constant 0 : index
      %get3A_1671 = tpu.vector_load %arg14[%get3A_1668, %get3A_1669, %get3A_1670] {strides = array<i32>} : memref<32x2x16xf32, #tpu.memory_space<vmem>>, vector<16xf32>,
      %add3A_1672 = arith.addf %add3A_1658, %get3A_1671 : vector<16xf32>
      %get3A_1673 = arith.constant 12 : i32
      %get3A_1674 = arith.constant 0 : i32
      %get3A_1675 = arith.index_cast %get3A_1673 : i32 to index
      %get3A_1676 = arith.index_cast %get3A_1674 : i32 to index
      %get3A_1677 = arith.constant 0 : index
      %get3A_1678 = tpu.vector_load %arg14[%get3A_1675, %get3A_1676, %get3A_1677] {strides = array<i32>} : memref<32x2x16xf32, #tpu.memory_space<vmem>>, vector<16xf32>,
      %add3A_1679 = arith.addf %add3A_1665, %get3A_1678 : vector<16xf32>
      %get3A_1680 = arith.constant 12 : i32
      %get3A_1681 = arith.constant 1 : i32
      %get3A_1682 = arith.index_cast %get3A_1680 : i32 to index
      %get3A_1683 = arith.index_cast %get3A_1681 : i32 to index
      %get3A_1684 = arith.constant 0 : index
      %get3A_1685 = tpu.vector_load %arg14[%get3A_1682, %get3A_1683, %get3A_1684] {strides = array<i32>} : memref<32x2x16xf32, #tpu.memory_space<vmem>>, vector<16xf32>,
      %add3A_1686 = arith.addf %add3A_1672, %get3A_1685 : vector<16xf32>
      %get3A_1687 = arith.constant 13 : i32
      %get3A_1688 = arith.constant 0 : i32
      %get3A_1689 = arith.index_cast %get3A_1687 : i32 to index
      %get3A_1690 = arith.index_cast %get3A_1688 : i32 to index
      %get3A_1691 = arith.constant 0 : index
      %get3A_1692 = tpu.vector_load %arg14[%get3A_1689, %get3A_1690, %get3A_1691] {strides = array<i32>} : memref<32x2x16xf32, #tpu.memory_space<vmem>>, vector<16xf32>,
      %add3A_1693 = arith.addf %add3A_1679, %get3A_1692 : vector<16xf32>
      %get3A_1694 = arith.constant 13 : i32
      %get3A_1695 = arith.constant 1 : i32
      %get3A_1696 = arith.index_cast %get3A_1694 : i32 to index
      %get3A_1697 = arith.index_cast %get3A_1695 : i32 to index
      %get3A_1698 = arith.constant 0 : index
      %get3A_1699 = tpu.vector_load %arg14[%get3A_1696, %get3A_1697, %get3A_1698] {strides = array<i32>} : memref<32x2x16xf32, #tpu.memory_space<vmem>>, vector<16xf32>,
      %add3A_1700 = arith.addf %add3A_1686, %get3A_1699 : vector<16xf32>
      %get3A_1701 = arith.constant 14 : i32
      %get3A_1702 = arith.constant 0 : i32
      %get3A_1703 = arith.index_cast %get3A_1701 : i32 to index
      %get3A_1704 = arith.index_cast %get3A_1702 : i32 to index
      %get3A_1705 = arith.constant 0 : index
      %get3A_1706 = tpu.vector_load %arg14[%get3A_1703, %get3A_1704, %get3A_1705] {strides = array<i32>} : memref<32x2x16xf32, #tpu.memory_space<vmem>>, vector<16xf32>,
      %add3A_1707 = arith.addf %add3A_1693, %get3A_1706 : vector<16xf32>
      %get3A_1708 = arith.constant 14 : i32
      %get3A_1709 = arith.constant 1 : i32
      %get3A_1710 = arith.index_cast %get3A_1708 : i32 to index
      %get3A_1711 = arith.index_cast %get3A_1709 : i32 to index
      %get3A_1712 = arith.constant 0 : index
      %get3A_1713 = tpu.vector_load %arg14[%get3A_1710, %get3A_1711, %get3A_1712] {strides = array<i32>} : memref<32x2x16xf32, #tpu.memory_space<vmem>>, vector<16xf32>,
      %add3A_1714 = arith.addf %add3A_1700, %get3A_1713 : vector<16xf32>
      %get3A_1715 = arith.constant 15 : i32
      %get3A_1716 = arith.constant 0 : i32
      %get3A_1717 = arith.index_cast %get3A_1715 : i32 to index
      %get3A_1718 = arith.index_cast %get3A_1716 : i32 to index
      %get3A_1719 = arith.constant 0 : index
      %get3A_1720 = tpu.vector_load %arg14[%get3A_1717, %get3A_1718, %get3A_1719] {strides = array<i32>} : memref<32x2x16xf32, #tpu.memory_space<vmem>>, vector<16xf32>,
      %add3A_1721 = arith.addf %add3A_1707, %get3A_1720 : vector<16xf32>
      %get3A_1722 = arith.constant 15 : i32
      %get3A_1723 = arith.constant 1 : i32
      %get3A_1724 = arith.index_cast %get3A_1722 : i32 to index
      %get3A_1725 = arith.index_cast %get3A_1723 : i32 to index
      %get3A_1726 = arith.constant 0 : index
      %get3A_1727 = tpu.vector_load %arg14[%get3A_1724, %get3A_1725, %get3A_1726] {strides = array<i32>} : memref<32x2x16xf32, #tpu.memory_space<vmem>>, vector<16xf32>,
      %add3A_1728 = arith.addf %add3A_1714, %get3A_1727 : vector<16xf32>
      %get3A_1729 = arith.constant 16 : i32
      %get3A_1730 = arith.constant 0 : i32
      %get3A_1731 = arith.index_cast %get3A_1729 : i32 to index
      %get3A_1732 = arith.index_cast %get3A_1730 : i32 to index
      %get3A_1733 = arith.constant 0 : index
      %get3A_1734 = tpu.vector_load %arg14[%get3A_1731, %get3A_1732, %get3A_1733] {strides = array<i32>} : memref<32x2x16xf32, #tpu.memory_space<vmem>>, vector<16xf32>,
      %add3A_1735 = arith.addf %add3A_1721, %get3A_1734 : vector<16xf32>
      %get3A_1736 = arith.constant 16 : i32
      %get3A_1737 = arith.constant 1 : i32
      %get3A_1738 = arith.index_cast %get3A_1736 : i32 to index
      %get3A_1739 = arith.index_cast %get3A_1737 : i32 to index
      %get3A_1740 = arith.constant 0 : index
      %get3A_1741 = tpu.vector_load %arg14[%get3A_1738, %get3A_1739, %get3A_1740] {strides = array<i32>} : memref<32x2x16xf32, #tpu.memory_space<vmem>>, vector<16xf32>,
      %add3A_1742 = arith.addf %add3A_1728, %get3A_1741 : vector<16xf32>
      %get3A_1743 = arith.constant 17 : i32
      %get3A_1744 = arith.constant 0 : i32
      %get3A_1745 = arith.index_cast %get3A_1743 : i32 to index
      %get3A_1746 = arith.index_cast %get3A_1744 : i32 to index
      %get3A_1747 = arith.constant 0 : index
      %get3A_1748 = tpu.vector_load %arg14[%get3A_1745, %get3A_1746, %get3A_1747] {strides = array<i32>} : memref<32x2x16xf32, #tpu.memory_space<vmem>>, vector<16xf32>,
      %add3A_1749 = arith.addf %add3A_1735, %get3A_1748 : vector<16xf32>
      %get3A_1750 = arith.constant 17 : i32
      %get3A_1751 = arith.constant 1 : i32
      %get3A_1752 = arith.index_cast %get3A_1750 : i32 to index
      %get3A_1753 = arith.index_cast %get3A_1751 : i32 to index
      %get3A_1754 = arith.constant 0 : index
      %get3A_1755 = tpu.vector_load %arg14[%get3A_1752, %get3A_1753, %get3A_1754] {strides = array<i32>} : memref<32x2x16xf32, #tpu.memory_space<vmem>>, vector<16xf32>,
      %add3A_1756 = arith.addf %add3A_1742, %get3A_1755 : vector<16xf32>
      %get3A_1757 = arith.constant 18 : i32
      %get3A_1758 = arith.constant 0 : i32
      %get3A_1759 = arith.index_cast %get3A_1757 : i32 to index
      %get3A_1760 = arith.index_cast %get3A_1758 : i32 to index
      %get3A_1761 = arith.constant 0 : index
      %get3A_1762 = tpu.vector_load %arg14[%get3A_1759, %get3A_1760, %get3A_1761] {strides = array<i32>} : memref<32x2x16xf32, #tpu.memory_space<vmem>>, vector<16xf32>,
      %add3A_1763 = arith.addf %add3A_1749, %get3A_1762 : vector<16xf32>
      %get3A_1764 = arith.constant 18 : i32
      %get3A_1765 = arith.constant 1 : i32
      %get3A_1766 = arith.index_cast %get3A_1764 : i32 to index
      %get3A_1767 = arith.index_cast %get3A_1765 : i32 to index
      %get3A_1768 = arith.constant 0 : index
      %get3A_1769 = tpu.vector_load %arg14[%get3A_1766, %get3A_1767, %get3A_1768] {strides = array<i32>} : memref<32x2x16xf32, #tpu.memory_space<vmem>>, vector<16xf32>,
      %add3A_1770 = arith.addf %add3A_1756, %get3A_1769 : vector<16xf32>
      %get3A_1771 = arith.constant 19 : i32
      %get3A_1772 = arith.constant 0 : i32
      %get3A_1773 = arith.index_cast %get3A_1771 : i32 to index
      %get3A_1774 = arith.index_cast %get3A_1772 : i32 to index
      %get3A_1775 = arith.constant 0 : index
      %get3A_1776 = tpu.vector_load %arg14[%get3A_1773, %get3A_1774, %get3A_1775] {strides = array<i32>} : memref<32x2x16xf32, #tpu.memory_space<vmem>>, vector<16xf32>,
      %add3A_1777 = arith.addf %add3A_1763, %get3A_1776 : vector<16xf32>
      %get3A_1778 = arith.constant 19 : i32
      %get3A_1779 = arith.constant 1 : i32
      %get3A_1780 = arith.index_cast %get3A_1778 : i32 to index
      %get3A_1781 = arith.index_cast %get3A_1779 : i32 to index
      %get3A_1782 = arith.constant 0 : index
      %get3A_1783 = tpu.vector_load %arg14[%get3A_1780, %get3A_1781, %get3A_1782] {strides = array<i32>} : memref<32x2x16xf32, #tpu.memory_space<vmem>>, vector<16xf32>,
      %add3A_1784 = arith.addf %add3A_1770, %get3A_1783 : vector<16xf32>
      %get3A_1785 = arith.constant 20 : i32
      %get3A_1786 = arith.constant 0 : i32
      %get3A_1787 = arith.index_cast %get3A_1785 : i32 to index
      %get3A_1788 = arith.index_cast %get3A_1786 : i32 to index
      %get3A_1789 = arith.constant 0 : index
      %get3A_1790 = tpu.vector_load %arg14[%get3A_1787, %get3A_1788, %get3A_1789] {strides = array<i32>} : memref<32x2x16xf32, #tpu.memory_space<vmem>>, vector<16xf32>,
      %add3A_1791 = arith.addf %add3A_1777, %get3A_1790 : vector<16xf32>
      %get3A_1792 = arith.constant 20 : i32
      %get3A_1793 = arith.constant 1 : i32
      %get3A_1794 = arith.index_cast %get3A_1792 : i32 to index
      %get3A_1795 = arith.index_cast %get3A_1793 : i32 to index
      %get3A_1796 = arith.constant 0 : index
      %get3A_1797 = tpu.vector_load %arg14[%get3A_1794, %get3A_1795, %get3A_1796] {strides = array<i32>} : memref<32x2x16xf32, #tpu.memory_space<vmem>>, vector<16xf32>,
      %add3A_1798 = arith.addf %add3A_1784, %get3A_1797 : vector<16xf32>
      %get3A_1799 = arith.constant 21 : i32
      %get3A_1800 = arith.constant 0 : i32
      %get3A_1801 = arith.index_cast %get3A_1799 : i32 to index
      %get3A_1802 = arith.index_cast %get3A_1800 : i32 to index
      %get3A_1803 = arith.constant 0 : index
      %get3A_1804 = tpu.vector_load %arg14[%get3A_1801, %get3A_1802, %get3A_1803] {strides = array<i32>} : memref<32x2x16xf32, #tpu.memory_space<vmem>>, vector<16xf32>,
      %add3A_1805 = arith.addf %add3A_1791, %get3A_1804 : vector<16xf32>
      %get3A_1806 = arith.constant 21 : i32
      %get3A_1807 = arith.constant 1 : i32
      %get3A_1808 = arith.index_cast %get3A_1806 : i32 to index
      %get3A_1809 = arith.index_cast %get3A_1807 : i32 to index
      %get3A_1810 = arith.constant 0 : index
      %get3A_1811 = tpu.vector_load %arg14[%get3A_1808, %get3A_1809, %get3A_1810] {strides = array<i32>} : memref<32x2x16xf32, #tpu.memory_space<vmem>>, vector<16xf32>,
      %add3A_1812 = arith.addf %add3A_1798, %get3A_1811 : vector<16xf32>
      %get3A_1813 = arith.constant 22 : i32
      %get3A_1814 = arith.constant 0 : i32
      %get3A_1815 = arith.index_cast %get3A_1813 : i32 to index
      %get3A_1816 = arith.index_cast %get3A_1814 : i32 to index
      %get3A_1817 = arith.constant 0 : index
      %get3A_1818 = tpu.vector_load %arg14[%get3A_1815, %get3A_1816, %get3A_1817] {strides = array<i32>} : memref<32x2x16xf32, #tpu.memory_space<vmem>>, vector<16xf32>,
      %add3A_1819 = arith.addf %add3A_1805, %get3A_1818 : vector<16xf32>
      %get3A_1820 = arith.constant 22 : i32
      %get3A_1821 = arith.constant 1 : i32
      %get3A_1822 = arith.index_cast %get3A_1820 : i32 to index
      %get3A_1823 = arith.index_cast %get3A_1821 : i32 to index
      %get3A_1824 = arith.constant 0 : index
      %get3A_1825 = tpu.vector_load %arg14[%get3A_1822, %get3A_1823, %get3A_1824] {strides = array<i32>} : memref<32x2x16xf32, #tpu.memory_space<vmem>>, vector<16xf32>,
      %add3A_1826 = arith.addf %add3A_1812, %get3A_1825 : vector<16xf32>
      %get3A_1827 = arith.constant 23 : i32
      %get3A_1828 = arith.constant 0 : i32
      %get3A_1829 = arith.index_cast %get3A_1827 : i32 to index
      %get3A_1830 = arith.index_cast %get3A_1828 : i32 to index
      %get3A_1831 = arith.constant 0 : index
      %get3A_1832 = tpu.vector_load %arg14[%get3A_1829, %get3A_1830, %get3A_1831] {strides = array<i32>} : memref<32x2x16xf32, #tpu.memory_space<vmem>>, vector<16xf32>,
      %add3A_1833 = arith.addf %add3A_1819, %get3A_1832 : vector<16xf32>
      %get3A_1834 = arith.constant 23 : i32
      %get3A_1835 = arith.constant 1 : i32
      %get3A_1836 = arith.index_cast %get3A_1834 : i32 to index
      %get3A_1837 = arith.index_cast %get3A_1835 : i32 to index
      %get3A_1838 = arith.constant 0 : index
      %get3A_1839 = tpu.vector_load %arg14[%get3A_1836, %get3A_1837, %get3A_1838] {strides = array<i32>} : memref<32x2x16xf32, #tpu.memory_space<vmem>>, vector<16xf32>,
      %add3A_1840 = arith.addf %add3A_1826, %get3A_1839 : vector<16xf32>
      %get3A_1841 = arith.constant 24 : i32
      %get3A_1842 = arith.constant 0 : i32
      %get3A_1843 = arith.index_cast %get3A_1841 : i32 to index
      %get3A_1844 = arith.index_cast %get3A_1842 : i32 to index
      %get3A_1845 = arith.constant 0 : index
      %get3A_1846 = tpu.vector_load %arg14[%get3A_1843, %get3A_1844, %get3A_1845] {strides = array<i32>} : memref<32x2x16xf32, #tpu.memory_space<vmem>>, vector<16xf32>,
      %add3A_1847 = arith.addf %add3A_1833, %get3A_1846 : vector<16xf32>
      %get3A_1848 = arith.constant 24 : i32
      %get3A_1849 = arith.constant 1 : i32
      %get3A_1850 = arith.index_cast %get3A_1848 : i32 to index
      %get3A_1851 = arith.index_cast %get3A_1849 : i32 to index
      %get3A_1852 = arith.constant 0 : index
      %get3A_1853 = tpu.vector_load %arg14[%get3A_1850, %get3A_1851, %get3A_1852] {strides = array<i32>} : memref<32x2x16xf32, #tpu.memory_space<vmem>>, vector<16xf32>,
      %add3A_1854 = arith.addf %add3A_1840, %get3A_1853 : vector<16xf32>
      %get3A_1855 = arith.constant 25 : i32
      %get3A_1856 = arith.constant 0 : i32
      %get3A_1857 = arith.index_cast %get3A_1855 : i32 to index
      %get3A_1858 = arith.index_cast %get3A_1856 : i32 to index
      %get3A_1859 = arith.constant 0 : index
      %get3A_1860 = tpu.vector_load %arg14[%get3A_1857, %get3A_1858, %get3A_1859] {strides = array<i32>} : memref<32x2x16xf32, #tpu.memory_space<vmem>>, vector<16xf32>,
      %add3A_1861 = arith.addf %add3A_1847, %get3A_1860 : vector<16xf32>
      %get3A_1862 = arith.constant 25 : i32
      %get3A_1863 = arith.constant 1 : i32
      %get3A_1864 = arith.index_cast %get3A_1862 : i32 to index
      %get3A_1865 = arith.index_cast %get3A_1863 : i32 to index
      %get3A_1866 = arith.constant 0 : index
      %get3A_1867 = tpu.vector_load %arg14[%get3A_1864, %get3A_1865, %get3A_1866] {strides = array<i32>} : memref<32x2x16xf32, #tpu.memory_space<vmem>>, vector<16xf32>,
      %add3A_1868 = arith.addf %add3A_1854, %get3A_1867 : vector<16xf32>
      %get3A_1869 = arith.constant 26 : i32
      %get3A_1870 = arith.constant 0 : i32
      %get3A_1871 = arith.index_cast %get3A_1869 : i32 to index
      %get3A_1872 = arith.index_cast %get3A_1870 : i32 to index
      %get3A_1873 = arith.constant 0 : index
      %get3A_1874 = tpu.vector_load %arg14[%get3A_1871, %get3A_1872, %get3A_1873] {strides = array<i32>} : memref<32x2x16xf32, #tpu.memory_space<vmem>>, vector<16xf32>,
      %add3A_1875 = arith.addf %add3A_1861, %get3A_1874 : vector<16xf32>
      %get3A_1876 = arith.constant 26 : i32
      %get3A_1877 = arith.constant 1 : i32
      %get3A_1878 = arith.index_cast %get3A_1876 : i32 to index
      %get3A_1879 = arith.index_cast %get3A_1877 : i32 to index
      %get3A_1880 = arith.constant 0 : index
      %get3A_1881 = tpu.vector_load %arg14[%get3A_1878, %get3A_1879, %get3A_1880] {strides = array<i32>} : memref<32x2x16xf32, #tpu.memory_space<vmem>>, vector<16xf32>,
      %add3A_1882 = arith.addf %add3A_1868, %get3A_1881 : vector<16xf32>
      %get3A_1883 = arith.constant 27 : i32
      %get3A_1884 = arith.constant 0 : i32
      %get3A_1885 = arith.index_cast %get3A_1883 : i32 to index
      %get3A_1886 = arith.index_cast %get3A_1884 : i32 to index
      %get3A_1887 = arith.constant 0 : index
      %get3A_1888 = tpu.vector_load %arg14[%get3A_1885, %get3A_1886, %get3A_1887] {strides = array<i32>} : memref<32x2x16xf32, #tpu.memory_space<vmem>>, vector<16xf32>,
      %add3A_1889 = arith.addf %add3A_1875, %get3A_1888 : vector<16xf32>
      %get3A_1890 = arith.constant 27 : i32
      %get3A_1891 = arith.constant 1 : i32
      %get3A_1892 = arith.index_cast %get3A_1890 : i32 to index
      %get3A_1893 = arith.index_cast %get3A_1891 : i32 to index
      %get3A_1894 = arith.constant 0 : index
      %get3A_1895 = tpu.vector_load %arg14[%get3A_1892, %get3A_1893, %get3A_1894] {strides = array<i32>} : memref<32x2x16xf32, #tpu.memory_space<vmem>>, vector<16xf32>,
      %add3A_1896 = arith.addf %add3A_1882, %get3A_1895 : vector<16xf32>
      %get3A_1897 = arith.constant 28 : i32
      %get3A_1898 = arith.constant 0 : i32
      %get3A_1899 = arith.index_cast %get3A_1897 : i32 to index
      %get3A_1900 = arith.index_cast %get3A_1898 : i32 to index
      %get3A_1901 = arith.constant 0 : index
      %get3A_1902 = tpu.vector_load %arg14[%get3A_1899, %get3A_1900, %get3A_1901] {strides = array<i32>} : memref<32x2x16xf32, #tpu.memory_space<vmem>>, vector<16xf32>,
      %add3A_1903 = arith.addf %add3A_1889, %get3A_1902 : vector<16xf32>
      %get3A_1904 = arith.constant 28 : i32
      %get3A_1905 = arith.constant 1 : i32
      %get3A_1906 = arith.index_cast %get3A_1904 : i32 to index
      %get3A_1907 = arith.index_cast %get3A_1905 : i32 to index
      %get3A_1908 = arith.constant 0 : index
      %get3A_1909 = tpu.vector_load %arg14[%get3A_1906, %get3A_1907, %get3A_1908] {strides = array<i32>} : memref<32x2x16xf32, #tpu.memory_space<vmem>>, vector<16xf32>,
      %add3A_1910 = arith.addf %add3A_1896, %get3A_1909 : vector<16xf32>
      %get3A_1911 = arith.constant 29 : i32
      %get3A_1912 = arith.constant 0 : i32
      %get3A_1913 = arith.index_cast %get3A_1911 : i32 to index
      %get3A_1914 = arith.index_cast %get3A_1912 : i32 to index
      %get3A_1915 = arith.constant 0 : index
      %get3A_1916 = tpu.vector_load %arg14[%get3A_1913, %get3A_1914, %get3A_1915] {strides = array<i32>} : memref<32x2x16xf32, #tpu.memory_space<vmem>>, vector<16xf32>,
      %add3A_1917 = arith.addf %add3A_1903, %get3A_1916 : vector<16xf32>
      %get3A_1918 = arith.constant 29 : i32
      %get3A_1919 = arith.constant 1 : i32
      %get3A_1920 = arith.index_cast %get3A_1918 : i32 to index
      %get3A_1921 = arith.index_cast %get3A_1919 : i32 to index
      %get3A_1922 = arith.constant 0 : index
      %get3A_1923 = tpu.vector_load %arg14[%get3A_1920, %get3A_1921, %get3A_1922] {strides = array<i32>} : memref<32x2x16xf32, #tpu.memory_space<vmem>>, vector<16xf32>,
      %add3A_1924 = arith.addf %add3A_1910, %get3A_1923 : vector<16xf32>
      %get3A_1925 = arith.constant 30 : i32
      %get3A_1926 = arith.constant 0 : i32
      %get3A_1927 = arith.index_cast %get3A_1925 : i32 to index
      %get3A_1928 = arith.index_cast %get3A_1926 : i32 to index
      %get3A_1929 = arith.constant 0 : index
      %get3A_1930 = tpu.vector_load %arg14[%get3A_1927, %get3A_1928, %get3A_1929] {strides = array<i32>} : memref<32x2x16xf32, #tpu.memory_space<vmem>>, vector<16xf32>,
      %add3A_1931 = arith.addf %add3A_1917, %get3A_1930 : vector<16xf32>
      %get3A_1932 = arith.constant 30 : i32
      %get3A_1933 = arith.constant 1 : i32
      %get3A_1934 = arith.index_cast %get3A_1932 : i32 to index
      %get3A_1935 = arith.index_cast %get3A_1933 : i32 to index
      %get3A_1936 = arith.constant 0 : index
      %get3A_1937 = tpu.vector_load %arg14[%get3A_1934, %get3A_1935, %get3A_1936] {strides = array<i32>} : memref<32x2x16xf32, #tpu.memory_space<vmem>>, vector<16xf32>,
      %add3A_1938 = arith.addf %add3A_1924, %get3A_1937 : vector<16xf32>
      %get3A_1939 = arith.constant 31 : i32
      %get3A_1940 = arith.constant 0 : i32
      %get3A_1941 = arith.index_cast %get3A_1939 : i32 to index
      %get3A_1942 = arith.index_cast %get3A_1940 : i32 to index
      %get3A_1943 = arith.constant 0 : index
      %get3A_1944 = tpu.vector_load %arg14[%get3A_1941, %get3A_1942, %get3A_1943] {strides = array<i32>} : memref<32x2x16xf32, #tpu.memory_space<vmem>>, vector<16xf32>,
      %add3A_1945 = arith.addf %add3A_1931, %get3A_1944 : vector<16xf32>
      %get3A_1946 = arith.constant 31 : i32
      %get3A_1947 = arith.constant 1 : i32
      %get3A_1948 = arith.index_cast %get3A_1946 : i32 to index
      %get3A_1949 = arith.index_cast %get3A_1947 : i32 to index
      %get3A_1950 = arith.constant 0 : index
      %get3A_1951 = tpu.vector_load %arg14[%get3A_1948, %get3A_1949, %get3A_1950] {strides = array<i32>} : memref<32x2x16xf32, #tpu.memory_space<vmem>>, vector<16xf32>,
      %add3A_1952 = arith.addf %add3A_1938, %get3A_1951 : vector<16xf32>
      %slice3A = vector.extract_strided_slice %add3A_1945 {offsets = [0], sizes = [1], strides = [1]} : vector<16xf32> to vector<1xf32>
      %squeeze3A = vector.extract %slice3A[0] : f32 from vector<1xf32>
      %slice3A_1953 = vector.extract_strided_slice %add3A_1952 {offsets = [0], sizes = [1], strides = [1]} : vector<16xf32> to vector<1xf32>
      %squeeze3A_1954 = vector.extract %slice3A_1953[0] : f32 from vector<1xf32>
      %slice3A_1955 = vector.extract_strided_slice %add3A_1945 {offsets = [1], sizes = [1], strides = [1]} : vector<16xf32> to vector<1xf32>
      %squeeze3A_1956 = vector.extract %slice3A_1955[0] : f32 from vector<1xf32>
      %add3A_1957 = arith.addf %squeeze3A, %squeeze3A_1956 : f32
      %slice3A_1958 = vector.extract_strided_slice %add3A_1952 {offsets = [1], sizes = [1], strides = [1]} : vector<16xf32> to vector<1xf32>
      %squeeze3A_1959 = vector.extract %slice3A_1958[0] : f32 from vector<1xf32>
      %add3A_1960 = arith.addf %squeeze3A_1954, %squeeze3A_1959 : f32
      %slice3A_1961 = vector.extract_strided_slice %add3A_1945 {offsets = [2], sizes = [1], strides = [1]} : vector<16xf32> to vector<1xf32>
      %squeeze3A_1962 = vector.extract %slice3A_1961[0] : f32 from vector<1xf32>
      %add3A_1963 = arith.addf %add3A_1957, %squeeze3A_1962 : f32
      %slice3A_1964 = vector.extract_strided_slice %add3A_1952 {offsets = [2], sizes = [1], strides = [1]} : vector<16xf32> to vector<1xf32>
      %squeeze3A_1965 = vector.extract %slice3A_1964[0] : f32 from vector<1xf32>
      %add3A_1966 = arith.addf %add3A_1960, %squeeze3A_1965 : f32
      %slice3A_1967 = vector.extract_strided_slice %add3A_1945 {offsets = [3], sizes = [1], strides = [1]} : vector<16xf32> to vector<1xf32>
      %squeeze3A_1968 = vector.extract %slice3A_1967[0] : f32 from vector<1xf32>
      %add3A_1969 = arith.addf %add3A_1963, %squeeze3A_1968 : f32
      %slice3A_1970 = vector.extract_strided_slice %add3A_1952 {offsets = [3], sizes = [1], strides = [1]} : vector<16xf32> to vector<1xf32>
      %squeeze3A_1971 = vector.extract %slice3A_1970[0] : f32 from vector<1xf32>
      %add3A_1972 = arith.addf %add3A_1966, %squeeze3A_1971 : f32
      %slice3A_1973 = vector.extract_strided_slice %add3A_1945 {offsets = [4], sizes = [1], strides = [1]} : vector<16xf32> to vector<1xf32>
      %squeeze3A_1974 = vector.extract %slice3A_1973[0] : f32 from vector<1xf32>
      %add3A_1975 = arith.addf %add3A_1969, %squeeze3A_1974 : f32
      %slice3A_1976 = vector.extract_strided_slice %add3A_1952 {offsets = [4], sizes = [1], strides = [1]} : vector<16xf32> to vector<1xf32>
      %squeeze3A_1977 = vector.extract %slice3A_1976[0] : f32 from vector<1xf32>
      %add3A_1978 = arith.addf %add3A_1972, %squeeze3A_1977 : f32
      %slice3A_1979 = vector.extract_strided_slice %add3A_1945 {offsets = [5], sizes = [1], strides = [1]} : vector<16xf32> to vector<1xf32>
      %squeeze3A_1980 = vector.extract %slice3A_1979[0] : f32 from vector<1xf32>
      %add3A_1981 = arith.addf %add3A_1975, %squeeze3A_1980 : f32
      %slice3A_1982 = vector.extract_strided_slice %add3A_1952 {offsets = [5], sizes = [1], strides = [1]} : vector<16xf32> to vector<1xf32>
      %squeeze3A_1983 = vector.extract %slice3A_1982[0] : f32 from vector<1xf32>
      %add3A_1984 = arith.addf %add3A_1978, %squeeze3A_1983 : f32
      %slice3A_1985 = vector.extract_strided_slice %add3A_1945 {offsets = [6], sizes = [1], strides = [1]} : vector<16xf32> to vector<1xf32>
      %squeeze3A_1986 = vector.extract %slice3A_1985[0] : f32 from vector<1xf32>
      %add3A_1987 = arith.addf %add3A_1981, %squeeze3A_1986 : f32
      %slice3A_1988 = vector.extract_strided_slice %add3A_1952 {offsets = [6], sizes = [1], strides = [1]} : vector<16xf32> to vector<1xf32>
      %squeeze3A_1989 = vector.extract %slice3A_1988[0] : f32 from vector<1xf32>
      %add3A_1990 = arith.addf %add3A_1984, %squeeze3A_1989 : f32
      %slice3A_1991 = vector.extract_strided_slice %add3A_1945 {offsets = [7], sizes = [1], strides = [1]} : vector<16xf32> to vector<1xf32>
      %squeeze3A_1992 = vector.extract %slice3A_1991[0] : f32 from vector<1xf32>
      %add3A_1993 = arith.addf %add3A_1987, %squeeze3A_1992 : f32
      %slice3A_1994 = vector.extract_strided_slice %add3A_1952 {offsets = [7], sizes = [1], strides = [1]} : vector<16xf32> to vector<1xf32>
      %squeeze3A_1995 = vector.extract %slice3A_1994[0] : f32 from vector<1xf32>
      %add3A_1996 = arith.addf %add3A_1990, %squeeze3A_1995 : f32
      %slice3A_1997 = vector.extract_strided_slice %add3A_1945 {offsets = [8], sizes = [1], strides = [1]} : vector<16xf32> to vector<1xf32>
      %squeeze3A_1998 = vector.extract %slice3A_1997[0] : f32 from vector<1xf32>
      %add3A_1999 = arith.addf %add3A_1993, %squeeze3A_1998 : f32
      %slice3A_2000 = vector.extract_strided_slice %add3A_1952 {offsets = [8], sizes = [1], strides = [1]} : vector<16xf32> to vector<1xf32>
      %squeeze3A_2001 = vector.extract %slice3A_2000[0] : f32 from vector<1xf32>
      %add3A_2002 = arith.addf %add3A_1996, %squeeze3A_2001 : f32
      %slice3A_2003 = vector.extract_strided_slice %add3A_1945 {offsets = [9], sizes = [1], strides = [1]} : vector<16xf32> to vector<1xf32>
      %squeeze3A_2004 = vector.extract %slice3A_2003[0] : f32 from vector<1xf32>
      %add3A_2005 = arith.addf %add3A_1999, %squeeze3A_2004 : f32
      %slice3A_2006 = vector.extract_strided_slice %add3A_1952 {offsets = [9], sizes = [1], strides = [1]} : vector<16xf32> to vector<1xf32>
      %squeeze3A_2007 = vector.extract %slice3A_2006[0] : f32 from vector<1xf32>
      %add3A_2008 = arith.addf %add3A_2002, %squeeze3A_2007 : f32
      %slice3A_2009 = vector.extract_strided_slice %add3A_1945 {offsets = [10], sizes = [1], strides = [1]} : vector<16xf32> to vector<1xf32>
      %squeeze3A_2010 = vector.extract %slice3A_2009[0] : f32 from vector<1xf32>
      %add3A_2011 = arith.addf %add3A_2005, %squeeze3A_2010 : f32
      %slice3A_2012 = vector.extract_strided_slice %add3A_1952 {offsets = [10], sizes = [1], strides = [1]} : vector<16xf32> to vector<1xf32>
      %squeeze3A_2013 = vector.extract %slice3A_2012[0] : f32 from vector<1xf32>
      %add3A_2014 = arith.addf %add3A_2008, %squeeze3A_2013 : f32
      %slice3A_2015 = vector.extract_strided_slice %add3A_1945 {offsets = [11], sizes = [1], strides = [1]} : vector<16xf32> to vector<1xf32>
      %squeeze3A_2016 = vector.extract %slice3A_2015[0] : f32 from vector<1xf32>
      %add3A_2017 = arith.addf %add3A_2011, %squeeze3A_2016 : f32
      %slice3A_2018 = vector.extract_strided_slice %add3A_1952 {offsets = [11], sizes = [1], strides = [1]} : vector<16xf32> to vector<1xf32>
      %squeeze3A_2019 = vector.extract %slice3A_2018[0] : f32 from vector<1xf32>
      %add3A_2020 = arith.addf %add3A_2014, %squeeze3A_2019 : f32
      %slice3A_2021 = vector.extract_strided_slice %add3A_1945 {offsets = [12], sizes = [1], strides = [1]} : vector<16xf32> to vector<1xf32>
      %squeeze3A_2022 = vector.extract %slice3A_2021[0] : f32 from vector<1xf32>
      %add3A_2023 = arith.addf %add3A_2017, %squeeze3A_2022 : f32
      %slice3A_2024 = vector.extract_strided_slice %add3A_1952 {offsets = [12], sizes = [1], strides = [1]} : vector<16xf32> to vector<1xf32>
      %squeeze3A_2025 = vector.extract %slice3A_2024[0] : f32 from vector<1xf32>
      %add3A_2026 = arith.addf %add3A_2020, %squeeze3A_2025 : f32
      %slice3A_2027 = vector.extract_strided_slice %add3A_1945 {offsets = [13], sizes = [1], strides = [1]} : vector<16xf32> to vector<1xf32>
      %squeeze3A_2028 = vector.extract %slice3A_2027[0] : f32 from vector<1xf32>
      %add3A_2029 = arith.addf %add3A_2023, %squeeze3A_2028 : f32
      %slice3A_2030 = vector.extract_strided_slice %add3A_1952 {offsets = [13], sizes = [1], strides = [1]} : vector<16xf32> to vector<1xf32>
      %squeeze3A_2031 = vector.extract %slice3A_2030[0] : f32 from vector<1xf32>
      %add3A_2032 = arith.addf %add3A_2026, %squeeze3A_2031 : f32
      %slice3A_2033 = vector.extract_strided_slice %add3A_1945 {offsets = [14], sizes = [1], strides = [1]} : vector<16xf32> to vector<1xf32>
      %squeeze3A_2034 = vector.extract %slice3A_2033[0] : f32 from vector<1xf32>
      %add3A_2035 = arith.addf %add3A_2029, %squeeze3A_2034 : f32
      %slice3A_2036 = vector.extract_strided_slice %add3A_1952 {offsets = [14], sizes = [1], strides = [1]} : vector<16xf32> to vector<1xf32>
      %squeeze3A_2037 = vector.extract %slice3A_2036[0] : f32 from vector<1xf32>
      %add3A_2038 = arith.addf %add3A_2032, %squeeze3A_2037 : f32
      %slice3A_2039 = vector.extract_strided_slice %add3A_1945 {offsets = [15], sizes = [1], strides = [1]} : vector<16xf32> to vector<1xf32>
      %squeeze3A_2040 = vector.extract %slice3A_2039[0] : f32 from vector<1xf32>
      %add3A_2041 = arith.addf %add3A_2035, %squeeze3A_2040 : f32
      %slice3A_2042 = vector.extract_strided_slice %add3A_1952 {offsets = [15], sizes = [1], strides = [1]} : vector<16xf32> to vector<1xf32>
      %squeeze3A_2043 = vector.extract %slice3A_2042[0] : f32 from vector<1xf32>
      %add3A_2044 = arith.addf %add3A_2038, %squeeze3A_2043 : f32
      %mul3A_2045 = arith.constant 2.000000e+00 : f32
      %mul3A_2046 = arith.mulf %add3A_2044, %mul3A_2045 : f32
      %broadcast_in_dim3A_2047 = vector.broadcast %add3A_2041 : f32 to vector<16xf32>
      %add3A_2048 = arith.constant 9.99999974E-5 : f32
      %add3A_2049 = arith.addf %mul3A_2046, %add3A_2048 : f32
      %broadcast_in_dim3A_2050 = vector.broadcast %add3A_2049 : f32 to vector<16xf32>
      %broadcast_in_dim3A_2051 = arith.constant 1.000000e+00 : f32
      %broadcast_in_dim3A_2052 = vector.broadcast %broadcast_in_dim3A_2051 : f32 to vector<16xf32>
      %broadcast_in_dim3A_2053 = arith.constant 2.000000e+00 : f32
      %broadcast_in_dim3A_2054 = vector.broadcast %broadcast_in_dim3A_2053 : f32 to vector<16xf32>
      %div3A = arith.divf %broadcast_in_dim3A_2052, %broadcast_in_dim3A_2050 : vector<16xf32>
      %mul3A_2055 = arith.mulf %broadcast_in_dim3A_2050, %div3A : vector<16xf32>
      %sub3A_2056 = arith.subf %broadcast_in_dim3A_2054, %mul3A_2055 : vector<16xf32>
      %mul3A_2057 = arith.mulf %div3A, %sub3A_2056 : vector<16xf32>
      %mul3A_2058 = arith.mulf %broadcast_in_dim3A_2050, %mul3A_2057 : vector<16xf32>
      %sub3A_2059 = arith.subf %broadcast_in_dim3A_2054, %mul3A_2058 : vector<16xf32>
      %mul3A_2060 = arith.mulf %mul3A_2057, %sub3A_2059 : vector<16xf32>
      %mul3A_2061 = arith.mulf %broadcast_in_dim3A_2047, %mul3A_2060 : vector<16xf32>
      %swap3A_2062 = arith.constant 0 : index
      %swap3A_2063 = tpu.vector_load %arg15[%swap3A_2062] {strides = array<i32>} : memref<16xf32, #tpu.memory_space<vmem>>, vector<16xf32>,
      tpu.vector_store %arg15[%swap3A_2062], %mul3A_2061 {strides = array<i32>} : memref<16xf32, #tpu.memory_space<vmem>>, vector<16xf32>,
      "tpu.region"() ({
        %run_scoped3A = tpu.sem_alloc : memref<!tpu.dma_semaphore, #tpu.memory_space<semaphore_mem>>
        tpu.enqueue_dma source(%arg15 : memref<16xf32, #tpu.memory_space<vmem>>) target(%arg6 : memref<16xf32, #tpu.memory_space<hbm>>) target_semaphore(%run_scoped3A : memref<!tpu.dma_semaphore, #tpu.memory_space<semaphore_mem>>)
        tpu.wait_dma2 semaphore(%run_scoped3A : memref<!tpu.dma_semaphore, #tpu.memory_space<semaphore_mem>>) src(%arg15 : memref<16xf32, #tpu.memory_space<vmem>>) dst(%arg6 : memref<16xf32, #tpu.memory_space<hbm>>)
        tpu.yield
      }) : () -> ()
    } else {
    }
    return
  }
}

</mosaic_0001>

<sc_bundles>
// kernel: kernel.3.cloned.1.call-start
scs
__scs_entry_jumppad:
0x0: {  	(pc) =	sbr.rel $0x88, $3  }
0x1: {  	(tag) =	ssettag $0x0;
	lr =	simm.s32 $0x1  }
0x2: {  	[smem:$0x3F9D] =	sst lr;
	_ =	strace $0xD0000000  }
0x3: {  	_ = 	snop  }
0x4: {  	_ = 	snop  }
0x5: {  	_ = 	snop  }
0x6: {  	_ = 	snop  }
0x7: {  	_ = 	snop  }
__scs_overlays_trampoline_lowered:
0x8: {  	[smem:$0x3FAC] =	sst s0  }
0x9: {  	[smem:$0x3FAD] =	sst s1  }
0xa: {  	[smem:$0x3FAE] =	sst s2  }
0xb: {  	[smem:$0x3FAF] =	sst s3  }
0xc: {  	[smem:$0x3FB0] =	sst s4  }
0xd: {  	[smem:$0x3FB1] =	sst s5  }
0xe: {  	[smem:$0x3FB2] =	sst s6  }
0xf: {  	[smem:$0x3FB3] =	sst s7  }
0x10: {  	[smem:$0x3FB4] =	sst s8  }
0x11: {  	[smem:$0x3FB5] =	sst s9;
	s0 =	simm.s32 @!p0 $0x0  }
0x12: {  	s1 =	sld [smem:$0x3F9B];
	s0 =	simm.s32 @p0 $0x1  }
0x13: {  	[smem:$0x3FB6] =	sst s0;
	s0 =	simm.s32 @!p1 $0x0  }
0x14: {  	s2 =	sld [smem:$0x3F9A];
	s0 =	simm.s32 @p1 $0x1  }
0x15: {  	[smem:$0x3FB7] =	sst s0;
	s0 =	simm.s32 @!p2 $0x0  }
0x16: {  	s3 =	sld [smem:$0x3FDB];
	s0 =	simm.s32 @p2 $0x1  }
0x17: {  	s4 =	simm.s32 $0x1BF5;
	[smem:$0x3FB9] =	sst s0  }
0x18: {  	s0 =	sld [smem:$0x3F9C];
	_ =	swait.ge [sflag:s4], $0x0  }
0x19: {  	s7 =	sld [smem:$0x3F9D]  }
0x1a: {  	s8 =	sadd.s32 $0xFFFFE003, lr  }
0x1b: {  	s9 =	sadd.s32 $0xFFFFFEF7, lr;
	s5 =	simm.s32 $0xFFFFFFFF;
	p2 =	slt.u32 s8, $0xFFFFF086  }
0x1c: {  	p1 =	slt.u32 s9, $0xF7A;
	s5 =	simm.s32 @!p2 $0x0  }
0x1d: {  	s5 =	simm.s32 @p1 $0x1;
	p0 =	seq.s32 s7, s2  }
0x1e: {  	s7 =	smul.u32 @!p0 $0xF7A, s2;
	p2 =	seq.s32 @!p0 s5, $0x0  }
0x1f: {  	s9 =	smul.u32 $0xF7A, s1;
	s8 =	simm.s32 @!p0 $0x1BF5;
	p2 =	por !p2, p0  }
0x20: {  	[sflag:s8] =	ssyncset.s32 @!p0 $0xFFFFF086;
	s6 =	sadd.s32 @!p0 s3, s7;
	s7 =	simm.s32 @!p0 $0x108  }
0x21: {  	s3 =	sadd.s32 s3, s9;
	s6 =	sadd.s32 @!p0 $0x88, s6;
	s7 =	simm.s32 @p2 $0x1082  }
0x22: {  	[simem:s7], [sflag:s8] =	dma.local @!p0 [hbm:s6], $0xF7A  }
0x23: {  	s9 =	sor.u32 $0xD0000000, s2;
	s6 =	simm.s32 $0x108;
	_ =	swait.ge @!p0 [sflag:s8], $0x0  }
0x24: {  	s3 =	sadd.s32 $0x88, s3;
	s6 =	simm.s32 @!p1 $0x1082;
	[sflag:s4] =	ssyncset.s32 $0xFFFFF086  }
0x25: {  	[simem:s6], [sflag:s4] =	dma.local [hbm:s3], $0xF7A  }
0x26: {  	[smem:$0x3F9D] =	sst s1;
	(tag) =	ssettag s2;
	_ =	strace s9  }
0x27: {  	s1 =	sld [smem:$0x3FAD]  }
0x28: {  	s2 =	sld [smem:$0x3FAE]  }
0x29: {  	s4 =	sld [smem:$0x3FB0]  }
0x2a: {  	p0 =	seq.s32 s5, $0x0;
	s5 =	sld [smem:$0x3FB1]  }
0x2b: {  	s6 =	sld [smem:$0x3FB2]  }
0x2c: {  	s7 =	sld [smem:$0x3FB3]  }
0x2d: {  	s3 =	simm.s32 $0x108;
	s8 =	sld [smem:$0x3FB4]  }
0x2e: {  	s3 =	simm.s32 @!p0 $0x1082;
	s9 =	sld [smem:$0x3FB5]  }
0x2f: {  	lr =	sadd.s32 s0, s3;
	s0 =	sld [smem:$0x3FAC]  }
0x30: {  	s3 =	sld [smem:$0x3FAF]  }
0x31: {  	[smem:$0x3FB8] =	sst s10  }
0x32: {  	s10 =	sld [smem:$0x3FB6];
	_ =	sdelay $0x3  }
0x33: {  	p0 =	seq.s32 s10, $0x1;
	s10 =	sld [smem:$0x3FB8];
	_ =	sdelay $0x3  }
0x34: {  	[smem:$0x3FB8] =	sst s10  }
0x35: {  	s10 =	sld [smem:$0x3FB7];
	_ =	sdelay $0x3  }
0x36: {  	p1 =	seq.s32 s10, $0x1;
	s10 =	sld [smem:$0x3FB8];
	_ =	sdelay $0x3  }
0x37: {  	[smem:$0x3FB8] =	sst s10  }
0x38: {  	s10 =	sld [smem:$0x3FB9]  }
0x39: {  	_ = 	snop;
	(pc) =	sbr.ind lr, $3  }
0x3a: {  	_ = 	snop  }
0x3b: {  	_ = 	snop  }
0x3c: {  	p2 =	seq.s32 s10, $0x1;
	s10 =	sld [smem:$0x3FB8]  }
0x3d: {  	_ =	shalt  }
0x3e: {  	_ =	shalt  }
0x3f: {  	_ =	shalt  }
0x40: {  	_ =	shalt  }
0x41: {  	_ =	shalt  }
0x42: {  	_ =	shalt  }
0x43: {  	_ =	shalt  }
0x44: {  	_ =	shalt  }
0x45: {  	_ =	shalt  }
0x46: {  	_ =	shalt  }
0x47: {  	_ =	shalt  }
0x48: {  	_ =	shalt  }
0x49: {  	_ =	shalt  }
0x4a: {  	_ =	shalt  }
0x4b: {  	_ =	shalt  }
0x4c: {  	_ =	shalt  }
0x4d: {  	_ =	shalt  }
0x4e: {  	_ =	shalt  }
0x4f: {  	_ =	shalt  }
0x50: {  	_ =	shalt  }
0x51: {  	_ =	shalt  }
0x52: {  	_ =	shalt  }
0x53: {  	_ =	shalt  }
0x54: {  	_ =	shalt  }
0x55: {  	_ =	shalt  }
0x56: {  	_ =	shalt  }
0x57: {  	_ =	shalt  }
0x58: {  	_ =	shalt  }
0x59: {  	_ =	shalt  }
0x5a: {  	_ =	shalt  }
0x5b: {  	_ =	shalt  }
0x5c: {  	_ =	shalt  }
0x5d: {  	_ =	shalt  }
0x5e: {  	_ =	shalt  }
0x5f: {  	_ =	shalt  }
0x60: {  	_ =	shalt  }
0x61: {  	_ =	shalt  }
0x62: {  	_ =	shalt  }
0x63: {  	_ =	shalt  }
0x64: {  	_ =	shalt  }
0x65: {  	_ =	shalt  }
0x66: {  	_ =	shalt  }
0x67: {  	_ =	shalt  }
0x68: {  	_ =	shalt  }
0x69: {  	_ =	shalt  }
0x6a: {  	_ =	shalt  }
0x6b: {  	_ =	shalt  }
0x6c: {  	_ =	shalt  }
0x6d: {  	_ =	shalt  }
0x6e: {  	_ =	shalt  }
0x6f: {  	_ =	shalt  }
0x70: {  	_ =	shalt  }
0x71: {  	_ =	shalt  }
0x72: {  	_ =	shalt  }
0x73: {  	_ =	shalt  }
0x74: {  	_ =	shalt  }
0x75: {  	_ =	shalt  }
0x76: {  	_ =	shalt  }
0x77: {  	_ =	shalt  }
0x78: {  	_ =	shalt  }
0x79: {  	_ =	shalt  }
0x7a: {  	_ =	shalt  }
0x7b: {  	_ =	shalt  }
0x7c: {  	_ =	shalt  }
0x7d: {  	_ =	shalt  }
0x7e: {  	_ =	shalt  }
0x7f: {  	_ =	shalt  }
0x80: {  	_ =	shalt  }
0x81: {  	_ =	shalt  }
0x82: {  	_ =	shalt  }
0x83: {  	_ =	shalt  }
0x84: {  	_ =	shalt  }
0x85: {  	_ =	shalt  }
0x86: {  	_ =	shalt  }
0x87: {  	_ =	shalt  }
.Lfunc_end0:
.L_simem_size_0:
called_computation_lowered:
.L_overlay_start_0:
0x88: {  	s2 =	sld [smem:$0x3FD9]  }
0x89: {  	s3 =	sld [smem:$0x3FFE];
	_ =	sdelay $0x1  }
0x8a: {  	s1 =	srdreg.scid  }
0x8b: {  	s0 =	sand.u32 $0x1, s1  }
0x8c: {  	s17 =	sshll.u32 s0, $0xA;
	s2 =	sadd.s32 s3, s2  }
0x8d: {  	s2 =	sadd.s32 s2, s17  }
0x8e: {  	[smem:$0x3FC4] =	sst s2  }
0x8f: {  	_ = 	snop  }
0x90: {  	s2 =	sld [smem:$0x3FC9]  }
0x91: {  	s18 =	sld [smem:$0x3FC8]  }
0x92: {  	s4 =	sld [smem:$0x3FC7]  }
0x93: {  	s5 =	sld [smem:$0x3FD0];
	(tm) =	ssettm $0x1  }
0x94: {  	s6 =	sld [smem:$0x3FFB];
	_ =	sdelay $0x3  }
0x95: {  	_ =	strace s6  }
0x96: {  	s6 =	sld [smem:$0x3FFC];
	_ =	sdelay $0x3  }
0x97: {  	_ =	strace s6  }
0x98: {  	s6 =	sld [smem:$0x3FFD];
	_ =	sdelay $0x3  }
0x99: {  	_ =	strace s6  }
0x9a: {  	_ =	strace $0x8FFFFFFF  }
0x9b: {  	s19 =	sld [smem:$0x3FDB];
	_ =	sdelay $0x1  }
0x9c: {  	s7 =	simm.s32 $_scs_section_size  }
0x9d: {  	s8 =	simm.s32 $_size__tile_overlayer_lowered;
	s9 =	simm.s32 $_tile_overlayer_lowered  }
0x9e: {  	s22 =	simm.s32 $0x1BFF;
	s21 =	sshll.u32 s9, $0x1;
	s6 =	sadd.s32 s7, s19  }
0x9f: {  	s10 =	simm.s32 $0x0;
	s20 =	sshll.u32 s8, $0x1;
	s8 =	sadd.s32 s21, s6  }
0xa0: {  	[timem:s10], [sflag:s22] =	dma.local [hbm:s8], s20  }
0xa1: {  	_ =	swait.ge [sflag:s22], s20  }
0xa2: {  	s7 =	ssub.s32 $0x0, s20;
	[sflag:s22] =	ssyncset.done $0x0  }
0xa3: {  	[sflag:s22] =	ssyncadd.s32 s7;
	_ =	sdelay $0x1  }
0xa4: {  	s23 =	simm.s32 $0x1B8B  }
0xa5: {  	_ =	swait.ge [sflag:s23], $0x1  }
0xa6: {  	[sflag:s23] =	ssyncset.done $0x0  }
0xa7: {  	s25 =	simm.s32 $0x1B8E;
	s24 =	sld [smem:$0x3FFE];
	[sflag:s23] =	ssyncadd.s32 $0xFFFFFFFF  }
0xa8: {  	s26 =	simm.s32 $execute0_lowered;
	[smem:$0x3FD2] =	sst s25  }
0xa9: {  	s8 =	sshll.u32 s26, $0x1;
	_ =	strace $0x80000046;
	[dreg:$0x1] =	wrdreg $0xFFFFFFFF  }
0xaa: {  	s28 =	simm.s32 $_size_execute0_lowered;
	s6 =	sadd.s32 s6, s8;
	[dreg:$0x0] =	wrdreg $0x0  }
0xab: {  	s8 =	sshll.u32 s28, $0x1;
	[dreg:$0x2] =	wrdreg s6  }
0xac: {  	[dreg:$0x3] =	wrdreg s8  }
0xad: {  	[dreg:$0x4] =	wrdreg $0xC0  }
0xae: {  	_ =	task [dreg:s10], $0x5FFFF  }
0xaf: {  	[dreg:$0x1] =	wrdreg $0xFFFFFFFF  }
0xb0: {  	[dreg:$0x0] =	wrdreg $0x60  }
0xb1: {  	[dreg:$0x2] =	wrdreg s2  }
0xb2: {  	[dreg:$0x3] =	wrdreg s4  }
0xb3: {  	[dreg:$0x4] =	wrdreg s18  }
0xb4: {  	[dreg:$0x5] =	wrdreg s24  }
0xb5: {  	[dreg:$0x6] =	wrdreg s5  }
0xb6: {  	[dreg:$0x7] =	wrdreg $0x9  }
0xb7: {  	_ =	task.clear_ibuf [dreg:s10], $0x8FFFF;
	_ =	strace $0x90000046  }
0xb8: {  	s29 =	simm.s32 $0x9;
	_ =	strace $0x80000048  }
0xb9: {  	_ =	swait.ge [sflag:s29], $0x1  }
0xba: {  	[sflag:s29] =	ssyncadd.s32 $0xFFFFFFFF  }
0xbb: {  	_ =	strace $0x90000048  }
0xbc: {  	_ =	sfence  }
0xbd: {  	s30 =	sld [smem:$0x0];
	_ =	sdelay $0x2  }
0xbe: {  	s31 =	sshll.u32 s1, $0xD;
	s1 =	sshrl.u32 s1, $0x2  }
0xbf: {  	s3 =	sand.u32 $0x4000, s31;
	s1 =	sadd.s32 s1, s30  }
0xc0: {  	s0 =	sor.u32 s3, s0;
	s1 =	sshll.u32 s1, $0x11  }
0xc1: {  	s0 =	sor.u32 s1, s0  }
0xc2: {  	s0 =	sadd.s32 $0x8F2B, s0  }
0xc3: {  	[sflag:s0] =	ssyncadd.remote.s32 $0x1  }
0xc4: {  	_ =	sfence.sel $0xFFFF  }
0xc5: {  	[dreg:$0x0] =	wrdreg $0xFFFFFFFF;
	(pc) =	sbr.abs _section_cstart, $3  }
0xc6: {  	[dreg:$0x1] =	wrdreg $0xFFFFFFFF  }
0xc7: {  	_ =	task.clear_ibuf [dreg:s10], $0x2FFFF;
	_ =	strace $0x9FFFFFFF  }
0xc8: {  	(tm) =	ssettm $0x7FFFFFFF  }
0xc9: {  	_ =	shalt  }
tec
execute0_lowered:
.L_overlay_start_1:
0x0: {  	(tag) =	ssettag $0x1  }
0x1: {  	v0 =	vimm.s32 $0xB80  }
0x2: {  	vm15 =	vcmask $0x300;
	vm14 =	vcmask $0x704;
	vm13 =	vcmask $0xB08  }
0x3: {  	vm12 =	vcmask $0xF0C;
	vm11 =	vcmask $0x1310;
	vm10 =	vcmask $0x1714  }
0x4: {  	vm9 =	vcmask $0x1B18;
	vm8 =	vcmask $0x1F1C;
	vm7 =	vcmask $0x2320  }
0x5: {  	vm6 =	vcmask $0x2724;
	v7 =	vlaneseq.u32;
	vm5 =	vcmask $0x2B28  }
0x6: {  	vm4 =	vcmask $0x2F2C;
	vm3 =	vcmask $0x3330;
	vm1 =	vcmask $0x3734  }
0x7: {  	v9 =	vimm.s32 $0x1B80;
	vm2 =	vcmask $0x3B38;
	v11 =	vimm.s32 $0x3B80  }
0x8: {  	s0 =	srdreg.scid;
	s1 =	stileid.u32;
	v0 =	vsel vm15, $0x0, v0;
	v6 =	vshrl.u32 v7, $0x3;
	v14 =	vmul.u32 $0x80, v7  }
0x9: {  	s2 =	sand.u32 $0x1, s0;
	s23 =	sshll.u32 s1, $0x1;
	v9 =	vsel vm15, $0x1000, v9;
	v11 =	vsel vm15, $0x3000, v11;
	v0 =	vsel vm14, $0x80, v0  }
0xa: {  	s0 =	sor.u32 s2, s23;
	v9 =	vsel vm14, $0x1080, v9;
	v11 =	vsel vm14, $0x3080, v11;
	v0 =	vsel vm13, $0x100, v0  }
0xb: {  	s24 =	sshll.u32 s0, $0xA;
	v10 =	vor.u32 $0x1, v14;
	v9 =	vsel vm13, $0x1100, v9;
	v11 =	vsel vm13, $0x3100, v11  }
0xc: {  	v0 =	vsel vm12, $0x180, v0;
	v44 =	vmov s24;
	s3 =	sor.u32 $0x100, s24;
	v9 =	vsel vm12, $0x1180, v9  }
0xd: {  	s25 =	sor.u32 $0x200, s24;
	v11 =	vsel vm12, $0x3180, v11;
	v1 =	vsel vm11, $0x200, v0;
	v45 =	vmov s3  }
0xe: {  	s1 =	sor.u32 $0x300, s24;
	v46 =	vmov s25;
	v9 =	vsel vm11, $0x1200, v9;
	v2 =	vsel vm10, $0x280, v1  }
0xf: {  	v47 =	vmov s1;
	v9 =	vsel vm10, $0x1280, v9;
	v3 =	vsel vm9, $0x300, v2  }
0x10: {  	v11 =	vsel vm11, $0x3200, v11;
	v9 =	vsel vm9, $0x1300, v9;
	v4 =	vsel vm8, $0x380, v3  }
0x11: {  	v11 =	vsel vm10, $0x3280, v11;
	v9 =	vsel vm8, $0x1380, v9;
	v4 =	vsel vm7, $0x800, v4  }
0x12: {  	v11 =	vsel vm9, $0x3300, v11;
	v9 =	vsel vm7, $0x1800, v9;
	v5 =	vsel vm6, $0x880, v4  }
0x13: {  	[tilespmem:$0x1FED0] =	vst v10;
	v11 =	vsel vm8, $0x3380, v11;
	v9 =	vsel vm6, $0x1880, v9;
	v5 =	vsel vm5, $0x900, v5  }
0x14: {  	[tilespmem:$0x1FE80] =	vst v44;
	v11 =	vsel vm7, $0x3800, v11;
	v9 =	vsel vm5, $0x1900, v9;
	v8 =	vsel vm4, $0x980, v5  }
0x15: {  	s26 =	rddreg [dreg:$0x1];
	[tilespmem:$0x1FE90] =	vst v45;
	v5 =	vmul.u32 $0x8, v6;
	v9 =	vsel vm4, $0x1980, v9;
	v6 =	vsel vm3, $0xA00, v8  }
0x16: {  	s5 =	rddreg [dreg:$0x2];
	[tilespmem:$0x1FEA0] =	vst v46;
	v11 =	vsel vm6, $0x3880, v11;
	v9 =	vsel vm3, $0x1A00, v9;
	v8 =	vsel vm1, $0xA80, v6  }
0x17: {  	s6 =	rddreg [dreg:$0x3];
	s4 =	simm.s32 $0x0;
	[tilespmem:$0x1FEB0] =	vst v47;
	v11 =	vsel vm5, $0x3900, v11;
	v9 =	vsel vm1, $0x1A80, v9;
	v6 =	vsel vm2, $0xB00, v8  }
0x18: {  	v48 =	vimm.s32 $0x2B80;
	[smem:$0x7FF] =	sst s4;
	v11 =	vsel vm4, $0x3980, v11;
	[tilespmem:$0x1FEC0] =	vst v6;
	v6 =	vsel vm2, $0x1B00, v9  }
0x19: {  	v50 =	vor.u32 $0x800, v14;
	v10 =	vsel vm15, $0x2000, v48;
	s1 =	rddreg [dreg:$0x0];
	v11 =	vsel vm3, $0x3A00, v11;
	_ =	strace $0x80000047;
	[tilespmem:$0x1FEE0] =	vst v6  }
0x1a: {  	v51 =	vor.u32 $0x801, v14;
	v10 =	vsel vm14, $0x2080, v10;
	v52 =	vsel vm1, $0x3A80, v11;
	[tilespmem:$0x1FEF0] =	vst v50  }
0x1b: {  	v10 =	vsel vm13, $0x2100, v10;
	v53 =	vsel vm2, $0x3B00, v52;
	[tilespmem:$0x1FF00] =	vst v51  }
0x1c: {  	v54 =	vor.u32 $0x1800, v14;
	v10 =	vsel vm12, $0x2180, v10;
	[tilespmem:$0x1FF40] =	vst v53  }
0x1d: {  	v55 =	vor.u32 $0x1801, v14;
	v10 =	vsel vm11, $0x2200, v10;
	[tilespmem:$0x1FF50] =	vst v54  }
0x1e: {  	v56 =	vor.u32 $0x2000, v14;
	v10 =	vsel vm10, $0x2280, v10;
	[tilespmem:$0x1FF60] =	vst v55  }
0x1f: {  	v57 =	vor.u32 $0x2001, v14;
	v10 =	vsel vm9, $0x2300, v10;
	[tilespmem:$0x1FF70] =	vst v56  }
0x20: {  	s11 =	simm.s32 $0x3;
	v58 =	vor.u32 $0x2800, v14;
	v10 =	vsel vm8, $0x2380, v10;
	[tilespmem:$0x1FF80] =	vst v57  }
0x21: {  	s13 =	simm.s32 $0x200;
	s19 =	simm.s32 $0xC400;
	s31 =	simm.s32 $0x10400;
	v59 =	vor.u32 $0x2801, v14;
	v10 =	vsel vm7, $0x2800, v10;
	[tilespmem:$0x1FF90] =	vst v58  }
0x22: {  	s15 =	simm.s32 $0x14400;
	s21 =	simm.s32 $0x1;
	s22 =	simm.s32 $0xA400;
	v60 =	vor.u32 $0x3000, v14;
	v10 =	vsel vm6, $0x2880, v10;
	[tilespmem:$0x1FFA0] =	vst v59  }
0x23: {  	s14 =	simm.s32 $0xDC00;
	s20 =	simm.s32 $0xEC00;
	s9 =	sadd.s32 $0x20800, s6;
	v61 =	vor.u32 $0x3001, v14;
	v12 =	vsel vm5, $0x2900, v10;
	[tilespmem:$0x1FFB0] =	vst v60  }
0x24: {  	s2 =	ssub.s32 $0x2, s2;
	s7 =	sshll.u32 s0, $0xC;
	s8 =	sshll.u32 s0, $0x5;
	v62 =	vor.u32 $0x3800, v14;
	v49 =	vsel vm4, $0x2980, v12;
	[tilespmem:$0x1FFC0] =	vst v61  }
0x25: {  	s23 =	simm.s32 $0x2;
	s7 =	sadd.s32 s7, s6;
	s3 =	sadd.s32 s26, s8;
	v9 =	vsel vm3, $0x2A00, v49;
	[tilespmem:$0x1FFD0] =	vst v62  }
.Ltmp0:
0x26: {  	v63 =	vor.u32 $0x3801, v14;
	s5 =	sadd.s32 s5, s8;
	[dreg:$0x9] =	wrdreg s3;
	v9 =	vsel vm1, $0x2A80, v9;
	[tilespmem:$0x1FFE0] =	vst v14;
	(pc) =	sbr.rel .LBB2_1-.Ltmp0, $4  }
0x27: {  	s28 =	sshrl.u32 s2, $0x1;
	s29 =	sadd.s32 $0x800, s7;
	[dreg:$0x8] =	wrdreg s5;
	[tilespmem:$0x1FFF0] =	vst v63;
	v6 =	vsel vm2, $0x2B00, v9  }
0x28: {  	p0 =	sne.s32 s0, $0x0;
	s2 =	ssub.s32 s2, s28;
	[dreg:$0xa] =	wrdreg s29;
	[tilespmem:$0x1FF10] =	vst v6;
	v6 =	vor.u32 $0x1000, v14  }
0x29: {  	s30 =	sadd.s32 s9, s8;
	s24 =	simm.s32 $0x4200;
	[dreg:$0x6] =	wrdreg s9;
	[tilespmem:$0x1FF20] =	vst v6;
	v6 =	vor.u32 $0x1001, v14  }
0x2a: {  	vm0 =	vmmov $0xffff;
	s10 =	smax.u32 s2, $0x1;
	s2 =	simm.s32 $0x8400;
	v4 =	vand.u32 $0x7, v7;
	v7 =	vor.u32 $0x8, v7;
	[dreg:$0x7] =	wrdreg s30;
	[tilespmem:$0x1FF30] =	vst v6  }
.LBB2_3:
0x2b: {  	s10 =	sadd.s32 $0xFFFFFFFF, s10  }
0x2c: {  	p1 =	sne.s32 s10, $0x0  }
.Ltmp1:
0x2d: {  	_ = 	snop;
	(pc) =	sbr.rel @!p1 .LBB2_4-.Ltmp1, $1  }
0x2e: {  	_ =	sdelay $0x3  }
.LBB2_1:
0x2f: {  	s0 =	rddreg [dreg:$0x9]  }
0x30: {  	[tilespmem:s4], [sflag:$0x3] =	stream.linear.gather [hbm4b:s0+s4], $0x100, $0x38;
	[tilespmem:$0x1A580] =	vst v63  }
0x31: {  	_ =	swait.ge [sflag:s11], $0x100  }
0x32: {  	[sflag:s11] =	ssyncset.done $0x0  }
0x33: {  	s6 =	simm.s32 $0x100;
	s5 =	rddreg [dreg:$0x8];
	[sflag:s11] =	ssyncadd.s32 $0xFFFFFF00  }
0x34: {  	[tilespmem:s6], [sflag:$0x3] =	stream.linear.gather [hbm4b:s5+s4], $0x100, $0x38;
	[tilespmem:$0x1A580] =	vst v63  }
0x35: {  	_ =	swait.ge [sflag:s11], $0x100  }
0x36: {  	[sflag:s11] =	ssyncset.done $0x0  }
0x37: {  	s7 =	rddreg [dreg:$0xa];
	[sflag:s11] =	ssyncadd.s32 $0xFFFFFF00  }
0x38: {  	[tilespmem:s13], [sflag:$0x3] =	stream.linear.gather [hbm4b:s7+s4], $0x8000, $0x38;
	[tilespmem:$0x1A580] =	vst v63  }
0x39: {  	_ =	swait.ge [sflag:s11], $0x8000  }
0x3a: {  	[sflag:s11] =	ssyncset.done $0x0  }
0x3b: {  	[sflag:s11] =	ssyncadd.s32 $0xFFFF8000  }
0x3c: {  	v9 =	vld [tilespmem:$0x0]  }
0x3d: {  	v0 =	vld [tilespmem:$0x1FE80];
	_ =	sdelay $0x1  }
0x3e: {  	v1 =	vld [tilespmem:$0x1FE90]  }
0x3f: {  	v11 =	vld [tilespmem:$0x10]  }
0x40: {  	v9 =	vshrl.u32 v9, $0x8  }
0x41: {  	v27 =	vld [tilespmem:$0x20];
	v12 =	vadd.s32 v0, v9  }
0x42: {  	v28 =	vshll.u32 v12, $0x1  }
0x43: {  	v29 =	vld [tilespmem:$0x30];
	v30 =	vand.u32 $0x7, v9;
	v28 =	vand.u32 $0x7FFFFFF0, v28  }
0x44: {  	v11 =	vshrl.u32 v11, $0x8;
	v9 =	vadd.s32 v1, v9;
	[tilespmem:$0x8200] =	vst v12;
	v18 =	vor.u32 v30, v28  }
0x45: {  	v19 =	vadd.s32 v0, v11;
	[tilespmem:$0x8280] =	vst v9;
	v28 =	vperm.xlane v18, v4  }
0x46: {  	v21 =	vshrl.u32 v27, $0x8;
	v20 =	vadd.s32 v1, v11;
	[tilespmem:$0x8210] =	vst v19  }
0x47: {  	v22 =	vadd.s32 v0, v21;
	[tilespmem:$0x8290] =	vst v20;
	v12 =	vperm.xlane v18, v7;
	v23 =	vadd.s32 v5, v28  }
0x48: {  	v26 =	vadd.s32 v1, v21;
	[tilespmem:$0x8220] =	vst v22;
	v28 =	vshrl.u32 v29, $0x8  }
0x49: {  	[tilespmem:$0x82A0] =	vst v26;
	v12 =	vadd.s32 v5, v12;
	v29 =	vadd.s32 v0, v28  }
0x4a: {  	v30 =	vadd.s32 v1, v28;
	[tilespmem:$0x8230] =	vst v29  }
0x4b: {  	[tilespmem:$0x82B0] =	vst v30  }
0x4c: {  	[tilespmem:s2], [sflag:$0x1] =	stream.indirect_vreg.gather [hbm4b:s1+s4], $0x80, v23, vm0, $0xb8;
	[tilespmem:$0x1A580] =	vst v63  }
0x4d: {  	s12 =	simm.s32 $0x8C00  }
0x4e: {  	[tilespmem:s12], [sflag:$0x1] =	stream.indirect_vreg.gather [hbm4b:s1+s4], $0x80, v12, vm0, $0xb8;
	[tilespmem:$0x1A580] =	vst v63  }
0x4f: {  	v31 =	vld [tilespmem:$0x8210];
	_ =	sdelay $0x4  }
0x50: {  	v32 =	vshll.u32 v31, $0x1  }
0x51: {  	v9 =	vand.u32 $0x7, v31;
	v11 =	vand.u32 $0xFFFFFFF0, v32  }
0x52: {  	v9 =	vor.u32 v9, v11  }
0x53: {  	v11 =	vperm.xlane v9, v4;
	_ =	sdelay $0x1  }
0x54: {  	v9 =	vperm.xlane v9, v7;
	v11 =	vadd.s32 v5, v11;
	_ =	sdelay $0x1  }
0x55: {  	v9 =	vadd.s32 v5, v9;
	_ =	sdelay $0x1  }
0x56: {  	s16 =	simm.s32 $0x9400  }
0x57: {  	[tilespmem:s16], [sflag:$0x1] =	stream.indirect_vreg.gather [hbm4b:s1+s4], $0x80, v11, vm0, $0xb8;
	[tilespmem:$0x1A580] =	vst v63  }
0x58: {  	s9 =	simm.s32 $0x9C00  }
0x59: {  	[tilespmem:s9], [sflag:$0x1] =	stream.indirect_vreg.gather [hbm4b:s1+s4], $0x80, v9, vm0, $0xb8;
	[tilespmem:$0x1A580] =	vst v63  }
0x5a: {  	v9 =	vld [tilespmem:$0x8220];
	_ =	sdelay $0x4  }
0x5b: {  	v33 =	vshll.u32 v9, $0x1  }
0x5c: {  	v9 =	vand.u32 $0x7, v9;
	v11 =	vand.u32 $0xFFFFFFF0, v33  }
0x5d: {  	v9 =	vor.u32 v9, v11  }
0x5e: {  	v11 =	vperm.xlane v9, v4;
	_ =	sdelay $0x1  }
0x5f: {  	v9 =	vperm.xlane v9, v7;
	v11 =	vadd.s32 v5, v11;
	_ =	sdelay $0x1  }
0x60: {  	v9 =	vadd.s32 v5, v9;
	_ =	sdelay $0x2  }
0x61: {  	[tilespmem:s22], [sflag:$0x1] =	stream.indirect_vreg.gather [hbm4b:s1+s4], $0x80, v11, vm0, $0xb8;
	[tilespmem:$0x1A580] =	vst v63  }
0x62: {  	s28 =	simm.s32 $0xAC00  }
0x63: {  	[tilespmem:s28], [sflag:$0x1] =	stream.indirect_vreg.gather [hbm4b:s1+s4], $0x80, v9, vm0, $0xb8;
	[tilespmem:$0x1A580] =	vst v63  }
0x64: {  	v9 =	vld [tilespmem:$0x8230];
	_ =	sdelay $0x4  }
0x65: {  	v34 =	vshll.u32 v9, $0x1  }
0x66: {  	v9 =	vand.u32 $0x7, v9;
	v11 =	vand.u32 $0xFFFFFFF0, v34  }
0x67: {  	v9 =	vor.u32 v9, v11  }
0x68: {  	v11 =	vperm.xlane v9, v4;
	_ =	sdelay $0x1  }
0x69: {  	v9 =	vperm.xlane v9, v7;
	v11 =	vadd.s32 v5, v11;
	_ =	sdelay $0x1  }
0x6a: {  	v9 =	vadd.s32 v5, v9;
	_ =	sdelay $0x1  }
0x6b: {  	s26 =	simm.s32 $0xB400  }
0x6c: {  	[tilespmem:s26], [sflag:$0x1] =	stream.indirect_vreg.gather [hbm4b:s1+s4], $0x80, v11, vm0, $0xb8;
	[tilespmem:$0x1A580] =	vst v63  }
0x6d: {  	s30 =	simm.s32 $0xBC00  }
0x6e: {  	[tilespmem:s30], [sflag:$0x1] =	stream.indirect_vreg.gather [hbm4b:s1+s4], $0x80, v9, vm0, $0xb8;
	[tilespmem:$0x1A580] =	vst v63  }
0x6f: {  	v9 =	vld [tilespmem:$0x8280];
	_ =	sdelay $0x4  }
0x70: {  	v35 =	vshll.u32 v9, $0x1  }
0x71: {  	v9 =	vand.u32 $0x7, v9;
	v11 =	vand.u32 $0xFFFFFFF0, v35  }
0x72: {  	v9 =	vor.u32 v9, v11  }
0x73: {  	v11 =	vperm.xlane v9, v4;
	_ =	sdelay $0x1  }
0x74: {  	v9 =	vperm.xlane v9, v7;
	v11 =	vadd.s32 v5, v11;
	_ =	sdelay $0x1  }
0x75: {  	v9 =	vadd.s32 v5, v9;
	_ =	sdelay $0x2  }
0x76: {  	[tilespmem:s19], [sflag:$0x1] =	stream.indirect_vreg.gather [hbm4b:s1+s4], $0x80, v11, vm0, $0xb8;
	[tilespmem:$0x1A580] =	vst v63  }
0x77: {  	s25 =	simm.s32 $0xCC00  }
0x78: {  	[tilespmem:s25], [sflag:$0x1] =	stream.indirect_vreg.gather [hbm4b:s1+s4], $0x80, v9, vm0, $0xb8;
	[tilespmem:$0x1A580] =	vst v63  }
0x79: {  	v9 =	vld [tilespmem:$0x8290];
	_ =	sdelay $0x4  }
0x7a: {  	v36 =	vshll.u32 v9, $0x1  }
0x7b: {  	v9 =	vand.u32 $0x7, v9;
	v11 =	vand.u32 $0xFFFFFFF0, v36  }
0x7c: {  	v9 =	vor.u32 v9, v11  }
0x7d: {  	v11 =	vperm.xlane v9, v4;
	_ =	sdelay $0x1  }
0x7e: {  	v9 =	vperm.xlane v9, v7;
	v11 =	vadd.s32 v5, v11;
	_ =	sdelay $0x1  }
0x7f: {  	v9 =	vadd.s32 v5, v9;
	_ =	sdelay $0x1  }
0x80: {  	s17 =	simm.s32 $0xD400  }
0x81: {  	[tilespmem:s17], [sflag:$0x1] =	stream.indirect_vreg.gather [hbm4b:s1+s4], $0x80, v11, vm0, $0xb8;
	[tilespmem:$0x1A580] =	vst v63  }
0x82: {  	_ = 	snop  }
0x83: {  	[tilespmem:s14], [sflag:$0x1] =	stream.indirect_vreg.gather [hbm4b:s1+s4], $0x80, v9, vm0, $0xb8;
	[tilespmem:$0x1A580] =	vst v63  }
0x84: {  	v9 =	vld [tilespmem:$0x82A0];
	_ =	sdelay $0x4  }
0x85: {  	v37 =	vshll.u32 v9, $0x1  }
0x86: {  	v9 =	vand.u32 $0x7, v9;
	v11 =	vand.u32 $0xFFFFFFF0, v37  }
0x87: {  	v9 =	vor.u32 v9, v11  }
0x88: {  	v11 =	vperm.xlane v9, v4;
	_ =	sdelay $0x1  }
0x89: {  	v9 =	vperm.xlane v9, v7;
	v11 =	vadd.s32 v5, v11;
	_ =	sdelay $0x1  }
0x8a: {  	v9 =	vadd.s32 v5, v9;
	_ =	sdelay $0x1  }
0x8b: {  	s29 =	simm.s32 $0xE400  }
0x8c: {  	[tilespmem:s29], [sflag:$0x1] =	stream.indirect_vreg.gather [hbm4b:s1+s4], $0x80, v11, vm0, $0xb8;
	[tilespmem:$0x1A580] =	vst v63  }
0x8d: {  	_ = 	snop  }
0x8e: {  	[tilespmem:s20], [sflag:$0x1] =	stream.indirect_vreg.gather [hbm4b:s1+s4], $0x80, v9, vm0, $0xb8;
	[tilespmem:$0x1A580] =	vst v63  }
0x8f: {  	v9 =	vld [tilespmem:$0x82B0];
	_ =	sdelay $0x4  }
0x90: {  	v38 =	vshll.u32 v9, $0x1  }
0x91: {  	v9 =	vand.u32 $0x7, v9;
	v11 =	vand.u32 $0xFFFFFFF0, v38  }
0x92: {  	v9 =	vor.u32 v9, v11  }
0x93: {  	v11 =	vperm.xlane v9, v4;
	_ =	sdelay $0x1  }
0x94: {  	v9 =	vperm.xlane v9, v7;
	v11 =	vadd.s32 v5, v11;
	_ =	sdelay $0x1  }
0x95: {  	v9 =	vadd.s32 v5, v9;
	_ =	sdelay $0x1  }
0x96: {  	s18 =	simm.s32 $0xF400  }
0x97: {  	[tilespmem:s18], [sflag:$0x1] =	stream.indirect_vreg.gather [hbm4b:s1+s4], $0x80, v11, vm0, $0xb8;
	[tilespmem:$0x1A580] =	vst v63  }
0x98: {  	s0 =	simm.s32 $0xFC00  }
0x99: {  	[tilespmem:s0], [sflag:$0x1] =	stream.indirect_vreg.gather [hbm4b:s1+s4], $0x80, v9, vm0, $0xb8;
	[tilespmem:$0x1A580] =	vst v63  }
0x9a: {  	v9 =	vld [tilespmem:$0x40];
	_ =	sdelay $0x3  }
0x9b: {  	v11 =	vld [tilespmem:$0x50]  }
0x9c: {  	v9 =	vshrl.u32 v9, $0x8  }
0x9d: {  	v27 =	vld [tilespmem:$0x60];
	v39 =	vadd.s32 v0, v9  }
0x9e: {  	v40 =	vshll.u32 v39, $0x1  }
0x9f: {  	v41 =	vld [tilespmem:$0x70];
	v42 =	vand.u32 $0x7, v9;
	v28 =	vand.u32 $0x7FFFFFF0, v40  }
0xa0: {  	v11 =	vshrl.u32 v11, $0x8;
	v9 =	vadd.s32 v1, v9;
	[tilespmem:$0x8300] =	vst v39;
	v43 =	vor.u32 v42, v28  }
0xa1: {  	v44 =	vadd.s32 v0, v11;
	[tilespmem:$0x8380] =	vst v9;
	v28 =	vperm.xlane v43, v4  }
0xa2: {  	v46 =	vshrl.u32 v27, $0x8;
	v45 =	vadd.s32 v1, v11;
	[tilespmem:$0x8310] =	vst v44  }
0xa3: {  	v47 =	vadd.s32 v0, v46;
	[tilespmem:$0x8390] =	vst v45;
	v12 =	vperm.xlane v43, v7;
	v48 =	vadd.s32 v5, v28  }
0xa4: {  	v50 =	vshrl.u32 v41, $0x8;
	v49 =	vadd.s32 v1, v46;
	[tilespmem:$0x8320] =	vst v47  }
0xa5: {  	v51 =	vadd.s32 v0, v50;
	[tilespmem:$0x83A0] =	vst v49;
	v12 =	vadd.s32 v5, v12  }
0xa6: {  	v52 =	vadd.s32 v1, v50;
	[tilespmem:$0x8330] =	vst v51  }
0xa7: {  	[tilespmem:$0x83B0] =	vst v52  }
0xa8: {  	[tilespmem:s31], [sflag:$0x2] =	stream.indirect_vreg.gather [hbm4b:s1+s4], $0x80, v48, vm0, $0xb8;
	[tilespmem:$0x1A580] =	vst v63  }
0xa9: {  	s3 =	simm.s32 $0x10C00  }
0xaa: {  	[tilespmem:s3], [sflag:$0x2] =	stream.indirect_vreg.gather [hbm4b:s1+s4], $0x80, v12, vm0, $0xb8;
	[tilespmem:$0x1A580] =	vst v63  }
0xab: {  	v53 =	vld [tilespmem:$0x8310];
	_ =	sdelay $0x4  }
0xac: {  	v54 =	vshll.u32 v53, $0x1  }
0xad: {  	v9 =	vand.u32 $0x7, v53;
	v11 =	vand.u32 $0xFFFFFFF0, v54  }
0xae: {  	v9 =	vor.u32 v9, v11  }
0xaf: {  	v11 =	vperm.xlane v9, v4;
	_ =	sdelay $0x1  }
0xb0: {  	v9 =	vperm.xlane v9, v7;
	v11 =	vadd.s32 v5, v11;
	_ =	sdelay $0x1  }
0xb1: {  	v9 =	vadd.s32 v5, v9;
	_ =	sdelay $0x1  }
0xb2: {  	s7 =	simm.s32 $0x11400  }
0xb3: {  	[tilespmem:s7], [sflag:$0x2] =	stream.indirect_vreg.gather [hbm4b:s1+s4], $0x80, v11, vm0, $0xb8;
	[tilespmem:$0x1A580] =	vst v63  }
0xb4: {  	s5 =	simm.s32 $0x11C00  }
0xb5: {  	[tilespmem:s5], [sflag:$0x2] =	stream.indirect_vreg.gather [hbm4b:s1+s4], $0x80, v9, vm0, $0xb8;
	[tilespmem:$0x1A580] =	vst v63  }
0xb6: {  	v9 =	vld [tilespmem:$0x8320];
	_ =	sdelay $0x4  }
0xb7: {  	v55 =	vshll.u32 v9, $0x1  }
0xb8: {  	v9 =	vand.u32 $0x7, v9;
	v11 =	vand.u32 $0xFFFFFFF0, v55  }
0xb9: {  	v9 =	vor.u32 v9, v11  }
0xba: {  	v11 =	vperm.xlane v9, v4;
	_ =	sdelay $0x1  }
0xbb: {  	v9 =	vperm.xlane v9, v7;
	v11 =	vadd.s32 v5, v11;
	_ =	sdelay $0x1  }
0xbc: {  	v9 =	vadd.s32 v5, v9;
	_ =	sdelay $0x1  }
0xbd: {  	s8 =	simm.s32 $0x12400  }
0xbe: {  	[tilespmem:s8], [sflag:$0x2] =	stream.indirect_vreg.gather [hbm4b:s1+s4], $0x80, v11, vm0, $0xb8;
	[tilespmem:$0x1A580] =	vst v63  }
0xbf: {  	s6 =	simm.s32 $0x12C00  }
0xc0: {  	[tilespmem:s6], [sflag:$0x2] =	stream.indirect_vreg.gather [hbm4b:s1+s4], $0x80, v9, vm0, $0xb8;
	[tilespmem:$0x1A580] =	vst v63  }
0xc1: {  	v9 =	vld [tilespmem:$0x8330];
	_ =	sdelay $0x4  }
0xc2: {  	v56 =	vshll.u32 v9, $0x1  }
0xc3: {  	v9 =	vand.u32 $0x7, v9;
	v11 =	vand.u32 $0xFFFFFFF0, v56  }
0xc4: {  	v9 =	vor.u32 v9, v11  }
0xc5: {  	v11 =	vperm.xlane v9, v4;
	_ =	sdelay $0x1  }
0xc6: {  	v9 =	vperm.xlane v9, v7;
	v11 =	vadd.s32 v5, v11;
	_ =	sdelay $0x1  }
0xc7: {  	v9 =	vadd.s32 v5, v9;
	_ =	sdelay $0x1  }
0xc8: {  	s8 =	simm.s32 $0x13400  }
0xc9: {  	[tilespmem:s8], [sflag:$0x2] =	stream.indirect_vreg.gather [hbm4b:s1+s4], $0x80, v11, vm0, $0xb8;
	[tilespmem:$0x1A580] =	vst v63  }
0xca: {  	s3 =	simm.s32 $0x13C00  }
0xcb: {  	[tilespmem:s3], [sflag:$0x2] =	stream.indirect_vreg.gather [hbm4b:s1+s4], $0x80, v9, vm0, $0xb8;
	[tilespmem:$0x1A580] =	vst v63  }
0xcc: {  	v9 =	vld [tilespmem:$0x8380];
	_ =	sdelay $0x4  }
0xcd: {  	v57 =	vshll.u32 v9, $0x1  }
0xce: {  	v9 =	vand.u32 $0x7, v9;
	v11 =	vand.u32 $0xFFFFFFF0, v57  }
0xcf: {  	v9 =	vor.u32 v9, v11  }
0xd0: {  	v11 =	vperm.xlane v9, v4;
	_ =	sdelay $0x1  }
0xd1: {  	v9 =	vperm.xlane v9, v7;
	v11 =	vadd.s32 v5, v11;
	_ =	sdelay $0x1  }
0xd2: {  	v9 =	vadd.s32 v5, v9;
	_ =	sdelay $0x2  }
0xd3: {  	[tilespmem:s15], [sflag:$0x2] =	stream.indirect_vreg.gather [hbm4b:s1+s4], $0x80, v11, vm0, $0xb8;
	[tilespmem:$0x1A580] =	vst v63  }
0xd4: {  	s3 =	simm.s32 $0x14C00  }
0xd5: {  	[tilespmem:s3], [sflag:$0x2] =	stream.indirect_vreg.gather [hbm4b:s1+s4], $0x80, v9, vm0, $0xb8;
	[tilespmem:$0x1A580] =	vst v63  }
0xd6: {  	v9 =	vld [tilespmem:$0x8390];
	_ =	sdelay $0x4  }
0xd7: {  	v58 =	vshll.u32 v9, $0x1  }
0xd8: {  	v9 =	vand.u32 $0x7, v9;
	v11 =	vand.u32 $0xFFFFFFF0, v58  }
0xd9: {  	v9 =	vor.u32 v9, v11  }
0xda: {  	v11 =	vperm.xlane v9, v4;
	_ =	sdelay $0x1  }
0xdb: {  	v9 =	vperm.xlane v9, v7;
	v11 =	vadd.s32 v5, v11;
	_ =	sdelay $0x1  }
0xdc: {  	v9 =	vadd.s32 v5, v9;
	_ =	sdelay $0x1  }
0xdd: {  	s3 =	simm.s32 $0x15400  }
0xde: {  	[tilespmem:s3], [sflag:$0x2] =	stream.indirect_vreg.gather [hbm4b:s1+s4], $0x80, v11, vm0, $0xb8;
	[tilespmem:$0x1A580] =	vst v63  }
0xdf: {  	s3 =	simm.s32 $0x15C00  }
0xe0: {  	[tilespmem:s3], [sflag:$0x2] =	stream.indirect_vreg.gather [hbm4b:s1+s4], $0x80, v9, vm0, $0xb8;
	[tilespmem:$0x1A580] =	vst v63  }
0xe1: {  	v9 =	vld [tilespmem:$0x83A0];
	_ =	sdelay $0x4  }
0xe2: {  	v59 =	vshll.u32 v9, $0x1  }
0xe3: {  	v9 =	vand.u32 $0x7, v9;
	v11 =	vand.u32 $0xFFFFFFF0, v59  }
0xe4: {  	v9 =	vor.u32 v9, v11  }
0xe5: {  	v11 =	vperm.xlane v9, v4;
	_ =	sdelay $0x1  }
0xe6: {  	v9 =	vperm.xlane v9, v7;
	v11 =	vadd.s32 v5, v11;
	_ =	sdelay $0x1  }
0xe7: {  	v9 =	vadd.s32 v5, v9;
	_ =	sdelay $0x1  }
0xe8: {  	s3 =	simm.s32 $0x16400  }
0xe9: {  	[tilespmem:s3], [sflag:$0x2] =	stream.indirect_vreg.gather [hbm4b:s1+s4], $0x80, v11, vm0, $0xb8;
	[tilespmem:$0x1A580] =	vst v63  }
0xea: {  	s3 =	simm.s32 $0x16C00  }
0xeb: {  	[tilespmem:s3], [sflag:$0x2] =	stream.indirect_vreg.gather [hbm4b:s1+s4], $0x80, v9, vm0, $0xb8;
	[tilespmem:$0x1A580] =	vst v63  }
0xec: {  	v9 =	vld [tilespmem:$0x83B0];
	_ =	sdelay $0x4  }
0xed: {  	v60 =	vshll.u32 v9, $0x1  }
0xee: {  	v9 =	vand.u32 $0x7, v9;
	v11 =	vand.u32 $0xFFFFFFF0, v60  }
0xef: {  	v9 =	vor.u32 v9, v11  }
0xf0: {  	v11 =	vperm.xlane v9, v4;
	_ =	sdelay $0x1  }
0xf1: {  	v9 =	vperm.xlane v9, v7;
	v11 =	vadd.s32 v5, v11;
	_ =	sdelay $0x1  }
0xf2: {  	v9 =	vadd.s32 v5, v9;
	_ =	sdelay $0x1  }
0xf3: {  	s3 =	simm.s32 $0x17400  }
0xf4: {  	[tilespmem:s3], [sflag:$0x2] =	stream.indirect_vreg.gather [hbm4b:s1+s4], $0x80, v11, vm0, $0xb8;
	[tilespmem:$0x1A580] =	vst v63  }
0xf5: {  	s3 =	simm.s32 $0x17C00  }
0xf6: {  	[tilespmem:s3], [sflag:$0x2] =	stream.indirect_vreg.gather [hbm4b:s1+s4], $0x80, v9, vm0, $0xb8;
	[tilespmem:$0x1A580] =	vst v63  }
0xf7: {  	_ =	swait.ge [sflag:s21], $0x4000  }
0xf8: {  	[sflag:s21] =	ssyncset.done $0x0  }
0xf9: {  	[sflag:s21] =	ssyncadd.s32 $0xFFFFC000  }
0xfa: {  	_ =	swait.ge [sflag:s21], $0x4000  }
0xfb: {  	v10 =	vld [tilespmem:$0x1FEC0]  }
0xfc: {  	v13 =	vld [tilespmem:$0x1FEE0]  }
0xfd: {  	[sflag:s21] =	ssyncset.done $0x0;
	v20 =	vld [tilespmem:$0x1FFE0]  }
0xfe: {  	v22 =	vld [tilespmem:$0x1FED0];
	[sflag:s21] =	ssyncadd.s32 $0xFFFFC000  }
0xff: {  	v61 =	vld [tilespmem:$0x0]  }
0x100: {  	v16 =	vld [tilespmem:$0x1FF10]  }
0x101: {  	v24 =	vld [tilespmem:$0x1FEF0]  }
0x102: {  	v26 =	vld [tilespmem:$0x1FF00]  }
0x103: {  	v28 =	vld [tilespmem:$0x1FF30]  }
0x104: {  	v18 =	vld [tilespmem:$0x1FEA0];
	v62 =	vshll.u32 v61, $0x3  }
0x105: {  	v19 =	vld [tilespmem:$0x1FEB0];
	v9 =	vand.u32 $0x7F, v61;
	v11 =	vand.u32 $0x400, v62  }
0x106: {  	v0 =	vld [tilespmem:$0x20];
	v9 =	vor.u32 v11, v9  }
0x107: {  	v63 =	vld [tilespmem:$0x10];
	v9 =	vor.u32 v10, v9  }
0x108: {  	v14 =	vld [tilespmem:$0x30]  }
0x109: {  	v45 =	vld [tilespmem:$0x80]  }
0x10a: {  	v48 =	vld [tilespmem:$0x90]  }
0x10b: {  	v2 =	vshll.u32 v0, $0x3;
	v31 =	vand.u32 $0x7F, v0;
	v0 =	vld [tilespmem:$0x1FF40]  }
0x10c: {  	v1 =	vshll.u32 v63, $0x3;
	v32 =	vand.u32 $0x400, v2;
	v30 =	vld.idx.msk [tilespmem:v9+s2+$0x0], $0xffff  }
0x10d: {  	v12 =	vand.u32 $0x7F, v63;
	v27 =	vand.u32 $0x400, v1;
	v35 =	vld.idx.msk [tilespmem:v9+s19+$0x0], $0xffff;
	v9 =	vor.u32 v32, v31  }
0x10e: {  	v12 =	vor.u32 v27, v12;
	v27 =	vld [tilespmem:$0x1FF20];
	v9 =	vor.u32 v16, v9  }
0x10f: {  	v38 =	vld.idx.msk [tilespmem:v20+s13+$0x0], $0xffff  }
0x110: {  	v40 =	vld.idx.msk [tilespmem:v22+s13+$0x0], $0xffff  }
0x111: {  	v33 =	vshll.u32 v14, $0x3;
	v42 =	vld.idx.msk [tilespmem:v24+s13+$0x0], $0xffff  }
0x112: {  	v34 =	vand.u32 $0x7F, v14;
	v41 =	vld.idx.msk [tilespmem:v26+s13+$0x0], $0xffff;
	v11 =	vand.u32 $0x400, v33  }
0x113: {  	v11 =	vor.u32 v11, v34;
	v37 =	vld.idx.msk [tilespmem:v9+s2+$0x0], $0xffff  }
0x114: {  	v33 =	vld.idx.msk [tilespmem:v28+s13+$0x0], $0xffff;
	v11 =	vor.u32 v0, v11  }
0x115: {  	v34 =	vld [tilespmem:$0x1FF50]  }
0x116: {  	v12 =	vor.u32 v13, v12;
	v44 =	vld.idx.msk [tilespmem:v27+s13+$0x0], $0xffff  }
0x117: {  	v43 =	vld.idx.msk [tilespmem:v9+s19+$0x0], $0xffff  }
0x118: {  	[tilespmem:$0x1FE10] =	vst v37;
	v37 =	vld [tilespmem:$0x1FF60]  }
0x119: {  	v46 =	vld.idx.msk [tilespmem:v11+s2+$0x0], $0xffff  }
0x11a: {  	v47 =	vld.idx.msk [tilespmem:v11+s19+$0x0], $0xffff  }
0x11b: {  	v39 =	vld.idx.msk [tilespmem:v12+s2+$0x0], $0xffff  }
0x11c: {  	v36 =	vld.idx.msk [tilespmem:v12+s19+$0x0], $0xffff;
	v9 =	vshrl.u32 v45, $0x8;
	[tilespmem:$0x1FE20] =	vst v44  }
0x11d: {  	v49 =	vadd.s32 v18, v9;
	[tilespmem:$0x1FE30] =	vst v43;
	v43 =	vld [tilespmem:$0xA0]  }
0x11e: {  	v32 =	vld.idx.msk [tilespmem:v34+s13+$0x0], $0xffff;
	[tilespmem:$0x1FE40] =	vst v46;
	v44 =	vshll.u32 v49, $0x1  }
0x11f: {  	v45 =	vld [tilespmem:$0xB0];
	[tilespmem:$0x1FE50] =	vst v47;
	v46 =	vand.u32 $0x7, v9;
	v44 =	vand.u32 $0xFFFFFFF0, v44  }
0x120: {  	v11 =	vshrl.u32 v48, $0x8;
	v9 =	vadd.s32 v19, v9;
	v51 =	vor.u32 v46, v44;
	v50 =	vld.idx.msk [tilespmem:v37+s13+$0x0], $0xffff;
	[tilespmem:$0x8200] =	vst v49  }
0x121: {  	v52 =	vadd.s32 v18, v11;
	v44 =	vperm.xlane v51, v4;
	[tilespmem:$0x8280] =	vst v9  }
0x122: {  	v53 =	vadd.s32 v19, v11;
	v54 =	vshrl.u32 v43, $0x8;
	[tilespmem:$0x8210] =	vst v52  }
0x123: {  	v12 =	vperm.xlane v51, v7;
	v47 =	vadd.s32 v5, v44;
	v55 =	vadd.s32 v18, v54;
	[tilespmem:$0x8290] =	vst v53  }
0x124: {  	v57 =	vshrl.u32 v45, $0x8;
	v56 =	vadd.s32 v19, v54;
	[tilespmem:$0x8220] =	vst v55  }
0x125: {  	v29 =	vld [tilespmem:$0x100];
	v58 =	vadd.s32 v18, v57;
	v12 =	vadd.s32 v5, v12;
	[tilespmem:$0x82A0] =	vst v56  }
0x126: {  	v60 =	vld [tilespmem:$0x130];
	v59 =	vadd.s32 v19, v57;
	[tilespmem:$0x8230] =	vst v58  }
0x127: {  	v31 =	vld [tilespmem:$0x110];
	[tilespmem:$0x82B0] =	vst v59  }
0x128: {  	v43 =	vld [tilespmem:$0x120];
	[tilespmem:s2], [sflag:$0x1] =	stream.indirect_vreg.gather [hbm4b:s1+s4], $0x80, v47, vm0, $0xb8  }
0x129: {  	_ = 	snop  }
0x12a: {  	[tilespmem:s12], [sflag:$0x1] =	stream.indirect_vreg.gather [hbm4b:s1+s4], $0x80, v12, vm0, $0xb8;
	[tilespmem:$0x1A580] =	vst v63  }
0x12b: {  	v61 =	vld [tilespmem:$0x8210];
	_ =	sdelay $0x4  }
0x12c: {  	v62 =	vshll.u32 v61, $0x1  }
0x12d: {  	v9 =	vand.u32 $0x7, v61;
	v11 =	vand.u32 $0xFFFFFFF0, v62  }
0x12e: {  	v9 =	vor.u32 v9, v11  }
0x12f: {  	v11 =	vperm.xlane v9, v4;
	_ =	sdelay $0x1  }
0x130: {  	v9 =	vperm.xlane v9, v7;
	v11 =	vadd.s32 v5, v11;
	_ =	sdelay $0x1  }
0x131: {  	v9 =	vadd.s32 v5, v9;
	_ =	sdelay $0x2  }
0x132: {  	[tilespmem:s16], [sflag:$0x1] =	stream.indirect_vreg.gather [hbm4b:s1+s4], $0x80, v11, vm0, $0xb8;
	[tilespmem:$0x1A580] =	vst v63  }
0x133: {  	_ = 	snop  }
0x134: {  	[tilespmem:s9], [sflag:$0x1] =	stream.indirect_vreg.gather [hbm4b:s1+s4], $0x80, v9, vm0, $0xb8;
	[tilespmem:$0x1A580] =	vst v63  }
0x135: {  	v9 =	vld [tilespmem:$0x8220];
	_ =	sdelay $0x4  }
0x136: {  	v63 =	vshll.u32 v9, $0x1  }
0x137: {  	v9 =	vand.u32 $0x7, v9;
	v11 =	vand.u32 $0xFFFFFFF0, v63  }
0x138: {  	v9 =	vor.u32 v9, v11  }
0x139: {  	v11 =	vperm.xlane v9, v4;
	_ =	sdelay $0x1  }
0x13a: {  	v9 =	vperm.xlane v9, v7;
	v11 =	vadd.s32 v5, v11;
	_ =	sdelay $0x1  }
0x13b: {  	v9 =	vadd.s32 v5, v9;
	_ =	sdelay $0x2  }
0x13c: {  	[tilespmem:s22], [sflag:$0x1] =	stream.indirect_vreg.gather [hbm4b:s1+s4], $0x80, v11, vm0, $0xb8;
	[tilespmem:$0x1A580] =	vst v63  }
0x13d: {  	_ = 	snop  }
0x13e: {  	[tilespmem:s28], [sflag:$0x1] =	stream.indirect_vreg.gather [hbm4b:s1+s4], $0x80, v9, vm0, $0xb8;
	[tilespmem:$0x1A580] =	vst v63  }
0x13f: {  	v9 =	vld [tilespmem:$0x8230];
	_ =	sdelay $0x4  }
0x140: {  	v1 =	vshll.u32 v9, $0x1  }
0x141: {  	v9 =	vand.u32 $0x7, v9;
	v11 =	vand.u32 $0xFFFFFFF0, v1  }
0x142: {  	v9 =	vor.u32 v9, v11  }
0x143: {  	v11 =	vperm.xlane v9, v4;
	_ =	sdelay $0x1  }
0x144: {  	v9 =	vperm.xlane v9, v7;
	v11 =	vadd.s32 v5, v11;
	_ =	sdelay $0x1  }
0x145: {  	v9 =	vadd.s32 v5, v9;
	_ =	sdelay $0x2  }
0x146: {  	[tilespmem:s26], [sflag:$0x1] =	stream.indirect_vreg.gather [hbm4b:s1+s4], $0x80, v11, vm0, $0xb8;
	[tilespmem:$0x1A580] =	vst v63  }
0x147: {  	_ = 	snop  }
0x148: {  	[tilespmem:s30], [sflag:$0x1] =	stream.indirect_vreg.gather [hbm4b:s1+s4], $0x80, v9, vm0, $0xb8;
	[tilespmem:$0x1A580] =	vst v63  }
0x149: {  	v9 =	vld [tilespmem:$0x8280];
	_ =	sdelay $0x4  }
0x14a: {  	v2 =	vshll.u32 v9, $0x1  }
0x14b: {  	v9 =	vand.u32 $0x7, v9;
	v11 =	vand.u32 $0xFFFFFFF0, v2  }
0x14c: {  	v9 =	vor.u32 v9, v11  }
0x14d: {  	v11 =	vperm.xlane v9, v4;
	_ =	sdelay $0x1  }
0x14e: {  	v9 =	vperm.xlane v9, v7;
	v11 =	vadd.s32 v5, v11;
	_ =	sdelay $0x1  }
0x14f: {  	v9 =	vadd.s32 v5, v9;
	_ =	sdelay $0x2  }
0x150: {  	[tilespmem:s19], [sflag:$0x1] =	stream.indirect_vreg.gather [hbm4b:s1+s4], $0x80, v11, vm0, $0xb8;
	[tilespmem:$0x1A580] =	vst v63  }
0x151: {  	_ = 	snop  }
0x152: {  	[tilespmem:s25], [sflag:$0x1] =	stream.indirect_vreg.gather [hbm4b:s1+s4], $0x80, v9, vm0, $0xb8;
	[tilespmem:$0x1A580] =	vst v63  }
0x153: {  	v9 =	vld [tilespmem:$0x8290];
	_ =	sdelay $0x4  }
0x154: {  	v12 =	vshll.u32 v9, $0x1  }
0x155: {  	v9 =	vand.u32 $0x7, v9;
	v11 =	vand.u32 $0xFFFFFFF0, v12  }
0x156: {  	v9 =	vor.u32 v9, v11  }
0x157: {  	v11 =	vperm.xlane v9, v4;
	_ =	sdelay $0x1  }
0x158: {  	v9 =	vperm.xlane v9, v7;
	v11 =	vadd.s32 v5, v11;
	_ =	sdelay $0x1  }
0x159: {  	v9 =	vadd.s32 v5, v9;
	_ =	sdelay $0x2  }
0x15a: {  	[tilespmem:s17], [sflag:$0x1] =	stream.indirect_vreg.gather [hbm4b:s1+s4], $0x80, v11, vm0, $0xb8;
	[tilespmem:$0x1A580] =	vst v63  }
0x15b: {  	_ = 	snop  }
0x15c: {  	[tilespmem:s14], [sflag:$0x1] =	stream.indirect_vreg.gather [hbm4b:s1+s4], $0x80, v9, vm0, $0xb8;
	[tilespmem:$0x1A580] =	vst v63  }
0x15d: {  	v9 =	vld [tilespmem:$0x82A0];
	_ =	sdelay $0x4  }
0x15e: {  	v14 =	vshll.u32 v9, $0x1  }
0x15f: {  	v9 =	vand.u32 $0x7, v9;
	v11 =	vand.u32 $0xFFFFFFF0, v14  }
0x160: {  	v9 =	vor.u32 v9, v11  }
0x161: {  	v11 =	vperm.xlane v9, v4;
	_ =	sdelay $0x1  }
0x162: {  	v9 =	vperm.xlane v9, v7;
	v11 =	vadd.s32 v5, v11;
	_ =	sdelay $0x1  }
0x163: {  	v9 =	vadd.s32 v5, v9;
	_ =	sdelay $0x2  }
0x164: {  	[tilespmem:s29], [sflag:$0x1] =	stream.indirect_vreg.gather [hbm4b:s1+s4], $0x80, v11, vm0, $0xb8;
	[tilespmem:$0x1A580] =	vst v63  }
0x165: {  	_ = 	snop  }
0x166: {  	[tilespmem:s20], [sflag:$0x1] =	stream.indirect_vreg.gather [hbm4b:s1+s4], $0x80, v9, vm0, $0xb8;
	[tilespmem:$0x1A580] =	vst v63  }
0x167: {  	v9 =	vld [tilespmem:$0x82B0];
	_ =	sdelay $0x4  }
0x168: {  	v15 =	vshll.u32 v9, $0x1  }
0x169: {  	v9 =	vand.u32 $0x7, v9;
	v11 =	vand.u32 $0xFFFFFFF0, v15  }
0x16a: {  	v9 =	vor.u32 v9, v11  }
0x16b: {  	v11 =	vperm.xlane v9, v4;
	_ =	sdelay $0x1  }
0x16c: {  	v9 =	vperm.xlane v9, v7;
	v11 =	vadd.s32 v5, v11;
	_ =	sdelay $0x1  }
0x16d: {  	v9 =	vadd.s32 v5, v9;
	_ =	sdelay $0x1  }
0x16e: {  	[tilespmem:$0x1FE70] =	vst v60  }
0x16f: {  	[tilespmem:s18], [sflag:$0x1] =	stream.indirect_vreg.gather [hbm4b:s1+s4], $0x80, v11, vm0, $0xb8;
	[tilespmem:$0x1A580] =	vst v63  }
0x170: {  	[tilespmem:$0x1FE60] =	vst v50  }
0x171: {  	[tilespmem:s0], [sflag:$0x1] =	stream.indirect_vreg.gather [hbm4b:s1+s4], $0x80, v9, vm0, $0xb8;
	[tilespmem:$0x1A580] =	vst v63  }
0x172: {  	_ =	swait.ge [sflag:s23], $0x4000  }
0x173: {  	[sflag:s23] =	ssyncset.done $0x0  }
0x174: {  	[sflag:s23] =	ssyncadd.s32 $0xFFFFC000  }
0x175: {  	_ =	swait.ge [sflag:s23], $0x4000  }
0x176: {  	v3 =	vld [tilespmem:$0x1FF70]  }
0x177: {  	v1 =	vld [tilespmem:$0x1FF80]  }
0x178: {  	v2 =	vld [tilespmem:$0x1FF90]  }
0x179: {  	v6 =	vld [tilespmem:$0x1FFA0]  }
0x17a: {  	[sflag:s23] =	ssyncset.done $0x0;
	v8 =	vld [tilespmem:$0x1FFB0]  }
0x17b: {  	v44 =	vld [tilespmem:$0x1FFC0];
	[sflag:s23] =	ssyncadd.s32 $0xFFFFC000  }
0x17c: {  	v17 =	vld [tilespmem:$0x40]  }
0x17d: {  	v46 =	vld [tilespmem:$0x1FFD0]  }
0x17e: {  	v23 =	vld [tilespmem:$0x50]  }
0x17f: {  	v45 =	vld [tilespmem:$0x1FFF0]  }
0x180: {  	v25 =	vld [tilespmem:$0x60]  }
0x181: {  	v48 =	vld [tilespmem:$0x70];
	v21 =	vshll.u32 v17, $0x3  }
0x182: {  	v15 =	vld [tilespmem:$0xF0];
	v9 =	vand.u32 $0x7F, v17;
	v11 =	vand.u32 $0x400, v21  }
0x183: {  	v51 =	vshll.u32 v23, $0x3;
	v12 =	vand.u32 $0x7F, v23;
	v23 =	vld [tilespmem:$0xD0];
	v9 =	vor.u32 v11, v9  }
0x184: {  	v61 =	vld.idx.msk [tilespmem:v3+s13+$0x0], $0xffff;
	v9 =	vor.u32 v10, v9  }
0x185: {  	v62 =	vld.idx.msk [tilespmem:v1+s13+$0x0], $0xffff  }
0x186: {  	v54 =	vld.idx.msk [tilespmem:v2+s13+$0x0], $0xffff  }
0x187: {  	v57 =	vld.idx.msk [tilespmem:v6+s13+$0x0], $0xffff  }
0x188: {  	v52 =	vshll.u32 v25, $0x3;
	v47 =	vand.u32 $0x400, v51;
	v21 =	vld [tilespmem:$0xC0]  }
0x189: {  	v58 =	vand.u32 $0x7F, v25;
	v59 =	vand.u32 $0x400, v52;
	v12 =	vor.u32 v47, v12;
	v53 =	vld.idx.msk [tilespmem:v9+s31+$0x0], $0xffff  }
0x18a: {  	v63 =	vshll.u32 v48, $0x3;
	v12 =	vor.u32 v13, v12;
	v56 =	vld.idx.msk [tilespmem:v9+s15+$0x0], $0xffff;
	v9 =	vor.u32 v59, v58  }
0x18b: {  	v17 =	vand.u32 $0x7F, v48;
	v60 =	vld.idx.msk [tilespmem:v44+s13+$0x0], $0xffff;
	v11 =	vand.u32 $0x400, v63;
	v9 =	vor.u32 v16, v9  }
0x18c: {  	v49 =	vld.idx.msk [tilespmem:v46+s13+$0x0], $0xffff;
	v11 =	vor.u32 v11, v17  }
0x18d: {  	v50 =	vld.idx.msk [tilespmem:v45+s13+$0x0], $0xffff;
	v11 =	vor.u32 v0, v11  }
0x18e: {  	v63 =	vld [tilespmem:$0xE0]  }
0x18f: {  	v51 =	vld.idx.msk [tilespmem:v12+s31+$0x0], $0xffff  }
0x190: {  	v55 =	vld.idx.msk [tilespmem:v9+s31+$0x0], $0xffff  }
0x191: {  	v58 =	vld.idx.msk [tilespmem:v9+s15+$0x0], $0xffff;
	v9 =	vshrl.u32 v21, $0x8  }
0x192: {  	v48 =	vld.idx.msk [tilespmem:v11+s31+$0x0], $0xffff;
	v25 =	vadd.s32 v18, v9  }
0x193: {  	v47 =	vld.idx.msk [tilespmem:v11+s15+$0x0], $0xffff;
	v11 =	vshrl.u32 v23, $0x8;
	v23 =	vshrl.u32 v63, $0x8;
	v14 =	vshll.u32 v25, $0x1  }
0x194: {  	v52 =	vld.idx.msk [tilespmem:v12+s15+$0x0], $0xffff;
	v63 =	vadd.s32 v19, v23;
	v17 =	vand.u32 $0x7, v9;
	v14 =	vand.u32 $0xFFFFFFF0, v14  }
0x195: {  	v59 =	vld.idx.msk [tilespmem:v8+s13+$0x0], $0xffff;
	v21 =	vadd.s32 v19, v11;
	[tilespmem:$0x83A0] =	vst v63;
	v12 =	vor.u32 v17, v14  }
0x196: {  	[tilespmem:$0x8390] =	vst v21;
	v14 =	vperm.xlane v12, v4  }
0x197: {  	v15 =	vshrl.u32 v15, $0x8;
	[tilespmem:$0x8300] =	vst v25;
	v17 =	vadd.s32 v18, v11  }
0x198: {  	v9 =	vadd.s32 v19, v9;
	[tilespmem:$0x8310] =	vst v17;
	v17 =	vperm.xlane v12, v7;
	v14 =	vadd.s32 v5, v14  }
0x199: {  	v21 =	vadd.s32 v18, v15;
	[tilespmem:$0x8380] =	vst v9  }
0x19a: {  	v63 =	vld [tilespmem:$0x170];
	v15 =	vadd.s32 v19, v15;
	[tilespmem:$0x8330] =	vst v21;
	v17 =	vadd.s32 v5, v17  }
0x19b: {  	v25 =	vadd.s32 v18, v23;
	v9 =	vld [tilespmem:$0x160];
	[tilespmem:$0x83B0] =	vst v15  }
0x19c: {  	[tilespmem:$0x8320] =	vst v25;
	v11 =	vld [tilespmem:$0x150]  }
0x19d: {  	v12 =	vld [tilespmem:$0x140];
	[tilespmem:s31], [sflag:$0x2] =	stream.indirect_vreg.gather [hbm4b:s1+s4], $0x80, v14, vm0, $0xb8  }
0x19e: {  	s30 =	simm.s32 $0x10C00  }
0x19f: {  	[tilespmem:s30], [sflag:$0x2] =	stream.indirect_vreg.gather [hbm4b:s1+s4], $0x80, v17, vm0, $0xb8;
	[tilespmem:$0x1A580] =	vst v63  }
0x1a0: {  	v14 =	vld [tilespmem:$0x8310];
	_ =	sdelay $0x4  }
0x1a1: {  	v23 =	vshll.u32 v14, $0x1  }
0x1a2: {  	v14 =	vand.u32 $0x7, v14;
	v15 =	vand.u32 $0xFFFFFFF0, v23  }
0x1a3: {  	v14 =	vor.u32 v14, v15  }
0x1a4: {  	v15 =	vperm.xlane v14, v4;
	_ =	sdelay $0x1  }
0x1a5: {  	v14 =	vperm.xlane v14, v7;
	v15 =	vadd.s32 v5, v15;
	_ =	sdelay $0x1  }
0x1a6: {  	v14 =	vadd.s32 v5, v14;
	_ =	sdelay $0x2  }
0x1a7: {  	[tilespmem:s7], [sflag:$0x2] =	stream.indirect_vreg.gather [hbm4b:s1+s4], $0x80, v15, vm0, $0xb8;
	[tilespmem:$0x1A580] =	vst v63  }
0x1a8: {  	_ = 	snop  }
0x1a9: {  	[tilespmem:s5], [sflag:$0x2] =	stream.indirect_vreg.gather [hbm4b:s1+s4], $0x80, v14, vm0, $0xb8;
	[tilespmem:$0x1A580] =	vst v63  }
0x1aa: {  	v14 =	vld [tilespmem:$0x8320];
	_ =	sdelay $0x4  }
0x1ab: {  	v25 =	vshll.u32 v14, $0x1  }
0x1ac: {  	v14 =	vand.u32 $0x7, v14;
	v15 =	vand.u32 $0xFFFFFFF0, v25  }
0x1ad: {  	v14 =	vor.u32 v14, v15  }
0x1ae: {  	v15 =	vperm.xlane v14, v4;
	_ =	sdelay $0x1  }
0x1af: {  	v14 =	vperm.xlane v14, v7;
	v15 =	vadd.s32 v5, v15;
	_ =	sdelay $0x1  }
0x1b0: {  	v14 =	vadd.s32 v5, v14;
	_ =	sdelay $0x1  }
0x1b1: {  	s9 =	simm.s32 $0x12400  }
0x1b2: {  	[tilespmem:s9], [sflag:$0x2] =	stream.indirect_vreg.gather [hbm4b:s1+s4], $0x80, v15, vm0, $0xb8;
	[tilespmem:$0x1A580] =	vst v63  }
0x1b3: {  	_ = 	snop  }
0x1b4: {  	[tilespmem:s6], [sflag:$0x2] =	stream.indirect_vreg.gather [hbm4b:s1+s4], $0x80, v14, vm0, $0xb8;
	[tilespmem:$0x1A580] =	vst v63  }
0x1b5: {  	v14 =	vld [tilespmem:$0x8330];
	_ =	sdelay $0x4  }
0x1b6: {  	v18 =	vshll.u32 v14, $0x1  }
0x1b7: {  	v14 =	vand.u32 $0x7, v14;
	v15 =	vand.u32 $0xFFFFFFF0, v18  }
0x1b8: {  	v14 =	vor.u32 v14, v15  }
0x1b9: {  	v15 =	vperm.xlane v14, v4;
	_ =	sdelay $0x1  }
0x1ba: {  	v14 =	vperm.xlane v14, v7;
	v15 =	vadd.s32 v5, v15;
	_ =	sdelay $0x1  }
0x1bb: {  	v14 =	vadd.s32 v5, v14;
	_ =	sdelay $0x2  }
0x1bc: {  	[tilespmem:s8], [sflag:$0x2] =	stream.indirect_vreg.gather [hbm4b:s1+s4], $0x80, v15, vm0, $0xb8;
	[tilespmem:$0x1A580] =	vst v63  }
0x1bd: {  	s12 =	simm.s32 $0x13C00  }
0x1be: {  	[tilespmem:s12], [sflag:$0x2] =	stream.indirect_vreg.gather [hbm4b:s1+s4], $0x80, v14, vm0, $0xb8;
	[tilespmem:$0x1A580] =	vst v63  }
0x1bf: {  	v14 =	vld [tilespmem:$0x8380];
	_ =	sdelay $0x4  }
0x1c0: {  	v19 =	vshll.u32 v14, $0x1  }
0x1c1: {  	v14 =	vand.u32 $0x7, v14;
	v15 =	vand.u32 $0xFFFFFFF0, v19  }
0x1c2: {  	v14 =	vor.u32 v14, v15  }
0x1c3: {  	v15 =	vperm.xlane v14, v4;
	_ =	sdelay $0x1  }
0x1c4: {  	v14 =	vperm.xlane v14, v7;
	v15 =	vadd.s32 v5, v15;
	_ =	sdelay $0x1  }
0x1c5: {  	v14 =	vadd.s32 v5, v14;
	_ =	sdelay $0x2  }
0x1c6: {  	[tilespmem:s15], [sflag:$0x2] =	stream.indirect_vreg.gather [hbm4b:s1+s4], $0x80, v15, vm0, $0xb8;
	[tilespmem:$0x1A580] =	vst v63  }
0x1c7: {  	s16 =	simm.s32 $0x14C00  }
0x1c8: {  	[tilespmem:s16], [sflag:$0x2] =	stream.indirect_vreg.gather [hbm4b:s1+s4], $0x80, v14, vm0, $0xb8;
	[tilespmem:$0x1A580] =	vst v63  }
0x1c9: {  	v14 =	vld [tilespmem:$0x8390];
	_ =	sdelay $0x4  }
0x1ca: {  	v21 =	vshll.u32 v14, $0x1  }
0x1cb: {  	v14 =	vand.u32 $0x7, v14;
	v15 =	vand.u32 $0xFFFFFFF0, v21  }
0x1cc: {  	v14 =	vor.u32 v14, v15  }
0x1cd: {  	v15 =	vperm.xlane v14, v4;
	_ =	sdelay $0x1  }
0x1ce: {  	v14 =	vperm.xlane v14, v7;
	v15 =	vadd.s32 v5, v15;
	_ =	sdelay $0x1  }
0x1cf: {  	v14 =	vadd.s32 v5, v14;
	_ =	sdelay $0x1  }
0x1d0: {  	s17 =	simm.s32 $0x15400  }
0x1d1: {  	[tilespmem:s17], [sflag:$0x2] =	stream.indirect_vreg.gather [hbm4b:s1+s4], $0x80, v15, vm0, $0xb8;
	[tilespmem:$0x1A580] =	vst v63  }
0x1d2: {  	s18 =	simm.s32 $0x15C00  }
0x1d3: {  	[tilespmem:s18], [sflag:$0x2] =	stream.indirect_vreg.gather [hbm4b:s1+s4], $0x80, v14, vm0, $0xb8;
	[tilespmem:$0x1A580] =	vst v63  }
0x1d4: {  	v14 =	vld [tilespmem:$0x83A0];
	_ =	sdelay $0x4  }
0x1d5: {  	v23 =	vshll.u32 v14, $0x1  }
0x1d6: {  	v14 =	vand.u32 $0x7, v14;
	v15 =	vand.u32 $0xFFFFFFF0, v23  }
0x1d7: {  	v14 =	vor.u32 v14, v15  }
0x1d8: {  	v15 =	vperm.xlane v14, v4;
	_ =	sdelay $0x1  }
0x1d9: {  	v14 =	vperm.xlane v14, v7;
	v15 =	vadd.s32 v5, v15;
	_ =	sdelay $0x1  }
0x1da: {  	v14 =	vadd.s32 v5, v14;
	_ =	sdelay $0x1  }
0x1db: {  	s25 =	simm.s32 $0x16400  }
0x1dc: {  	[tilespmem:s25], [sflag:$0x2] =	stream.indirect_vreg.gather [hbm4b:s1+s4], $0x80, v15, vm0, $0xb8;
	[tilespmem:$0x1A580] =	vst v63  }
0x1dd: {  	s26 =	simm.s32 $0x16C00  }
0x1de: {  	[tilespmem:s26], [sflag:$0x2] =	stream.indirect_vreg.gather [hbm4b:s1+s4], $0x80, v14, vm0, $0xb8;
	[tilespmem:$0x1A580] =	vst v63  }
0x1df: {  	v14 =	vld [tilespmem:$0x83B0];
	_ =	sdelay $0x4  }
0x1e0: {  	v25 =	vshll.u32 v14, $0x1  }
0x1e1: {  	v14 =	vand.u32 $0x7, v14;
	v15 =	vand.u32 $0xFFFFFFF0, v25  }
0x1e2: {  	v14 =	vor.u32 v14, v15  }
0x1e3: {  	v15 =	vperm.xlane v14, v4;
	_ =	sdelay $0x1  }
0x1e4: {  	v14 =	vperm.xlane v14, v7;
	v15 =	vadd.s32 v5, v15;
	_ =	sdelay $0x1  }
0x1e5: {  	v14 =	vadd.s32 v5, v14;
	_ =	sdelay $0x1  }
0x1e6: {  	s28 =	simm.s32 $0x17400  }
0x1e7: {  	[tilespmem:s28], [sflag:$0x2] =	stream.indirect_vreg.gather [hbm4b:s1+s4], $0x80, v15, vm0, $0xb8;
	[tilespmem:$0x1A580] =	vst v63  }
0x1e8: {  	_ = 	snop  }
0x1e9: {  	[tilespmem:s3], [sflag:$0x2] =	stream.indirect_vreg.gather [hbm4b:s1+s4], $0x80, v14, vm0, $0xb8;
	[tilespmem:$0x1A580] =	vst v63  }
0x1ea: {  	_ =	swait.ge [sflag:s21], $0x4000  }
0x1eb: {  	[sflag:s21] =	ssyncset.done $0x0  }
0x1ec: {  	[sflag:s21] =	ssyncadd.s32 $0xFFFFC000  }
0x1ed: {  	_ =	swait.ge [sflag:s21], $0x4000  }
0x1ee: {  	[sflag:s21] =	ssyncset.done $0x0  }
0x1ef: {  	v30 =	vsub.f32 v30, v38;
	v38 =	vsub.f32 v39, v42;
	v42 =	vcvt.s32.f32 v31;
	v31 =	vld [tilespmem:$0x1FE30];
	[sflag:s21] =	ssyncadd.s32 $0xFFFFC000  }
0x1f0: {  	v18 =	vld [tilespmem:$0x80]  }
0x1f1: {  	v35 =	vsub.f32 v35, v40;
	v21 =	vld [tilespmem:$0x90]  }
0x1f2: {  	v22 =	vld.idx.msk [tilespmem:v22+s24+$0x0], $0xffff  }
0x1f3: {  	v30 =	vand.u32 $0x7FFFFFFF, v30;
	v35 =	vand.u32 $0x7FFFFFFF, v35;
	v24 =	vld.idx.msk [tilespmem:v24+s24+$0x0], $0xffff  }
0x1f4: {  	v36 =	vsub.f32 v36, v41;
	v40 =	vcvt.s32.f32 v29;
	v30 =	vadd.f32 v35, v30;
	v26 =	vld.idx.msk [tilespmem:v26+s24+$0x0], $0xffff  }
0x1f5: {  	v35 =	vld.idx.msk [tilespmem:v27+s24+$0x0], $0xffff  }
0x1f6: {  	v38 =	vand.u32 $0x7FFFFFFF, v38;
	v36 =	vand.u32 $0x7FFFFFFF, v36;
	v30 =	vmul.f32 v40, v30;
	v41 =	vld.idx.msk [tilespmem:v28+s24+$0x0], $0xffff  }
0x1f7: {  	v36 =	vadd.f32 v36, v38;
	v62 =	vsub.f32 v56, v62;
	v38 =	vld [tilespmem:$0x1A0]  }
0x1f8: {  	v30 =	vadd.f32 $0.0e+00, v30;
	v27 =	vld [tilespmem:$0x1FE10]  }
0x1f9: {  	v61 =	vsub.f32 v53, v61;
	v53 =	vand.u32 $0x7FFFFFFF, v62;
	v62 =	vsub.f32 v52, v57;
	v28 =	vld [tilespmem:$0x1FE20]  }
0x1fa: {  	v52 =	vsub.f32 v58, v60;
	v58 =	vsub.f32 v48, v49;
	v34 =	vld.idx.msk [tilespmem:v34+s24+$0x0], $0xffff  }
0x1fb: {  	v60 =	vsub.f32 v47, v50;
	v29 =	vsub.f32 v31, v33;
	v33 =	vld [tilespmem:$0x1FE40]  }
0x1fc: {  	v47 =	vcvt.s32.f32 v63;
	v19 =	vshll.u32 v18, $0x3;
	v14 =	vand.u32 $0x7F, v18;
	v18 =	vld [tilespmem:$0xA0]  }
0x1fd: {  	v9 =	vcvt.s32.f32 v9;
	v23 =	vshll.u32 v21, $0x3;
	v17 =	vand.u32 $0x7F, v21;
	v21 =	vld [tilespmem:$0xB0]  }
0x1fe: {  	v11 =	vcvt.s32.f32 v11;
	v28 =	vsub.f32 v27, v28;
	v27 =	vld [tilespmem:$0x1FE50];
	v15 =	vand.u32 $0x400, v19  }
0x1ff: {  	v12 =	vcvt.s32.f32 v12;
	v14 =	vor.u32 v15, v14;
	v15 =	vand.u32 $0x400, v23;
	v23 =	vld [tilespmem:$0x180]  }
0x200: {  	v29 =	vand.u32 $0x7FFFFFFF, v29;
	v14 =	vor.u32 v10, v14;
	v15 =	vor.u32 v15, v17;
	v17 =	vld.idx.msk [tilespmem:v20+s24+$0x0], $0xffff  }
0x201: {  	v28 =	vand.u32 $0x7FFFFFFF, v28;
	v32 =	vsub.f32 v33, v32;
	v33 =	vmul.f32 v42, v36;
	v36 =	vld [tilespmem:$0x1FE60]  }
0x202: {  	v28 =	vadd.f32 v29, v28;
	v29 =	vld.idx.msk [tilespmem:v37+s24+$0x0], $0xffff;
	v15 =	vor.u32 v13, v15;
	v25 =	vshll.u32 v18, $0x3  }
0x203: {  	v37 =	vld [tilespmem:$0x1B0];
	v18 =	vand.u32 $0x7F, v18;
	v30 =	vadd.f32 v33, v30;
	v20 =	vand.u32 $0x400, v25  }
0x204: {  	v33 =	vcvt.s32.f32 v43;
	v43 =	vld [tilespmem:$0x1FE70];
	v25 =	vshll.u32 v21, $0x3;
	v18 =	vor.u32 v20, v18  }
0x205: {  	v21 =	vand.u32 $0x7F, v21;
	v25 =	vand.u32 $0x400, v25;
	v19 =	vld.idx.msk [tilespmem:v14+s2+$0x0], $0xffff;
	v18 =	vor.u32 v16, v18  }
0x206: {  	v28 =	vmul.f32 v33, v28;
	v14 =	vld.idx.msk [tilespmem:v14+s19+$0x0], $0xffff;
	v21 =	vor.u32 v25, v21;
	v27 =	vsub.f32 v27, v36  }
0x207: {  	v32 =	vand.u32 $0x7FFFFFFF, v32;
	v25 =	vld [tilespmem:$0x190];
	v36 =	vadd.f32 v42, v40;
	v21 =	vor.u32 v0, v21  }
0x208: {  	v23 =	vcvt.s32.f32 v23;
	v20 =	vld.idx.msk [tilespmem:v15+s2+$0x0], $0xffff;
	v28 =	vadd.f32 v28, v30;
	v27 =	vand.u32 $0x7FFFFFFF, v27  }
0x209: {  	v15 =	vld.idx.msk [tilespmem:v15+s19+$0x0], $0xffff;
	v30 =	vadd.f32 v33, v36;
	v36 =	vand.u32 $0x7FFFFFFF, v62;
	v27 =	vadd.f32 v27, v32  }
0x20a: {  	v32 =	vcvt.s32.f32 v43;
	v43 =	vand.u32 $0x7FFFFFFF, v61;
	v61 =	vsub.f32 v51, v54;
	v39 =	vld.idx.msk [tilespmem:v18+s2+$0x0], $0xffff  }
0x20b: {  	v51 =	vsub.f32 v55, v59;
	v56 =	vadd.f32 v53, v43;
	v43 =	vand.u32 $0x7FFFFFFF, v60;
	v18 =	vld.idx.msk [tilespmem:v18+s19+$0x0], $0xffff  }
0x20c: {  	v27 =	vmul.f32 v32, v27;
	v33 =	vand.u32 $0x7FFFFFFF, v61;
	v30 =	vadd.f32 v32, v30;
	v31 =	vld.idx.msk [tilespmem:v21+s2+$0x0], $0xffff  }
0x20d: {  	v32 =	vand.u32 $0x7FFFFFFF, v58;
	v17 =	vsub.f32 v19, v17;
	v14 =	vsub.f32 v14, v22;
	v21 =	vld.idx.msk [tilespmem:v21+s19+$0x0], $0xffff;
	_ =	swait.ge [sflag:s23], $0x4000  }
0x20e: {  	v55 =	vand.u32 $0x7FFFFFFF, v51;
	v54 =	vadd.f32 v36, v33;
	v32 =	vadd.f32 v43, v32;
	[sflag:s23] =	ssyncset.done $0x0  }
0x20f: {  	v25 =	vcvt.s32.f32 v25;
	v20 =	vsub.f32 v20, v24;
	v15 =	vsub.f32 v15, v26;
	[sflag:s23] =	ssyncadd.s32 $0xFFFFC000  }
0x210: {  	v43 =	vcvt.s32.f32 v38;
	v27 =	vadd.f32 v27, v28;
	v28 =	vmul.f32 v12, v56;
	_ =	swait.ge [sflag:s23], $0x4000  }
0x211: {  	v56 =	vand.u32 $0x7FFFFFFF, v52;
	v12 =	vadd.f32 v12, v30;
	v17 =	vand.u32 $0x7FFFFFFF, v17;
	[sflag:s23] =	ssyncset.done $0x0  }
0x212: {  	v14 =	vand.u32 $0x7FFFFFFF, v14;
	v57 =	vmul.f32 v11, v54;
	v49 =	vmul.f32 v47, v32;
	[sflag:s23] =	ssyncadd.s32 $0xFFFFC000  }
0x213: {  	v14 =	vadd.f32 v14, v17;
	v20 =	vand.u32 $0x7FFFFFFF, v20;
	v27 =	vadd.f32 v28, v27;
	v53 =	vld [tilespmem:$0xC0]  }
0x214: {  	v15 =	vand.u32 $0x7FFFFFFF, v15;
	v28 =	vadd.f32 v56, v55;
	v11 =	vadd.f32 v11, v12  }
0x215: {  	v14 =	vmul.f32 v23, v14;
	v36 =	vsub.f32 v39, v35;
	v18 =	vsub.f32 v18, v41;
	v62 =	vld [tilespmem:$0xD0]  }
0x216: {  	v27 =	vadd.f32 v57, v27;
	v28 =	vmul.f32 v9, v28;
	v9 =	vadd.f32 v9, v11;
	v51 =	vld [tilespmem:$0xE0]  }
0x217: {  	v31 =	vsub.f32 v31, v34;
	v21 =	vsub.f32 v21, v29;
	v57 =	vld [tilespmem:$0xF0];
	v18 =	vand.u32 $0x7FFFFFFF, v18  }
0x218: {  	v58 =	vld.idx.msk [tilespmem:v3+s24+$0x0], $0xffff;
	v48 =	vadd.f32 v28, v27;
	v9 =	vadd.f32 v47, v9;
	v59 =	vshll.u32 v53, $0x3  }
0x219: {  	v60 =	vld.idx.msk [tilespmem:v1+s24+$0x0], $0xffff;
	v21 =	vand.u32 $0x7FFFFFFF, v21;
	v61 =	vand.u32 $0x7F, v53;
	v33 =	vand.u32 $0x400, v59  }
0x21a: {  	v41 =	vld.idx.msk [tilespmem:v6+s24+$0x0], $0xffff;
	v9 =	vadd.f32 v23, v9;
	v50 =	vshll.u32 v62, $0x3;
	v40 =	vor.u32 v33, v61  }
0x21b: {  	v42 =	vld [tilespmem:$0x1D0];
	v52 =	vand.u32 $0x7F, v62;
	v53 =	vadd.f32 v49, v48;
	v30 =	vor.u32 v10, v40  }
0x21c: {  	v28 =	vand.u32 $0x7F, v51;
	v39 =	vshll.u32 v57, $0x3;
	v48 =	vld.idx.msk [tilespmem:v8+s24+$0x0], $0xffff;
	v19 =	vand.u32 $0x400, v50  }
0x21d: {  	v17 =	vand.u32 $0x7F, v57;
	v57 =	vld.idx.msk [tilespmem:v45+s24+$0x0], $0xffff;
	v59 =	vshll.u32 v51, $0x3;
	v54 =	vor.u32 v19, v52  }
0x21e: {  	v62 =	vadd.f32 v15, v20;
	v50 =	vld.idx.msk [tilespmem:v44+s24+$0x0], $0xffff;
	v26 =	vand.u32 $0x400, v59;
	v12 =	vor.u32 v13, v54  }
0x21f: {  	v9 =	vadd.f32 v25, v9;
	v49 =	vand.u32 $0x7FFFFFFF, v31;
	v61 =	vld [tilespmem:$0x1C0];
	v26 =	vor.u32 v26, v28  }
0x220: {  	v11 =	vadd.f32 v14, v53;
	v1 =	vor.u32 v16, v26;
	v26 =	vand.u32 $0x7FFFFFFF, v36;
	v55 =	vld.idx.msk [tilespmem:v30+s31+$0x0], $0xffff  }
0x221: {  	v14 =	vmul.f32 v25, v62;
	v18 =	vadd.f32 v18, v26;
	v56 =	vld.idx.msk [tilespmem:v30+s15+$0x0], $0xffff;
	v30 =	vand.u32 $0x400, v39  }
0x222: {  	v51 =	vcvt.s32.f32 v37;
	v21 =	vadd.f32 v21, v49;
	v40 =	vld.idx.msk [tilespmem:v2+s24+$0x0], $0xffff;
	v17 =	vor.u32 v30, v17  }
0x223: {  	v11 =	vadd.f32 v14, v11;
	v18 =	vmul.f32 v43, v18;
	v63 =	vld.idx.msk [tilespmem:v12+s31+$0x0], $0xffff;
	v17 =	vor.u32 v0, v17  }
0x224: {  	v12 =	vld.idx.msk [tilespmem:v12+s15+$0x0], $0xffff  }
0x225: {  	v9 =	vadd.f32 v43, v9;
	v21 =	vmul.f32 v51, v21;
	v20 =	vld.idx.msk [tilespmem:v1+s15+$0x0], $0xffff;
	v11 =	vadd.f32 v18, v11  }
0x226: {  	v47 =	vld.idx.msk [tilespmem:v1+s31+$0x0], $0xffff;
	v19 =	vsub.f32 v55, v58;
	v22 =	vsub.f32 v56, v60  }
0x227: {  	v9 =	vadd.f32 v51, v9;
	v11 =	vadd.f32 v21, v11;
	v56 =	vld.idx.msk [tilespmem:v46+s24+$0x0], $0xffff  }
0x228: {  	v15 =	vsub.f32 v63, v40;
	v52 =	vld.idx.msk [tilespmem:v17+s31+$0x0], $0xffff;
	v53 =	vand.u32 $0x7FFFFFFF, v19;
	v54 =	vand.u32 $0x7FFFFFFF, v22  }
0x229: {  	v55 =	vcvt.s32.f32 v61;
	v12 =	vsub.f32 v12, v41;
	v17 =	vld.idx.msk [tilespmem:v17+s15+$0x0], $0xffff;
	v14 =	vadd.f32 v54, v53  }
0x22a: {  	v58 =	vld [tilespmem:$0x1E0];
	v60 =	vcvt.s32.f32 v42;
	v20 =	vsub.f32 v20, v50;
	v15 =	vand.u32 $0x7FFFFFFF, v15  }
0x22b: {  	v61 =	vld [tilespmem:$0x1F0];
	v12 =	vand.u32 $0x7FFFFFFF, v12;
	v9 =	vadd.f32 v55, v9;
	v14 =	vmul.f32 v55, v14  }
0x22c: {  	v59 =	vsub.f32 v47, v48;
	v12 =	vadd.f32 v12, v15  }
0x22d: {  	v20 =	vand.u32 $0x7FFFFFFF, v20;
	v9 =	vadd.f32 v60, v9;
	v11 =	vadd.f32 v14, v11  }
0x22e: {  	v19 =	vsub.f32 v52, v56;
	v17 =	vsub.f32 v17, v57;
	v14 =	vand.u32 $0x7FFFFFFF, v59  }
0x22f: {  	v12 =	vmul.f32 v60, v12;
	v18 =	vcvt.s32.f32 v58;
	v14 =	vadd.f32 v20, v14  }
0x230: {  	v63 =	vcvt.s32.f32 v61;
	v62 =	vand.u32 $0x7FFFFFFF, v19;
	v17 =	vand.u32 $0x7FFFFFFF, v17  }
0x231: {  	v11 =	vadd.f32 v12, v11;
	v12 =	vadd.f32 v17, v62;
	v14 =	vmul.f32 v18, v14  }
0x232: {  	v9 =	vadd.f32 v18, v9  }
0x233: {  	v11 =	vadd.f32 v14, v11;
	v12 =	vmul.f32 v63, v12  }
0x234: {  	v9 =	vadd.f32 v63, v9  }
0x235: {  	v11 =	vadd.f32 v12, v11  }
0x236: {  	[tilespmem:$0x18480] =	vst v9  }
0x237: {  	s30 =	simm.s32 $0x18400;
	s29 =	rddreg [dreg:$0x7];
	[tilespmem:$0x18400] =	vst v11  }
0x238: {  	[hbm4b:s29+s4] =	stream.linear.scatter [tilespmem:s30], [sflag:$0x3], $0x100, $0x38;
	[tilespmem:$0x1A580] =	vst v63  }
.Ltmp2:
0x239: {  	_ =	swait.ge [sflag:s11], $0x100;
	(pc) =	sbr.rel @p0 .LBB2_3-.Ltmp2, $3  }
0x23a: {  	[sflag:s11] =	ssyncset.done $0x0  }
0x23b: {  	[sflag:s11] =	ssyncadd.s32 $0xFFFFFF00  }
0x23c: {  	[bflag:$0x0] =	sbarrier.arrive $0xFFFF;
	_ =	sdelay $0x1  }
0x23d: {  	s0 =	rddreg [dreg:$0x6];
	s2 =	simm.s32 $0x18500  }
0x23e: {  	[tilespmem:s2], [sflag:$0x3] =	stream.linear.gather [hbm4b:s0+s4], $0x2000, $0x38;
	[tilespmem:$0x1A580] =	vst v63  }
0x23f: {  	_ =	swait.ge [sflag:s11], $0x2000  }
0x240: {  	[sflag:s11] =	ssyncset.done $0x0  }
0x241: {  	[sflag:s11] =	ssyncadd.s32 $0xFFFFE000  }
0x242: {  	v9 =	vld [tilespmem:$0x18500]  }
0x243: {  	v11 =	vld [tilespmem:$0x18580]  }
0x244: {  	v12 =	vld [tilespmem:$0x18600]  }
0x245: {  	v14 =	vld [tilespmem:$0x18680]  }
0x246: {  	v15 =	vld [tilespmem:$0x18700]  }
0x247: {  	v17 =	vld [tilespmem:$0x18780];
	v9 =	vadd.f32 $0.0e+00, v9  }
0x248: {  	v18 =	vld [tilespmem:$0x18800];
	v11 =	vadd.f32 $0.0e+00, v11  }
0x249: {  	v51 =	vld [tilespmem:$0x18880];
	v9 =	vadd.f32 v12, v9  }
0x24a: {  	v52 =	vld [tilespmem:$0x18900];
	v11 =	vadd.f32 v14, v11  }
0x24b: {  	v53 =	vld [tilespmem:$0x18980];
	v9 =	vadd.f32 v15, v9  }
0x24c: {  	v54 =	vld [tilespmem:$0x18A00];
	v11 =	vadd.f32 v17, v11  }
0x24d: {  	v55 =	vld [tilespmem:$0x18A80];
	v9 =	vadd.f32 v18, v9  }
0x24e: {  	v56 =	vld [tilespmem:$0x18B00];
	v11 =	vadd.f32 v51, v11  }
0x24f: {  	v57 =	vld [tilespmem:$0x18B80];
	v9 =	vadd.f32 v52, v9  }
0x250: {  	v58 =	vld [tilespmem:$0x18C00];
	v11 =	vadd.f32 v53, v11  }
0x251: {  	v59 =	vld [tilespmem:$0x18C80];
	v9 =	vadd.f32 v54, v9  }
0x252: {  	v60 =	vld [tilespmem:$0x18D00];
	v11 =	vadd.f32 v55, v11  }
0x253: {  	v61 =	vld [tilespmem:$0x18D80];
	v9 =	vadd.f32 v56, v9  }
0x254: {  	v62 =	vld [tilespmem:$0x18E00];
	v11 =	vadd.f32 v57, v11  }
0x255: {  	v63 =	vld [tilespmem:$0x18E80];
	v9 =	vadd.f32 v58, v9  }
0x256: {  	v0 =	vld [tilespmem:$0x18F00];
	v11 =	vadd.f32 v59, v11  }
0x257: {  	v1 =	vld [tilespmem:$0x18F80];
	v9 =	vadd.f32 v60, v9  }
0x258: {  	v2 =	vld [tilespmem:$0x19000];
	v11 =	vadd.f32 v61, v11  }
0x259: {  	v21 =	vld [tilespmem:$0x19080];
	v9 =	vadd.f32 v62, v9  }
0x25a: {  	v22 =	vld [tilespmem:$0x19100];
	v11 =	vadd.f32 v63, v11  }
0x25b: {  	v23 =	vld [tilespmem:$0x19180];
	v9 =	vadd.f32 v0, v9  }
0x25c: {  	v24 =	vld [tilespmem:$0x19200];
	v11 =	vadd.f32 v1, v11  }
0x25d: {  	v25 =	vld [tilespmem:$0x19280];
	v9 =	vadd.f32 v2, v9  }
0x25e: {  	v26 =	vld [tilespmem:$0x19300];
	v11 =	vadd.f32 v21, v11  }
0x25f: {  	v27 =	vld [tilespmem:$0x19380];
	v9 =	vadd.f32 v22, v9  }
0x260: {  	v28 =	vld [tilespmem:$0x19400];
	v11 =	vadd.f32 v23, v11  }
0x261: {  	v29 =	vld [tilespmem:$0x19480];
	v9 =	vadd.f32 v24, v9  }
0x262: {  	v30 =	vld [tilespmem:$0x19500];
	v11 =	vadd.f32 v25, v11  }
0x263: {  	v31 =	vld [tilespmem:$0x19580];
	v9 =	vadd.f32 v26, v9  }
0x264: {  	v32 =	vld [tilespmem:$0x19600];
	v11 =	vadd.f32 v27, v11  }
0x265: {  	v33 =	vld [tilespmem:$0x19680];
	v9 =	vadd.f32 v28, v9  }
0x266: {  	v34 =	vld [tilespmem:$0x19700];
	v11 =	vadd.f32 v29, v11  }
0x267: {  	v35 =	vld [tilespmem:$0x19780];
	v9 =	vadd.f32 v30, v9  }
0x268: {  	v36 =	vld [tilespmem:$0x19800];
	v11 =	vadd.f32 v31, v11  }
0x269: {  	v37 =	vld [tilespmem:$0x19880];
	v9 =	vadd.f32 v32, v9  }
0x26a: {  	v38 =	vld [tilespmem:$0x19900];
	v11 =	vadd.f32 v33, v11  }
0x26b: {  	v39 =	vld [tilespmem:$0x19980];
	v9 =	vadd.f32 v34, v9  }
0x26c: {  	v40 =	vld [tilespmem:$0x19A00];
	v11 =	vadd.f32 v35, v11  }
0x26d: {  	v41 =	vld [tilespmem:$0x19A80];
	v9 =	vadd.f32 v36, v9  }
0x26e: {  	v42 =	vld [tilespmem:$0x19B00];
	v11 =	vadd.f32 v37, v11  }
0x26f: {  	v43 =	vld [tilespmem:$0x19B80];
	v9 =	vadd.f32 v38, v9  }
0x270: {  	v44 =	vld [tilespmem:$0x19C00];
	v11 =	vadd.f32 v39, v11  }
0x271: {  	v45 =	vld [tilespmem:$0x19C80];
	v9 =	vadd.f32 v40, v9  }
0x272: {  	v46 =	vld [tilespmem:$0x19D00];
	v11 =	vadd.f32 v41, v11  }
0x273: {  	v47 =	vld [tilespmem:$0x19D80];
	v9 =	vadd.f32 v42, v9  }
0x274: {  	v48 =	vld [tilespmem:$0x19E00];
	v11 =	vadd.f32 v43, v11  }
0x275: {  	v49 =	vld [tilespmem:$0x19E80];
	v9 =	vadd.f32 v44, v9  }
0x276: {  	v50 =	vld [tilespmem:$0x19F00];
	v11 =	vadd.f32 v45, v11  }
0x277: {  	v51 =	vld [tilespmem:$0x19F80];
	v9 =	vadd.f32 v46, v9  }
0x278: {  	v52 =	vld [tilespmem:$0x1A000];
	v11 =	vadd.f32 v47, v11  }
0x279: {  	v53 =	vld [tilespmem:$0x1A080];
	v9 =	vadd.f32 v48, v9  }
0x27a: {  	v54 =	vld [tilespmem:$0x1A100];
	v11 =	vadd.f32 v49, v11  }
0x27b: {  	v55 =	vld [tilespmem:$0x1A180];
	v9 =	vadd.f32 v50, v9  }
0x27c: {  	v56 =	vld [tilespmem:$0x1A200];
	v11 =	vadd.f32 v51, v11  }
0x27d: {  	v57 =	vld [tilespmem:$0x1A280];
	v9 =	vadd.f32 v52, v9  }
0x27e: {  	v58 =	vld [tilespmem:$0x1A300];
	v11 =	vadd.f32 v53, v11  }
0x27f: {  	v59 =	vld [tilespmem:$0x1A380];
	v9 =	vadd.f32 v54, v9  }
0x280: {  	v60 =	vld [tilespmem:$0x1A400];
	v11 =	vadd.f32 v55, v11  }
0x281: {  	v61 =	vld [tilespmem:$0x1A480];
	v9 =	vadd.f32 v56, v9  }
0x282: {  	v11 =	vadd.f32 v57, v11  }
0x283: {  	v9 =	vadd.f32 v58, v9  }
0x284: {  	v11 =	vadd.f32 v59, v11  }
0x285: {  	v9 =	vadd.f32 v60, v9  }
0x286: {  	v11 =	vadd.f32 v61, v11  }
0x287: {  	(v2sf) =	vpush v9, $0x0  }
0x288: {  	(v2sf) =	vpush v11, $0x0  }
0x289: {  	(v2sf) =	vpush v9, $0x1  }
0x28a: {  	(v2sf) =	vpush v11, $0x1  }
0x28b: {  	(v2sf) =	vpush v9, $0x2  }
0x28c: {  	(v2sf) =	vpush v11, $0x2  }
0x28d: {  	(v2sf) =	vpush v9, $0x3  }
0x28e: {  	(v2sf) =	vpush v11, $0x3  }
0x28f: {  	(v2sf) =	vpush v9, $0x4  }
0x290: {  	(v2sf) =	vpush v11, $0x4  }
0x291: {  	(v2sf) =	vpush v9, $0x5  }
0x292: {  	(v2sf) =	vpush v11, $0x5  }
0x293: {  	(v2sf) =	vpush v9, $0x6  }
0x294: {  	(v2sf) =	vpush v11, $0x6  }
0x295: {  	(v2sf) =	vpush v9, $0x7  }
0x296: {  	s25 =	spop (v2sf);
	(v2sf) =	vpush v11, $0x7  }
0x297: {  	s26 =	spop (v2sf);
	(v2sf) =	vpush v9, $0x8  }
0x298: {  	s28 =	spop (v2sf);
	(v2sf) =	vpush v11, $0x8  }
0x299: {  	s29 =	spop (v2sf);
	(v2sf) =	vpush v9, $0x9  }
0x29a: {  	s26 =	sadd.f32 s29, s26;
	s29 =	spop (v2sf);
	(v2sf) =	vpush v11, $0x9  }
0x29b: {  	s30 =	spop (v2sf);
	(v2sf) =	vpush v9, $0xA  }
0x29c: {  	s26 =	sadd.f32 s26, s30;
	s30 =	spop (v2sf);
	(v2sf) =	vpush v11, $0xA  }
0x29d: {  	s17 =	spop (v2sf);
	(v2sf) =	vpush v9, $0xB  }
0x29e: {  	s2 =	sadd.f32 s26, s17;
	s26 =	spop (v2sf);
	(v2sf) =	vpush v11, $0xB  }
0x29f: {  	s18 =	spop (v2sf);
	(v2sf) =	vpush v9, $0xC  }
0x2a0: {  	s0 =	sadd.f32 s2, s18;
	s2 =	spop (v2sf);
	(v2sf) =	vpush v11, $0xC  }
0x2a1: {  	s3 =	spop (v2sf);
	(v2sf) =	vpush v9, $0xD  }
0x2a2: {  	s0 =	sadd.f32 s0, s3;
	s3 =	spop (v2sf);
	(v2sf) =	vpush v11, $0xD  }
0x2a3: {  	s5 =	spop (v2sf);
	(v2sf) =	vpush v9, $0xE  }
0x2a4: {  	s0 =	sadd.f32 s0, s5;
	s5 =	spop (v2sf);
	(v2sf) =	vpush v11, $0xE  }
0x2a5: {  	s12 =	spop (v2sf);
	(v2sf) =	vpush v9, $0xF  }
0x2a6: {  	s0 =	sadd.f32 s0, s12;
	s12 =	spop (v2sf);
	(v2sf) =	vpush v11, $0xF  }
0x2a7: {  	s6 =	spop (v2sf)  }
0x2a8: {  	s7 =	spop (v2sf);
	s0 =	sadd.f32 s0, s6  }
0x2a9: {  	s19 =	spop (v2sf)  }
0x2aa: {  	s8 =	spop (v2sf);
	s0 =	sadd.f32 s0, s19  }
0x2ab: {  	s9 =	spop (v2sf)  }
0x2ac: {  	s16 =	spop (v2sf);
	s0 =	sadd.f32 s0, s9  }
0x2ad: {  	s17 =	spop (v2sf)  }
0x2ae: {  	s9 =	spop (v2sf);
	s0 =	sadd.f32 s0, s17  }
0x2af: {  	s18 =	spop (v2sf)  }
0x2b0: {  	s17 =	spop (v2sf);
	s0 =	sadd.f32 s0, s18  }
0x2b1: {  	s19 =	spop (v2sf)  }
0x2b2: {  	s18 =	spop (v2sf);
	s0 =	sadd.f32 s0, s19  }
0x2b3: {  	s19 =	spop (v2sf)  }
0x2b4: {  	s0 =	sadd.f32 s0, s19;
	s6 =	spop (v2sf)  }
0x2b5: {  	s25 =	sadd.f32 s28, s25;
	s19 =	spop (v2sf)  }
0x2b6: {  	s0 =	sadd.f32 s0, s19  }
0x2b7: {  	s25 =	sadd.f32 s25, s29  }
0x2b8: {  	s0 =	sadd.f32 s0, s0  }
0x2b9: {  	s25 =	sadd.f32 s25, s30  }
0x2ba: {  	s0 =	sadd.f32 $9.999999740e-05, s0  }
0x2bb: {  	s25 =	sadd.f32 s25, s26  }
0x2bc: {  	v62 =	vmov s0  }
0x2bd: {  	s2 =	sadd.f32 s25, s2;
	(erf) = vrcp.f32 v62;
	_ =	sdelay $0x1  }
0x2be: {  	s2 =	sadd.f32 s2, s3;
	_ =	sdelay $0x1  }
0x2bf: {  	s2 =	sadd.f32 s2, s5;
	_ =	sdelay $0x1  }
0x2c0: {  	s2 =	sadd.f32 s2, s12;
	_ =	sdelay $0x1  }
0x2c1: {  	s2 =	sadd.f32 s2, s7  }
0x2c2: {  	v9 =	vpop (erf)  }
0x2c3: {  	s2 =	sadd.f32 s2, s8;
	v63 =	vmul.f32 s0, v9;
	_ =	sdelay $0x1  }
0x2c4: {  	s2 =	sadd.f32 s2, s16;
	v11 =	vsub.f32 $2.000000000e+00, v63;
	_ =	sdelay $0x1  }
0x2c5: {  	s2 =	sadd.f32 s2, s9;
	v9 =	vmul.f32 v11, v9;
	_ =	sdelay $0x1  }
0x2c6: {  	s2 =	sadd.f32 s2, s17;
	v11 =	vmul.f32 s0, v9;
	_ =	sdelay $0x1  }
0x2c7: {  	s28 =	sadd.f32 s2, s18;
	v11 =	vsub.f32 $2.000000000e+00, v11;
	_ =	sdelay $0x1  }
0x2c8: {  	s0 =	sadd.f32 s28, s6;
	v9 =	vmul.f32 v11, v9;
	_ =	sdelay $0x1  }
0x2c9: {  	v9 =	vmul.f32 s0, v9;
	_ =	sdelay $0x1  }
.Ltmp3:
0x2ca: {  	s29 =	rddreg [dreg:$0x4];
	s30 =	simm.s32 $0x1A500;
	[tilespmem:$0x1A500] =	vst v9;
	(pc) =	sbr.rel .LBB2_3-.Ltmp3, $4  }
0x2cb: {  	[hbm4b:s29+s4] =	stream.linear.scatter [tilespmem:s30], [sflag:$0x3], $0x80, $0x38;
	[tilespmem:$0x1A580] =	vst v63  }
0x2cc: {  	_ =	swait.ge [sflag:s11], $0x80  }
0x2cd: {  	[sflag:s11] =	ssyncset.done $0x0  }
0x2ce: {  	s2 =	simm.s32 $0x8400;
	s19 =	simm.s32 $0xC400;
	[sflag:s11] =	ssyncadd.s32 $0xFFFFFF80  }
.LBB2_4:
0x2cf: {  	_ =	sfence.sel $0x180000  }
0x2d0: {  	[bflag:$0x0] =	sbarrier.arrive $0xFFFF  }
0x2d1: {  	_ =	strace $0x90000047  }
0x2d2: {  	s0 =	stileid.u32;
	[bflag:$0x2] =	sbarrier.arrive $0xFFFF  }
0x2d3: {  	p0 =	sne.s32 s0, $0x0;
	s0 =	rddreg [dreg:$0x5]  }
0x2d4: {  	s0 =	sadd.s32 @!p0 $0x100000, s0  }
0x2d5: {  	[sflag:s0] =	ssyncadd.tile.s32 @!p0 $0x1;
	_ =	shalt  }
.Lfunc_end2:
_tile_overlayer_lowered:
.L_overlay_start_2:
0x2d6: {  	(tag) =	ssettag $0x2  }
0x2d7: {  	s0 =	rddreg [dreg:$0x0];
	s2 =	stileid.u32  }
0x2d8: {  	s1 =	rddreg [dreg:$0x1];
	p0 =	sne.s32 s2, $0x0  }
0x2d9: {  	s3 =	rddreg [dreg:$0x2];
	[bflag:$0x3] =	sbarrier.arrive $0xFFFF;
	s2 =	simm.s32 @!p0 $0x1C03  }
0x2da: {  	[timem:s3], [sflag:s2] =	dma.local @!p0 [hbm:s0], s1  }
0x2db: {  	s0 =	simm.s32 @!p0 $0x3  }
0x2dc: {  	_ =	swait.ge @!p0 [sflag:s0], s1  }
0x2dd: {  	s1 =	ssub.s32 @!p0 $0x0, s1;
	[sflag:s0] =	ssyncset.done @!p0 $0x0  }
0x2de: {  	[sflag:s0] =	ssyncadd.s32 @!p0 s1  }
0x2df: {  	[bflag:$0x3] =	sbarrier.arrive $0xFFFF  }
0x2e0: {  	_ =	shalt  }

</sc_bundles>
